<compile_context>
chip_gen: v7x
topology: tpu7x:2x2x1
jax: 0.10.2.dev20260603
libtpu: 0.0.44.dev20260713+nightly
codegen_flags: <defaults>
</compile_context>

<pallas_src>
import functools

import jax
import jax.numpy as jnp
from jax import lax
from jax.experimental import pallas as pl
from jax.experimental.pallas import tpu as pltpu
from jax.experimental.pallas import tpu_sc as plsc

_NC = 2
_NS = 16
_NW = _NC * _NS
_L = 16


def _softplus_body(x_ref, o_ref):
    o_ref[...] = jax.nn.softplus(x_ref[...] - 1.0)


@functools.lru_cache(maxsize=None)
def _make_scatter(M, N, D):
    ppw = N // _NW
    blk = min(128, ppw)
    chunks = ppw // blk
    nbuf = 4
    assert chunks % nbuf == 0 and chunks // nbuf >= 2
    mesh = plsc.VectorSubcoreMesh(core_axis_name="c", subcore_axis_name="s",
                                  num_cores=_NC, num_subcores=_NS)

    @functools.partial(
        pl.kernel,
        mesh=mesh,
        compiler_params=pltpu.CompilerParams(needs_layout_passes=False),
        scratch_types=[
            pltpu.VMEM((chunks, blk), jnp.int32),
            pltpu.VMEM((chunks, blk), jnp.float32),
            [pltpu.VMEM((D, blk), jnp.float32) for _ in range(nbuf)],
            [pltpu.VMEM((blk, 128), jnp.float32) for _ in range(nbuf)],
            pltpu.SemaphoreType.DMA,
            [pltpu.SemaphoreType.DMA for _ in range(nbuf)],
            [pltpu.SemaphoreType.DMA for _ in range(nbuf)],
        ],
    )
    def scatter(idx_hbm, sp_hbm, vt_hbm, out_hbm,
                idx_all, sp_all, slab_vs, rows_vs, pre_sem, in_sems, out_sems):
        wid = lax.axis_index("s") * _NC + lax.axis_index("c")
        base = wid * ppw
        row0 = wid * chunks

        pre = (
            pltpu.make_async_copy(idx_hbm.at[pl.ds(row0, chunks), :],
                                  idx_all, pre_sem),
            pltpu.make_async_copy(sp_hbm.at[pl.ds(row0, chunks), :],
                                  sp_all, pre_sem),
        )
        for d in pre:
            d.start()

        def load_descs(c, j):
            p0 = pl.multiple_of(base + c * blk, blk)
            return (
                pltpu.make_async_copy(vt_hbm.at[:, pl.ds(p0, blk)], slab_vs[j],
                                      in_sems[j]),
            )

        def start_load(c, j):
            for d in load_descs(c, j):
                d.start()

        def wait_load(c, j):
            for d in load_descs(c, j):
                d.wait()

        def scatter_desc(c, j):
            return pltpu.make_async_copy(rows_vs[j],
                                         out_hbm.at[idx_all.at[c]],
                                         out_sems[j])

        def assemble(c, j):
            rows_v = rows_vs[j]
            slab_v = slab_vs[j]
            lanes = lax.iota(jnp.int32, _L)
            for g in range(blk // _L):
                plsc.store_scatter(
                    rows_v, [lanes + g * _L, jnp.zeros((_L,), jnp.int32)],
                    sp_all[c, pl.ds(g * _L, _L)])
            def shift(s, carry):
                svec = lax.rem(lanes + s, jnp.int32(_L))
                for c0 in range(0, D, _L):
                    cvec = svec + c0
                    cvec1 = svec + (c0 + 1)
                    for p0 in range(0, blk, _L):
                        pvec = lanes + p0
                        v = plsc.load_gather(slab_v, [cvec, pvec])
                        plsc.store_scatter(rows_v, [pvec, cvec1], v)
                return carry

            lax.fori_loop(0, _L, shift, 0)

        for j in range(nbuf):
            start_load(j, j)
        for d in pre:
            d.wait()

        def group(g, carry):
            c0 = g * nbuf
            for j in range(nbuf):
                wait_load(c0 + j, j)

                @pl.when(g > 0)
                def _():
                    scatter_desc(c0 - nbuf + j, j).wait()

                assemble(c0 + j, j)
                scatter_desc(c0 + j, j).start()

                @pl.when(c0 + j + nbuf < chunks)
                def _():
                    start_load(c0 + j + nbuf, j)

            return carry

        lax.fori_loop(0, chunks // nbuf, group, 0)
        for j in range(nbuf):
            scatter_desc(chunks - nbuf + j, j).wait()

    return scatter


def kernel(mem, idx, shape_raw, val):
    M, D = mem.shape
    N = idx.shape[0]
    sp2d = pl.pallas_call(
        _softplus_body,
        out_shape=jax.ShapeDtypeStruct((N // 128, 128), jnp.float32),
    )(shape_raw.reshape(N // 128, 128))
    vt = val.T
    out_ref = jax.new_ref(jnp.zeros((M, 128), jnp.float32))
    _make_scatter(M, N, D)(idx.reshape(N // 128, 128), sp2d, vt, out_ref)
    return out_ref[...][:, : D + 1]

# --- scband reference (transcript-rebuilt; emitter-appended) ---
"""Pipeline reference for scband-field-62706522522369 (READ-ONLY COPY).

The authoritative reference and input builder live on the scoring server;
editing this copy changes nothing except your own understanding.
"""

import jax, jax.numpy as jnp
import numpy as np

M = 524288
N = 262144
D = 64

def setup_inputs(seed: int = 0) -> dict:
    key = jax.random.key(seed)
    k1, k2, k3 = jax.random.split(key, 3)
    # Destination memory (zeros background, matching nerf=True scatter_shape/scatter semantics)
    mem = jnp.zeros((M, D), dtype=jnp.float32)
    # Unique sorted valid-point destinations (masked_scatter positions are unique & ordered)
    idx = jnp.sort(jax.random.permutation(k1, M)[:N]).astype(jnp.int32)
    shape_raw = jax.random.normal(k2, (N, 1), dtype=jnp.float32)
    val = jax.random.normal(k3, (N, D), dtype=jnp.float32)
    return {"mem": mem, "idx": idx, "shape_raw": shape_raw, "val": val}

def reference(mem, idx, shape_raw, val):
    # shape_act for nerf=True: softplus(x - 1) applied to per-valid-point shape values
    shape = jax.nn.softplus(shape_raw - 1.0)
    # Field.scatter_shape: res = zeros_like(mask); res.masked_scatter_(mask, shape)
    shape_out = jnp.zeros((mem.shape[0], 1), dtype=mem.dtype).at[idx].set(shape)
    # Field.scatter: res = zeros(out_shape); res.masked_scatter_(mask, source)
    feat_out = mem.at[idx].set(val)
    return jnp.concatenate([shape_out, feat_out], axis=-1)

if __name__ == "__main__":
    import jax
    _d = setup_inputs()
    print(jax.jit(kernel)(*tuple(_d.values())))

</pallas_src>

<mosaic_0001>
#map = affine_map<(d0, d1) -> (0, 0)>
module attributes {stable_mosaic.version = 14 : i64} {
  func.func @new_body(%arg0: i32, %arg1: i32, %arg2: memref<2048x128xi32, #tpu.memory_space<hbm>>, %arg3: memref<2048x128xf32, #tpu.memory_space<hbm>>, %arg4: memref<64x262144xf32, #tpu.memory_space<hbm>>, %arg5: memref<524288x128xf32, #tpu.memory_space<hbm>>, %arg6: memref<524288x128xf32, #tpu.memory_space<hbm>>, %arg7: memref<64x128xi32, #tpu.memory_space<vmem>>, %arg8: memref<64x128xf32, #tpu.memory_space<vmem>>, %arg9: memref<64x128xf32, #tpu.memory_space<vmem>>, %arg10: memref<64x128xf32, #tpu.memory_space<vmem>>, %arg11: memref<64x128xf32, #tpu.memory_space<vmem>>, %arg12: memref<64x128xf32, #tpu.memory_space<vmem>>, %arg13: memref<128x128xf32, #tpu.memory_space<vmem>>, %arg14: memref<128x128xf32, #tpu.memory_space<vmem>>, %arg15: memref<128x128xf32, #tpu.memory_space<vmem>>, %arg16: memref<128x128xf32, #tpu.memory_space<vmem>>, %arg17: memref<!tpu.dma_semaphore, #tpu.memory_space<semaphore_mem>>, %arg18: memref<!tpu.dma_semaphore, #tpu.memory_space<semaphore_mem>>, %arg19: memref<!tpu.dma_semaphore, #tpu.memory_space<semaphore_mem>>, %arg20: memref<!tpu.dma_semaphore, #tpu.memory_space<semaphore_mem>>, %arg21: memref<!tpu.dma_semaphore, #tpu.memory_space<semaphore_mem>>, %arg22: memref<!tpu.dma_semaphore, #tpu.memory_space<semaphore_mem>>, %arg23: memref<!tpu.dma_semaphore, #tpu.memory_space<semaphore_mem>>, %arg24: memref<!tpu.dma_semaphore, #tpu.memory_space<semaphore_mem>>, %arg25: memref<!tpu.dma_semaphore, #tpu.memory_space<semaphore_mem>>) attributes {dimension_semantics = [#tpu.dimension_semantics<core_parallel>, #tpu.dimension_semantics<subcore_parallel>], iteration_bounds = array<i64: 2, 16>, scalar_prefetch = 0 : i64, scratch_operands = 19 : i64, tpu.core_type = #tpu.core_type<sc_vector_subcore>, window_params = [{transform_indices = #map}, {transform_indices = #map}, {transform_indices = #map}, {transform_indices = #map}, {transform_indices = #map}]} {
    %mul3A = arith.constant 2 : i32
    %mul3A_0 = arith.muli %arg1, %mul3A : i32
    %add3A = arith.addi %mul3A_0, %arg0 : i32
    %mul3A_1 = arith.constant 8192 : i32
    %mul3A_2 = arith.muli %add3A, %mul3A_1 : i32
    %mul3A_3 = arith.constant 64 : i32
    %mul3A_4 = arith.muli %add3A, %mul3A_3 : i32
    %dma_start3A = arith.constant 0 : i32
    %dma_start3A_5 = tpu.memref_slice %arg2[%mul3A_4, %dma_start3A] : memref<2048x128xi32, #tpu.memory_space<hbm>> -> memref<64x128xi32, #tpu.memory_space<hbm>>
    %dma_start3A_6 = arith.constant 0 : i32
    %dma_start3A_7 = tpu.memref_slice %arg2[%mul3A_4, %dma_start3A_6] : memref<2048x128xi32, #tpu.memory_space<hbm>> -> memref<64x128xi32, #tpu.memory_space<hbm>>
    tpu.enqueue_dma source(%dma_start3A_7 : memref<64x128xi32, #tpu.memory_space<hbm>>) target(%arg7 : memref<64x128xi32, #tpu.memory_space<vmem>>) target_semaphore(%arg17 : memref<!tpu.dma_semaphore, #tpu.memory_space<semaphore_mem>>)
    %dma_start3A_8 = arith.constant 0 : i32
    %dma_start3A_9 = tpu.memref_slice %arg3[%mul3A_4, %dma_start3A_8] : memref<2048x128xf32, #tpu.memory_space<hbm>> -> memref<64x128xf32, #tpu.memory_space<hbm>>
    %dma_start3A_10 = arith.constant 0 : i32
    %dma_start3A_11 = tpu.memref_slice %arg3[%mul3A_4, %dma_start3A_10] : memref<2048x128xf32, #tpu.memory_space<hbm>> -> memref<64x128xf32, #tpu.memory_space<hbm>>
    tpu.enqueue_dma source(%dma_start3A_11 : memref<64x128xf32, #tpu.memory_space<hbm>>) target(%arg8 : memref<64x128xf32, #tpu.memory_space<vmem>>) target_semaphore(%arg17 : memref<!tpu.dma_semaphore, #tpu.memory_space<semaphore_mem>>)
    %add3A_12 = arith.constant 0 : i32
    %add3A_13 = arith.addi %mul3A_2, %add3A_12 : i32
    %multiple_of3A = tpu.assume_multiple %add3A_13, 128 : i32
    %dma_start3A_14 = arith.constant 0 : i32
    %dma_start3A_15 = tpu.memref_slice %arg4[%dma_start3A_14, %multiple_of3A] : memref<64x262144xf32, #tpu.memory_space<hbm>> -> memref<64x128xf32, #tpu.memory_space<hbm>>
    %dma_start3A_16 = arith.constant 0 : i32
    %dma_start3A_17 = tpu.memref_slice %arg4[%dma_start3A_16, %multiple_of3A] : memref<64x262144xf32, #tpu.memory_space<hbm>> -> memref<64x128xf32, #tpu.memory_space<hbm>>
    tpu.enqueue_dma source(%dma_start3A_17 : memref<64x128xf32, #tpu.memory_space<hbm>>) target(%arg9 : memref<64x128xf32, #tpu.memory_space<vmem>>) target_semaphore(%arg18 : memref<!tpu.dma_semaphore, #tpu.memory_space<semaphore_mem>>)
    %add3A_18 = arith.constant 128 : i32
    %add3A_19 = arith.addi %mul3A_2, %add3A_18 : i32
    %multiple_of3A_20 = tpu.assume_multiple %add3A_19, 128 : i32
    %dma_start3A_21 = arith.constant 0 : i32
    %dma_start3A_22 = tpu.memref_slice %arg4[%dma_start3A_21, %multiple_of3A_20] : memref<64x262144xf32, #tpu.memory_space<hbm>> -> memref<64x128xf32, #tpu.memory_space<hbm>>
    %dma_start3A_23 = arith.constant 0 : i32
    %dma_start3A_24 = tpu.memref_slice %arg4[%dma_start3A_23, %multiple_of3A_20] : memref<64x262144xf32, #tpu.memory_space<hbm>> -> memref<64x128xf32, #tpu.memory_space<hbm>>
    tpu.enqueue_dma source(%dma_start3A_24 : memref<64x128xf32, #tpu.memory_space<hbm>>) target(%arg10 : memref<64x128xf32, #tpu.memory_space<vmem>>) target_semaphore(%arg19 : memref<!tpu.dma_semaphore, #tpu.memory_space<semaphore_mem>>)
    %add3A_25 = arith.constant 256 : i32
    %add3A_26 = arith.addi %mul3A_2, %add3A_25 : i32
    %multiple_of3A_27 = tpu.assume_multiple %add3A_26, 128 : i32
    %dma_start3A_28 = arith.constant 0 : i32
    %dma_start3A_29 = tpu.memref_slice %arg4[%dma_start3A_28, %multiple_of3A_27] : memref<64x262144xf32, #tpu.memory_space<hbm>> -> memref<64x128xf32, #tpu.memory_space<hbm>>
    %dma_start3A_30 = arith.constant 0 : i32
    %dma_start3A_31 = tpu.memref_slice %arg4[%dma_start3A_30, %multiple_of3A_27] : memref<64x262144xf32, #tpu.memory_space<hbm>> -> memref<64x128xf32, #tpu.memory_space<hbm>>
    tpu.enqueue_dma source(%dma_start3A_31 : memref<64x128xf32, #tpu.memory_space<hbm>>) target(%arg11 : memref<64x128xf32, #tpu.memory_space<vmem>>) target_semaphore(%arg20 : memref<!tpu.dma_semaphore, #tpu.memory_space<semaphore_mem>>)
    %add3A_32 = arith.constant 384 : i32
    %add3A_33 = arith.addi %mul3A_2, %add3A_32 : i32
    %multiple_of3A_34 = tpu.assume_multiple %add3A_33, 128 : i32
    %dma_start3A_35 = arith.constant 0 : i32
    %dma_start3A_36 = tpu.memref_slice %arg4[%dma_start3A_35, %multiple_of3A_34] : memref<64x262144xf32, #tpu.memory_space<hbm>> -> memref<64x128xf32, #tpu.memory_space<hbm>>
    %dma_start3A_37 = arith.constant 0 : i32
    %dma_start3A_38 = tpu.memref_slice %arg4[%dma_start3A_37, %multiple_of3A_34] : memref<64x262144xf32, #tpu.memory_space<hbm>> -> memref<64x128xf32, #tpu.memory_space<hbm>>
    tpu.enqueue_dma source(%dma_start3A_38 : memref<64x128xf32, #tpu.memory_space<hbm>>) target(%arg12 : memref<64x128xf32, #tpu.memory_space<vmem>>) target_semaphore(%arg21 : memref<!tpu.dma_semaphore, #tpu.memory_space<semaphore_mem>>)
    %dma_wait3A = arith.constant 0 : i32
    %dma_wait3A_39 = tpu.memref_slice %arg2[%mul3A_4, %dma_wait3A] : memref<2048x128xi32, #tpu.memory_space<hbm>> -> memref<64x128xi32, #tpu.memory_space<hbm>>
    %dma_wait3A_40 = arith.constant 0 : i32
    %dma_wait3A_41 = tpu.memref_slice %arg2[%mul3A_4, %dma_wait3A_40] : memref<2048x128xi32, #tpu.memory_space<hbm>> -> memref<64x128xi32, #tpu.memory_space<hbm>>
    tpu.wait_dma2 semaphore(%arg17 : memref<!tpu.dma_semaphore, #tpu.memory_space<semaphore_mem>>) src(%dma_wait3A_41 : memref<64x128xi32, #tpu.memory_space<hbm>>) dst(%arg7 : memref<64x128xi32, #tpu.memory_space<vmem>>)
    %dma_wait3A_42 = arith.constant 0 : i32
    %dma_wait3A_43 = tpu.memref_slice %arg3[%mul3A_4, %dma_wait3A_42] : memref<2048x128xf32, #tpu.memory_space<hbm>> -> memref<64x128xf32, #tpu.memory_space<hbm>>
    %dma_wait3A_44 = arith.constant 0 : i32
    %dma_wait3A_45 = tpu.memref_slice %arg3[%mul3A_4, %dma_wait3A_44] : memref<2048x128xf32, #tpu.memory_space<hbm>> -> memref<64x128xf32, #tpu.memory_space<hbm>>
    tpu.wait_dma2 semaphore(%arg17 : memref<!tpu.dma_semaphore, #tpu.memory_space<semaphore_mem>>) src(%dma_wait3A_45 : memref<64x128xf32, #tpu.memory_space<hbm>>) dst(%arg8 : memref<64x128xf32, #tpu.memory_space<vmem>>)
    %scan3A = arith.constant 0 : i32
    %scan3A_46 = arith.constant 0 : i32
    %scan3A_47 = arith.constant 16 : i32
    %scan3A_48 = arith.addi %scan3A_46, %scan3A_47 : i32
    %scan3A_49 = arith.constant 1 : i32
    scf.for %scan3A_79 = %scan3A_46 to %scan3A_48 step %scan3A_49  : i32 {
      %mul3A_80 = arith.constant 4 : i32
      %mul3A_81 = arith.muli %scan3A_79, %mul3A_80 : i32
      %add3A_82 = arith.constant 0 : i32
      %add3A_83 = arith.addi %mul3A_81, %add3A_82 : i32
      %mul3A_84 = arith.constant 128 : i32
      %mul3A_85 = arith.muli %add3A_83, %mul3A_84 : i32
      %add3A_86 = arith.addi %mul3A_2, %mul3A_85 : i32
      %multiple_of3A_87 = tpu.assume_multiple %add3A_86, 128 : i32
      %dma_wait3A_88 = arith.constant 0 : i32
      %dma_wait3A_89 = tpu.memref_slice %arg4[%dma_wait3A_88, %multiple_of3A_87] : memref<64x262144xf32, #tpu.memory_space<hbm>> -> memref<64x128xf32, #tpu.memory_space<hbm>>
      %dma_wait3A_90 = arith.constant 0 : i32
      %dma_wait3A_91 = tpu.memref_slice %arg4[%dma_wait3A_90, %multiple_of3A_87] : memref<64x262144xf32, #tpu.memory_space<hbm>> -> memref<64x128xf32, #tpu.memory_space<hbm>>
      tpu.wait_dma2 semaphore(%arg18 : memref<!tpu.dma_semaphore, #tpu.memory_space<semaphore_mem>>) src(%dma_wait3A_91 : memref<64x128xf32, #tpu.memory_space<hbm>>) dst(%arg9 : memref<64x128xf32, #tpu.memory_space<vmem>>)
      %gt3A = arith.constant 0 : i32
      %gt3A_92 = arith.cmpi sgt, %scan3A_79, %gt3A : i32
      %convert_element_type3A = arith.extui %gt3A_92 : i1 to i32
      %cond3A = arith.constant 0 : i32
      %cond3A_93 = arith.cmpi ne, %convert_element_type3A, %cond3A : i32
      scf.if %cond3A_93 {
        %sub3A = arith.constant 4 : i32
        %sub3A_495 = arith.subi %mul3A_81, %sub3A : i32
        %add3A_496 = arith.constant 0 : i32
        %add3A_497 = arith.addi %sub3A_495, %add3A_496 : i32
        %dma_wait3A_498 = arith.constant 0 : i32
        %dma_wait3A_499 = tpu.memref_slice %arg7[%add3A_497, %dma_wait3A_498] : memref<64x128xi32, #tpu.memory_space<vmem>> -> memref<1x128xi32, #tpu.memory_space<vmem>>
        %dma_wait3A_500 = tpu.memref_squeeze %dma_wait3A_499 : memref<1x128xi32, #tpu.memory_space<vmem>> -> memref<128xi32, #tpu.memory_space<vmem>>
        %dma_wait3A_501 = arith.constant 0 : i32
        %dma_wait3A_502 = arith.constant 0 : i32
        %dma_wait3A_503 = tpu.memref_slice %arg5[%dma_wait3A_501, %dma_wait3A_502] : memref<524288x128xf32, #tpu.memory_space<hbm>> -> memref<524288x128xf32, #tpu.memory_space<hbm>>
        tpu.wait_indirect_dma semaphore(%arg22 : memref<!tpu.dma_semaphore, #tpu.memory_space<semaphore_mem>>) src(%arg13 : memref<128x128xf32, #tpu.memory_space<vmem>>) dst(%dma_wait3A_503 : memref<524288x128xf32, #tpu.memory_space<hbm>>)
      } else {
      }
      %add3A_94 = arith.constant 0 : i32
      %add3A_95 = arith.addi %mul3A_81, %add3A_94 : i32
      %iota3A = tpu.iota {dimensions = array<i32: 0>} : vector<16xi32>
      %add3A_96 = arith.constant 0 : i32
      %add3A_97 = vector.broadcast %add3A_96 : i32 to vector<16xi32>
      %add3A_98 = arith.addi %iota3A, %add3A_97 : vector<16xi32>
      %broadcast_in_dim3A = arith.constant 0 : i32
      %broadcast_in_dim3A_99 = vector.broadcast %broadcast_in_dim3A : i32 to vector<16xi32>
      %get3A = arith.index_cast %add3A_95 : i32 to index
      %get3A_100 = arith.constant 0 : index
      %get3A_101 = tpu.vector_load %arg8[%get3A, %get3A_100] {strides = array<i32>} : memref<64x128xf32, #tpu.memory_space<vmem>>, vector<16xf32>,
      tpu.vector_store_idx %arg13[%add3A_98, %broadcast_in_dim3A_99], %get3A_101 : memref<128x128xf32, #tpu.memory_space<vmem>>[vector<16xi32>, vector<16xi32>], vector<16xf32>,
      %add3A_102 = arith.constant 16 : i32
      %add3A_103 = vector.broadcast %add3A_102 : i32 to vector<16xi32>
      %add3A_104 = arith.addi %iota3A, %add3A_103 : vector<16xi32>
      %broadcast_in_dim3A_105 = arith.constant 0 : i32
      %broadcast_in_dim3A_106 = vector.broadcast %broadcast_in_dim3A_105 : i32 to vector<16xi32>
      %get3A_107 = arith.index_cast %add3A_95 : i32 to index
      %get3A_108 = arith.constant 16 : index
      %get3A_109 = tpu.vector_load %arg8[%get3A_107, %get3A_108] {strides = array<i32>} : memref<64x128xf32, #tpu.memory_space<vmem>>, vector<16xf32>,
      tpu.vector_store_idx %arg13[%add3A_104, %broadcast_in_dim3A_106], %get3A_109 : memref<128x128xf32, #tpu.memory_space<vmem>>[vector<16xi32>, vector<16xi32>], vector<16xf32>,
      %add3A_110 = arith.constant 32 : i32
      %add3A_111 = vector.broadcast %add3A_110 : i32 to vector<16xi32>
      %add3A_112 = arith.addi %iota3A, %add3A_111 : vector<16xi32>
      %broadcast_in_dim3A_113 = arith.constant 0 : i32
      %broadcast_in_dim3A_114 = vector.broadcast %broadcast_in_dim3A_113 : i32 to vector<16xi32>
      %get3A_115 = arith.index_cast %add3A_95 : i32 to index
      %get3A_116 = arith.constant 32 : index
      %get3A_117 = tpu.vector_load %arg8[%get3A_115, %get3A_116] {strides = array<i32>} : memref<64x128xf32, #tpu.memory_space<vmem>>, vector<16xf32>,
      tpu.vector_store_idx %arg13[%add3A_112, %broadcast_in_dim3A_114], %get3A_117 : memref<128x128xf32, #tpu.memory_space<vmem>>[vector<16xi32>, vector<16xi32>], vector<16xf32>,
      %add3A_118 = arith.constant 48 : i32
      %add3A_119 = vector.broadcast %add3A_118 : i32 to vector<16xi32>
      %add3A_120 = arith.addi %iota3A, %add3A_119 : vector<16xi32>
      %broadcast_in_dim3A_121 = arith.constant 0 : i32
      %broadcast_in_dim3A_122 = vector.broadcast %broadcast_in_dim3A_121 : i32 to vector<16xi32>
      %get3A_123 = arith.index_cast %add3A_95 : i32 to index
      %get3A_124 = arith.constant 48 : index
      %get3A_125 = tpu.vector_load %arg8[%get3A_123, %get3A_124] {strides = array<i32>} : memref<64x128xf32, #tpu.memory_space<vmem>>, vector<16xf32>,
      tpu.vector_store_idx %arg13[%add3A_120, %broadcast_in_dim3A_122], %get3A_125 : memref<128x128xf32, #tpu.memory_space<vmem>>[vector<16xi32>, vector<16xi32>], vector<16xf32>,
      %add3A_126 = arith.constant 64 : i32
      %add3A_127 = vector.broadcast %add3A_126 : i32 to vector<16xi32>
      %add3A_128 = arith.addi %iota3A, %add3A_127 : vector<16xi32>
      %broadcast_in_dim3A_129 = arith.constant 0 : i32
      %broadcast_in_dim3A_130 = vector.broadcast %broadcast_in_dim3A_129 : i32 to vector<16xi32>
      %get3A_131 = arith.index_cast %add3A_95 : i32 to index
      %get3A_132 = arith.constant 64 : index
      %get3A_133 = tpu.vector_load %arg8[%get3A_131, %get3A_132] {strides = array<i32>} : memref<64x128xf32, #tpu.memory_space<vmem>>, vector<16xf32>,
      tpu.vector_store_idx %arg13[%add3A_128, %broadcast_in_dim3A_130], %get3A_133 : memref<128x128xf32, #tpu.memory_space<vmem>>[vector<16xi32>, vector<16xi32>], vector<16xf32>,
      %add3A_134 = arith.constant 80 : i32
      %add3A_135 = vector.broadcast %add3A_134 : i32 to vector<16xi32>
      %add3A_136 = arith.addi %iota3A, %add3A_135 : vector<16xi32>
      %broadcast_in_dim3A_137 = arith.constant 0 : i32
      %broadcast_in_dim3A_138 = vector.broadcast %broadcast_in_dim3A_137 : i32 to vector<16xi32>
      %get3A_139 = arith.index_cast %add3A_95 : i32 to index
      %get3A_140 = arith.constant 80 : index
      %get3A_141 = tpu.vector_load %arg8[%get3A_139, %get3A_140] {strides = array<i32>} : memref<64x128xf32, #tpu.memory_space<vmem>>, vector<16xf32>,
      tpu.vector_store_idx %arg13[%add3A_136, %broadcast_in_dim3A_138], %get3A_141 : memref<128x128xf32, #tpu.memory_space<vmem>>[vector<16xi32>, vector<16xi32>], vector<16xf32>,
      %add3A_142 = arith.constant 96 : i32
      %add3A_143 = vector.broadcast %add3A_142 : i32 to vector<16xi32>
      %add3A_144 = arith.addi %iota3A, %add3A_143 : vector<16xi32>
      %broadcast_in_dim3A_145 = arith.constant 0 : i32
      %broadcast_in_dim3A_146 = vector.broadcast %broadcast_in_dim3A_145 : i32 to vector<16xi32>
      %get3A_147 = arith.index_cast %add3A_95 : i32 to index
      %get3A_148 = arith.constant 96 : index
      %get3A_149 = tpu.vector_load %arg8[%get3A_147, %get3A_148] {strides = array<i32>} : memref<64x128xf32, #tpu.memory_space<vmem>>, vector<16xf32>,
      tpu.vector_store_idx %arg13[%add3A_144, %broadcast_in_dim3A_146], %get3A_149 : memref<128x128xf32, #tpu.memory_space<vmem>>[vector<16xi32>, vector<16xi32>], vector<16xf32>,
      %add3A_150 = arith.constant 112 : i32
      %add3A_151 = vector.broadcast %add3A_150 : i32 to vector<16xi32>
      %add3A_152 = arith.addi %iota3A, %add3A_151 : vector<16xi32>
      %broadcast_in_dim3A_153 = arith.constant 0 : i32
      %broadcast_in_dim3A_154 = vector.broadcast %broadcast_in_dim3A_153 : i32 to vector<16xi32>
      %get3A_155 = arith.index_cast %add3A_95 : i32 to index
      %get3A_156 = arith.constant 112 : index
      %get3A_157 = tpu.vector_load %arg8[%get3A_155, %get3A_156] {strides = array<i32>} : memref<64x128xf32, #tpu.memory_space<vmem>>, vector<16xf32>,
      tpu.vector_store_idx %arg13[%add3A_152, %broadcast_in_dim3A_154], %get3A_157 : memref<128x128xf32, #tpu.memory_space<vmem>>[vector<16xi32>, vector<16xi32>], vector<16xf32>,
      %scan3A_158 = arith.constant 0 : i32
      %scan3A_159 = arith.constant 0 : i32
      %scan3A_160 = arith.constant 16 : i32
      %scan3A_161 = arith.addi %scan3A_159, %scan3A_160 : i32
      %scan3A_162 = arith.constant 1 : i32
      scf.for %scan3A_495 = %scan3A_159 to %scan3A_161 step %scan3A_162  : i32 {
        %add3A_496 = vector.broadcast %scan3A_495 : i32 to vector<16xi32>
        %add3A_497 = arith.addi %iota3A, %add3A_496 : vector<16xi32>
        %rem3A = arith.constant 16 : i32
        %rem3A_498 = vector.broadcast %rem3A : i32 to vector<16xi32>
        %rem3A_499 = arith.remsi %add3A_497, %rem3A_498 : vector<16xi32>
        %add3A_500 = arith.constant 0 : i32
        %add3A_501 = vector.broadcast %add3A_500 : i32 to vector<16xi32>
        %add3A_502 = arith.addi %rem3A_499, %add3A_501 : vector<16xi32>
        %add3A_503 = arith.constant 1 : i32
        %add3A_504 = vector.broadcast %add3A_503 : i32 to vector<16xi32>
        %add3A_505 = arith.addi %rem3A_499, %add3A_504 : vector<16xi32>
        %add3A_506 = arith.constant 0 : i32
        %add3A_507 = vector.broadcast %add3A_506 : i32 to vector<16xi32>
        %add3A_508 = arith.addi %iota3A, %add3A_507 : vector<16xi32>
        %gather3A = tpu.vector_load_idx %arg9[%add3A_502, %add3A_508] : memref<64x128xf32, #tpu.memory_space<vmem>>[vector<16xi32>, vector<16xi32>], vector<16xf32>,
        tpu.vector_store_idx %arg13[%add3A_508, %add3A_505], %gather3A : memref<128x128xf32, #tpu.memory_space<vmem>>[vector<16xi32>, vector<16xi32>], vector<16xf32>,
        %add3A_509 = arith.constant 16 : i32
        %add3A_510 = vector.broadcast %add3A_509 : i32 to vector<16xi32>
        %add3A_511 = arith.addi %iota3A, %add3A_510 : vector<16xi32>
        %gather3A_512 = tpu.vector_load_idx %arg9[%add3A_502, %add3A_511] : memref<64x128xf32, #tpu.memory_space<vmem>>[vector<16xi32>, vector<16xi32>], vector<16xf32>,
        tpu.vector_store_idx %arg13[%add3A_511, %add3A_505], %gather3A_512 : memref<128x128xf32, #tpu.memory_space<vmem>>[vector<16xi32>, vector<16xi32>], vector<16xf32>,
        %add3A_513 = arith.constant 32 : i32
        %add3A_514 = vector.broadcast %add3A_513 : i32 to vector<16xi32>
        %add3A_515 = arith.addi %iota3A, %add3A_514 : vector<16xi32>
        %gather3A_516 = tpu.vector_load_idx %arg9[%add3A_502, %add3A_515] : memref<64x128xf32, #tpu.memory_space<vmem>>[vector<16xi32>, vector<16xi32>], vector<16xf32>,
        tpu.vector_store_idx %arg13[%add3A_515, %add3A_505], %gather3A_516 : memref<128x128xf32, #tpu.memory_space<vmem>>[vector<16xi32>, vector<16xi32>], vector<16xf32>,
        %add3A_517 = arith.constant 48 : i32
        %add3A_518 = vector.broadcast %add3A_517 : i32 to vector<16xi32>
        %add3A_519 = arith.addi %iota3A, %add3A_518 : vector<16xi32>
        %gather3A_520 = tpu.vector_load_idx %arg9[%add3A_502, %add3A_519] : memref<64x128xf32, #tpu.memory_space<vmem>>[vector<16xi32>, vector<16xi32>], vector<16xf32>,
        tpu.vector_store_idx %arg13[%add3A_519, %add3A_505], %gather3A_520 : memref<128x128xf32, #tpu.memory_space<vmem>>[vector<16xi32>, vector<16xi32>], vector<16xf32>,
        %add3A_521 = arith.constant 64 : i32
        %add3A_522 = vector.broadcast %add3A_521 : i32 to vector<16xi32>
        %add3A_523 = arith.addi %iota3A, %add3A_522 : vector<16xi32>
        %gather3A_524 = tpu.vector_load_idx %arg9[%add3A_502, %add3A_523] : memref<64x128xf32, #tpu.memory_space<vmem>>[vector<16xi32>, vector<16xi32>], vector<16xf32>,
        tpu.vector_store_idx %arg13[%add3A_523, %add3A_505], %gather3A_524 : memref<128x128xf32, #tpu.memory_space<vmem>>[vector<16xi32>, vector<16xi32>], vector<16xf32>,
        %add3A_525 = arith.constant 80 : i32
        %add3A_526 = vector.broadcast %add3A_525 : i32 to vector<16xi32>
        %add3A_527 = arith.addi %iota3A, %add3A_526 : vector<16xi32>
        %gather3A_528 = tpu.vector_load_idx %arg9[%add3A_502, %add3A_527] : memref<64x128xf32, #tpu.memory_space<vmem>>[vector<16xi32>, vector<16xi32>], vector<16xf32>,
        tpu.vector_store_idx %arg13[%add3A_527, %add3A_505], %gather3A_528 : memref<128x128xf32, #tpu.memory_space<vmem>>[vector<16xi32>, vector<16xi32>], vector<16xf32>,
        %add3A_529 = arith.constant 96 : i32
        %add3A_530 = vector.broadcast %add3A_529 : i32 to vector<16xi32>
        %add3A_531 = arith.addi %iota3A, %add3A_530 : vector<16xi32>
        %gather3A_532 = tpu.vector_load_idx %arg9[%add3A_502, %add3A_531] : memref<64x128xf32, #tpu.memory_space<vmem>>[vector<16xi32>, vector<16xi32>], vector<16xf32>,
        tpu.vector_store_idx %arg13[%add3A_531, %add3A_505], %gather3A_532 : memref<128x128xf32, #tpu.memory_space<vmem>>[vector<16xi32>, vector<16xi32>], vector<16xf32>,
        %add3A_533 = arith.constant 112 : i32
        %add3A_534 = vector.broadcast %add3A_533 : i32 to vector<16xi32>
        %add3A_535 = arith.addi %iota3A, %add3A_534 : vector<16xi32>
        %gather3A_536 = tpu.vector_load_idx %arg9[%add3A_502, %add3A_535] : memref<64x128xf32, #tpu.memory_space<vmem>>[vector<16xi32>, vector<16xi32>], vector<16xf32>,
        tpu.vector_store_idx %arg13[%add3A_535, %add3A_505], %gather3A_536 : memref<128x128xf32, #tpu.memory_space<vmem>>[vector<16xi32>, vector<16xi32>], vector<16xf32>,
        %add3A_537 = arith.constant 16 : i32
        %add3A_538 = vector.broadcast %add3A_537 : i32 to vector<16xi32>
        %add3A_539 = arith.addi %rem3A_499, %add3A_538 : vector<16xi32>
        %add3A_540 = arith.constant 17 : i32
        %add3A_541 = vector.broadcast %add3A_540 : i32 to vector<16xi32>
        %add3A_542 = arith.addi %rem3A_499, %add3A_541 : vector<16xi32>
        %add3A_543 = arith.constant 0 : i32
        %add3A_544 = vector.broadcast %add3A_543 : i32 to vector<16xi32>
        %add3A_545 = arith.addi %iota3A, %add3A_544 : vector<16xi32>
        %gather3A_546 = tpu.vector_load_idx %arg9[%add3A_539, %add3A_545] : memref<64x128xf32, #tpu.memory_space<vmem>>[vector<16xi32>, vector<16xi32>], vector<16xf32>,
        tpu.vector_store_idx %arg13[%add3A_545, %add3A_542], %gather3A_546 : memref<128x128xf32, #tpu.memory_space<vmem>>[vector<16xi32>, vector<16xi32>], vector<16xf32>,
        %add3A_547 = arith.constant 16 : i32
        %add3A_548 = vector.broadcast %add3A_547 : i32 to vector<16xi32>
        %add3A_549 = arith.addi %iota3A, %add3A_548 : vector<16xi32>
        %gather3A_550 = tpu.vector_load_idx %arg9[%add3A_539, %add3A_549] : memref<64x128xf32, #tpu.memory_space<vmem>>[vector<16xi32>, vector<16xi32>], vector<16xf32>,
        tpu.vector_store_idx %arg13[%add3A_549, %add3A_542], %gather3A_550 : memref<128x128xf32, #tpu.memory_space<vmem>>[vector<16xi32>, vector<16xi32>], vector<16xf32>,
        %add3A_551 = arith.constant 32 : i32
        %add3A_552 = vector.broadcast %add3A_551 : i32 to vector<16xi32>
        %add3A_553 = arith.addi %iota3A, %add3A_552 : vector<16xi32>
        %gather3A_554 = tpu.vector_load_idx %arg9[%add3A_539, %add3A_553] : memref<64x128xf32, #tpu.memory_space<vmem>>[vector<16xi32>, vector<16xi32>], vector<16xf32>,
        tpu.vector_store_idx %arg13[%add3A_553, %add3A_542], %gather3A_554 : memref<128x128xf32, #tpu.memory_space<vmem>>[vector<16xi32>, vector<16xi32>], vector<16xf32>,
        %add3A_555 = arith.constant 48 : i32
        %add3A_556 = vector.broadcast %add3A_555 : i32 to vector<16xi32>
        %add3A_557 = arith.addi %iota3A, %add3A_556 : vector<16xi32>
        %gather3A_558 = tpu.vector_load_idx %arg9[%add3A_539, %add3A_557] : memref<64x128xf32, #tpu.memory_space<vmem>>[vector<16xi32>, vector<16xi32>], vector<16xf32>,
        tpu.vector_store_idx %arg13[%add3A_557, %add3A_542], %gather3A_558 : memref<128x128xf32, #tpu.memory_space<vmem>>[vector<16xi32>, vector<16xi32>], vector<16xf32>,
        %add3A_559 = arith.constant 64 : i32
        %add3A_560 = vector.broadcast %add3A_559 : i32 to vector<16xi32>
        %add3A_561 = arith.addi %iota3A, %add3A_560 : vector<16xi32>
        %gather3A_562 = tpu.vector_load_idx %arg9[%add3A_539, %add3A_561] : memref<64x128xf32, #tpu.memory_space<vmem>>[vector<16xi32>, vector<16xi32>], vector<16xf32>,
        tpu.vector_store_idx %arg13[%add3A_561, %add3A_542], %gather3A_562 : memref<128x128xf32, #tpu.memory_space<vmem>>[vector<16xi32>, vector<16xi32>], vector<16xf32>,
        %add3A_563 = arith.constant 80 : i32
        %add3A_564 = vector.broadcast %add3A_563 : i32 to vector<16xi32>
        %add3A_565 = arith.addi %iota3A, %add3A_564 : vector<16xi32>
        %gather3A_566 = tpu.vector_load_idx %arg9[%add3A_539, %add3A_565] : memref<64x128xf32, #tpu.memory_space<vmem>>[vector<16xi32>, vector<16xi32>], vector<16xf32>,
        tpu.vector_store_idx %arg13[%add3A_565, %add3A_542], %gather3A_566 : memref<128x128xf32, #tpu.memory_space<vmem>>[vector<16xi32>, vector<16xi32>], vector<16xf32>,
        %add3A_567 = arith.constant 96 : i32
        %add3A_568 = vector.broadcast %add3A_567 : i32 to vector<16xi32>
        %add3A_569 = arith.addi %iota3A, %add3A_568 : vector<16xi32>
        %gather3A_570 = tpu.vector_load_idx %arg9[%add3A_539, %add3A_569] : memref<64x128xf32, #tpu.memory_space<vmem>>[vector<16xi32>, vector<16xi32>], vector<16xf32>,
        tpu.vector_store_idx %arg13[%add3A_569, %add3A_542], %gather3A_570 : memref<128x128xf32, #tpu.memory_space<vmem>>[vector<16xi32>, vector<16xi32>], vector<16xf32>,
        %add3A_571 = arith.constant 112 : i32
        %add3A_572 = vector.broadcast %add3A_571 : i32 to vector<16xi32>
        %add3A_573 = arith.addi %iota3A, %add3A_572 : vector<16xi32>
        %gather3A_574 = tpu.vector_load_idx %arg9[%add3A_539, %add3A_573] : memref<64x128xf32, #tpu.memory_space<vmem>>[vector<16xi32>, vector<16xi32>], vector<16xf32>,
        tpu.vector_store_idx %arg13[%add3A_573, %add3A_542], %gather3A_574 : memref<128x128xf32, #tpu.memory_space<vmem>>[vector<16xi32>, vector<16xi32>], vector<16xf32>,
        %add3A_575 = arith.constant 32 : i32
        %add3A_576 = vector.broadcast %add3A_575 : i32 to vector<16xi32>
        %add3A_577 = arith.addi %rem3A_499, %add3A_576 : vector<16xi32>
        %add3A_578 = arith.constant 33 : i32
        %add3A_579 = vector.broadcast %add3A_578 : i32 to vector<16xi32>
        %add3A_580 = arith.addi %rem3A_499, %add3A_579 : vector<16xi32>
        %add3A_581 = arith.constant 0 : i32
        %add3A_582 = vector.broadcast %add3A_581 : i32 to vector<16xi32>
        %add3A_583 = arith.addi %iota3A, %add3A_582 : vector<16xi32>
        %gather3A_584 = tpu.vector_load_idx %arg9[%add3A_577, %add3A_583] : memref<64x128xf32, #tpu.memory_space<vmem>>[vector<16xi32>, vector<16xi32>], vector<16xf32>,
        tpu.vector_store_idx %arg13[%add3A_583, %add3A_580], %gather3A_584 : memref<128x128xf32, #tpu.memory_space<vmem>>[vector<16xi32>, vector<16xi32>], vector<16xf32>,
        %add3A_585 = arith.constant 16 : i32
        %add3A_586 = vector.broadcast %add3A_585 : i32 to vector<16xi32>
        %add3A_587 = arith.addi %iota3A, %add3A_586 : vector<16xi32>
        %gather3A_588 = tpu.vector_load_idx %arg9[%add3A_577, %add3A_587] : memref<64x128xf32, #tpu.memory_space<vmem>>[vector<16xi32>, vector<16xi32>], vector<16xf32>,
        tpu.vector_store_idx %arg13[%add3A_587, %add3A_580], %gather3A_588 : memref<128x128xf32, #tpu.memory_space<vmem>>[vector<16xi32>, vector<16xi32>], vector<16xf32>,
        %add3A_589 = arith.constant 32 : i32
        %add3A_590 = vector.broadcast %add3A_589 : i32 to vector<16xi32>
        %add3A_591 = arith.addi %iota3A, %add3A_590 : vector<16xi32>
        %gather3A_592 = tpu.vector_load_idx %arg9[%add3A_577, %add3A_591] : memref<64x128xf32, #tpu.memory_space<vmem>>[vector<16xi32>, vector<16xi32>], vector<16xf32>,
        tpu.vector_store_idx %arg13[%add3A_591, %add3A_580], %gather3A_592 : memref<128x128xf32, #tpu.memory_space<vmem>>[vector<16xi32>, vector<16xi32>], vector<16xf32>,
        %add3A_593 = arith.constant 48 : i32
        %add3A_594 = vector.broadcast %add3A_593 : i32 to vector<16xi32>
        %add3A_595 = arith.addi %iota3A, %add3A_594 : vector<16xi32>
        %gather3A_596 = tpu.vector_load_idx %arg9[%add3A_577, %add3A_595] : memref<64x128xf32, #tpu.memory_space<vmem>>[vector<16xi32>, vector<16xi32>], vector<16xf32>,
        tpu.vector_store_idx %arg13[%add3A_595, %add3A_580], %gather3A_596 : memref<128x128xf32, #tpu.memory_space<vmem>>[vector<16xi32>, vector<16xi32>], vector<16xf32>,
        %add3A_597 = arith.constant 64 : i32
        %add3A_598 = vector.broadcast %add3A_597 : i32 to vector<16xi32>
        %add3A_599 = arith.addi %iota3A, %add3A_598 : vector<16xi32>
        %gather3A_600 = tpu.vector_load_idx %arg9[%add3A_577, %add3A_599] : memref<64x128xf32, #tpu.memory_space<vmem>>[vector<16xi32>, vector<16xi32>], vector<16xf32>,
        tpu.vector_store_idx %arg13[%add3A_599, %add3A_580], %gather3A_600 : memref<128x128xf32, #tpu.memory_space<vmem>>[vector<16xi32>, vector<16xi32>], vector<16xf32>,
        %add3A_601 = arith.constant 80 : i32
        %add3A_602 = vector.broadcast %add3A_601 : i32 to vector<16xi32>
        %add3A_603 = arith.addi %iota3A, %add3A_602 : vector<16xi32>
        %gather3A_604 = tpu.vector_load_idx %arg9[%add3A_577, %add3A_603] : memref<64x128xf32, #tpu.memory_space<vmem>>[vector<16xi32>, vector<16xi32>], vector<16xf32>,
        tpu.vector_store_idx %arg13[%add3A_603, %add3A_580], %gather3A_604 : memref<128x128xf32, #tpu.memory_space<vmem>>[vector<16xi32>, vector<16xi32>], vector<16xf32>,
        %add3A_605 = arith.constant 96 : i32
        %add3A_606 = vector.broadcast %add3A_605 : i32 to vector<16xi32>
        %add3A_607 = arith.addi %iota3A, %add3A_606 : vector<16xi32>
        %gather3A_608 = tpu.vector_load_idx %arg9[%add3A_577, %add3A_607] : memref<64x128xf32, #tpu.memory_space<vmem>>[vector<16xi32>, vector<16xi32>], vector<16xf32>,
        tpu.vector_store_idx %arg13[%add3A_607, %add3A_580], %gather3A_608 : memref<128x128xf32, #tpu.memory_space<vmem>>[vector<16xi32>, vector<16xi32>], vector<16xf32>,
        %add3A_609 = arith.constant 112 : i32
        %add3A_610 = vector.broadcast %add3A_609 : i32 to vector<16xi32>
        %add3A_611 = arith.addi %iota3A, %add3A_610 : vector<16xi32>
        %gather3A_612 = tpu.vector_load_idx %arg9[%add3A_577, %add3A_611] : memref<64x128xf32, #tpu.memory_space<vmem>>[vector<16xi32>, vector<16xi32>], vector<16xf32>,
        tpu.vector_store_idx %arg13[%add3A_611, %add3A_580], %gather3A_612 : memref<128x128xf32, #tpu.memory_space<vmem>>[vector<16xi32>, vector<16xi32>], vector<16xf32>,
        %add3A_613 = arith.constant 48 : i32
        %add3A_614 = vector.broadcast %add3A_613 : i32 to vector<16xi32>
        %add3A_615 = arith.addi %rem3A_499, %add3A_614 : vector<16xi32>
        %add3A_616 = arith.constant 49 : i32
        %add3A_617 = vector.broadcast %add3A_616 : i32 to vector<16xi32>
        %add3A_618 = arith.addi %rem3A_499, %add3A_617 : vector<16xi32>
        %add3A_619 = arith.constant 0 : i32
        %add3A_620 = vector.broadcast %add3A_619 : i32 to vector<16xi32>
        %add3A_621 = arith.addi %iota3A, %add3A_620 : vector<16xi32>
        %gather3A_622 = tpu.vector_load_idx %arg9[%add3A_615, %add3A_621] : memref<64x128xf32, #tpu.memory_space<vmem>>[vector<16xi32>, vector<16xi32>], vector<16xf32>,
        tpu.vector_store_idx %arg13[%add3A_621, %add3A_618], %gather3A_622 : memref<128x128xf32, #tpu.memory_space<vmem>>[vector<16xi32>, vector<16xi32>], vector<16xf32>,
        %add3A_623 = arith.constant 16 : i32
        %add3A_624 = vector.broadcast %add3A_623 : i32 to vector<16xi32>
        %add3A_625 = arith.addi %iota3A, %add3A_624 : vector<16xi32>
        %gather3A_626 = tpu.vector_load_idx %arg9[%add3A_615, %add3A_625] : memref<64x128xf32, #tpu.memory_space<vmem>>[vector<16xi32>, vector<16xi32>], vector<16xf32>,
        tpu.vector_store_idx %arg13[%add3A_625, %add3A_618], %gather3A_626 : memref<128x128xf32, #tpu.memory_space<vmem>>[vector<16xi32>, vector<16xi32>], vector<16xf32>,
        %add3A_627 = arith.constant 32 : i32
        %add3A_628 = vector.broadcast %add3A_627 : i32 to vector<16xi32>
        %add3A_629 = arith.addi %iota3A, %add3A_628 : vector<16xi32>
        %gather3A_630 = tpu.vector_load_idx %arg9[%add3A_615, %add3A_629] : memref<64x128xf32, #tpu.memory_space<vmem>>[vector<16xi32>, vector<16xi32>], vector<16xf32>,
        tpu.vector_store_idx %arg13[%add3A_629, %add3A_618], %gather3A_630 : memref<128x128xf32, #tpu.memory_space<vmem>>[vector<16xi32>, vector<16xi32>], vector<16xf32>,
        %add3A_631 = arith.constant 48 : i32
        %add3A_632 = vector.broadcast %add3A_631 : i32 to vector<16xi32>
        %add3A_633 = arith.addi %iota3A, %add3A_632 : vector<16xi32>
        %gather3A_634 = tpu.vector_load_idx %arg9[%add3A_615, %add3A_633] : memref<64x128xf32, #tpu.memory_space<vmem>>[vector<16xi32>, vector<16xi32>], vector<16xf32>,
        tpu.vector_store_idx %arg13[%add3A_633, %add3A_618], %gather3A_634 : memref<128x128xf32, #tpu.memory_space<vmem>>[vector<16xi32>, vector<16xi32>], vector<16xf32>,
        %add3A_635 = arith.constant 64 : i32
        %add3A_636 = vector.broadcast %add3A_635 : i32 to vector<16xi32>
        %add3A_637 = arith.addi %iota3A, %add3A_636 : vector<16xi32>
        %gather3A_638 = tpu.vector_load_idx %arg9[%add3A_615, %add3A_637] : memref<64x128xf32, #tpu.memory_space<vmem>>[vector<16xi32>, vector<16xi32>], vector<16xf32>,
        tpu.vector_store_idx %arg13[%add3A_637, %add3A_618], %gather3A_638 : memref<128x128xf32, #tpu.memory_space<vmem>>[vector<16xi32>, vector<16xi32>], vector<16xf32>,
        %add3A_639 = arith.constant 80 : i32
        %add3A_640 = vector.broadcast %add3A_639 : i32 to vector<16xi32>
        %add3A_641 = arith.addi %iota3A, %add3A_640 : vector<16xi32>
        %gather3A_642 = tpu.vector_load_idx %arg9[%add3A_615, %add3A_641] : memref<64x128xf32, #tpu.memory_space<vmem>>[vector<16xi32>, vector<16xi32>], vector<16xf32>,
        tpu.vector_store_idx %arg13[%add3A_641, %add3A_618], %gather3A_642 : memref<128x128xf32, #tpu.memory_space<vmem>>[vector<16xi32>, vector<16xi32>], vector<16xf32>,
        %add3A_643 = arith.constant 96 : i32
        %add3A_644 = vector.broadcast %add3A_643 : i32 to vector<16xi32>
        %add3A_645 = arith.addi %iota3A, %add3A_644 : vector<16xi32>
        %gather3A_646 = tpu.vector_load_idx %arg9[%add3A_615, %add3A_645] : memref<64x128xf32, #tpu.memory_space<vmem>>[vector<16xi32>, vector<16xi32>], vector<16xf32>,
        tpu.vector_store_idx %arg13[%add3A_645, %add3A_618], %gather3A_646 : memref<128x128xf32, #tpu.memory_space<vmem>>[vector<16xi32>, vector<16xi32>], vector<16xf32>,
        %add3A_647 = arith.constant 112 : i32
        %add3A_648 = vector.broadcast %add3A_647 : i32 to vector<16xi32>
        %add3A_649 = arith.addi %iota3A, %add3A_648 : vector<16xi32>
        %gather3A_650 = tpu.vector_load_idx %arg9[%add3A_615, %add3A_649] : memref<64x128xf32, #tpu.memory_space<vmem>>[vector<16xi32>, vector<16xi32>], vector<16xf32>,
        tpu.vector_store_idx %arg13[%add3A_649, %add3A_618], %gather3A_650 : memref<128x128xf32, #tpu.memory_space<vmem>>[vector<16xi32>, vector<16xi32>], vector<16xf32>,
      }
      %scan3A_163 = arith.constant 16 : i32
      %add3A_164 = arith.constant 0 : i32
      %add3A_165 = arith.addi %mul3A_81, %add3A_164 : i32
      %dma_start3A_166 = arith.constant 0 : i32
      %dma_start3A_167 = tpu.memref_slice %arg7[%add3A_165, %dma_start3A_166] : memref<64x128xi32, #tpu.memory_space<vmem>> -> memref<1x128xi32, #tpu.memory_space<vmem>>
      %dma_start3A_168 = tpu.memref_squeeze %dma_start3A_167 : memref<1x128xi32, #tpu.memory_space<vmem>> -> memref<128xi32, #tpu.memory_space<vmem>>
      %dma_start3A_169 = arith.constant 0 : i32
      %dma_start3A_170 = arith.constant 0 : i32
      %dma_start3A_171 = tpu.memref_slice %arg5[%dma_start3A_169, %dma_start3A_170] : memref<524288x128xf32, #tpu.memory_space<hbm>> -> memref<524288x128xf32, #tpu.memory_space<hbm>>
      tpu.enqueue_indirect_dma source(%arg13 : memref<128x128xf32, #tpu.memory_space<vmem>>) target(%dma_start3A_171 : memref<524288x128xf32, #tpu.memory_space<hbm>>) offsets(%dma_start3A_168 : memref<128xi32, #tpu.memory_space<vmem>>) semaphore(%arg22 : memref<!tpu.dma_semaphore, #tpu.memory_space<semaphore_mem>>)
      %add3A_172 = arith.constant 0 : i32
      %add3A_173 = arith.addi %mul3A_81, %add3A_172 : i32
      %add3A_174 = arith.constant 4 : i32
      %add3A_175 = arith.addi %add3A_173, %add3A_174 : i32
      %lt3A = arith.constant 64 : i32
      %lt3A_176 = arith.cmpi slt, %add3A_175, %lt3A : i32
      %convert_element_type3A_177 = arith.extui %lt3A_176 : i1 to i32
      %cond3A_178 = arith.constant 0 : i32
      %cond3A_179 = arith.cmpi ne, %convert_element_type3A_177, %cond3A_178 : i32
      scf.if %cond3A_179 {
        %add3A_495 = arith.constant 0 : i32
        %add3A_496 = arith.addi %mul3A_81, %add3A_495 : i32
        %add3A_497 = arith.constant 4 : i32
        %add3A_498 = arith.addi %add3A_496, %add3A_497 : i32
        %mul3A_499 = arith.constant 128 : i32
        %mul3A_500 = arith.muli %add3A_498, %mul3A_499 : i32
        %add3A_501 = arith.addi %mul3A_2, %mul3A_500 : i32
        %multiple_of3A_502 = tpu.assume_multiple %add3A_501, 128 : i32
        %dma_start3A_503 = arith.constant 0 : i32
        %dma_start3A_504 = tpu.memref_slice %arg4[%dma_start3A_503, %multiple_of3A_502] : memref<64x262144xf32, #tpu.memory_space<hbm>> -> memref<64x128xf32, #tpu.memory_space<hbm>>
        %dma_start3A_505 = arith.constant 0 : i32
        %dma_start3A_506 = tpu.memref_slice %arg4[%dma_start3A_505, %multiple_of3A_502] : memref<64x262144xf32, #tpu.memory_space<hbm>> -> memref<64x128xf32, #tpu.memory_space<hbm>>
        tpu.enqueue_dma source(%dma_start3A_506 : memref<64x128xf32, #tpu.memory_space<hbm>>) target(%arg9 : memref<64x128xf32, #tpu.memory_space<vmem>>) target_semaphore(%arg18 : memref<!tpu.dma_semaphore, #tpu.memory_space<semaphore_mem>>)
      } else {
      }
      %add3A_180 = arith.constant 1 : i32
      %add3A_181 = arith.addi %mul3A_81, %add3A_180 : i32
      %mul3A_182 = arith.constant 128 : i32
      %mul3A_183 = arith.muli %add3A_181, %mul3A_182 : i32
      %add3A_184 = arith.addi %mul3A_2, %mul3A_183 : i32
      %multiple_of3A_185 = tpu.assume_multiple %add3A_184, 128 : i32
      %dma_wait3A_186 = arith.constant 0 : i32
      %dma_wait3A_187 = tpu.memref_slice %arg4[%dma_wait3A_186, %multiple_of3A_185] : memref<64x262144xf32, #tpu.memory_space<hbm>> -> memref<64x128xf32, #tpu.memory_space<hbm>>
      %dma_wait3A_188 = arith.constant 0 : i32
      %dma_wait3A_189 = tpu.memref_slice %arg4[%dma_wait3A_188, %multiple_of3A_185] : memref<64x262144xf32, #tpu.memory_space<hbm>> -> memref<64x128xf32, #tpu.memory_space<hbm>>
      tpu.wait_dma2 semaphore(%arg19 : memref<!tpu.dma_semaphore, #tpu.memory_space<semaphore_mem>>) src(%dma_wait3A_189 : memref<64x128xf32, #tpu.memory_space<hbm>>) dst(%arg10 : memref<64x128xf32, #tpu.memory_space<vmem>>)
      %gt3A_190 = arith.constant 0 : i32
      %gt3A_191 = arith.cmpi sgt, %scan3A_79, %gt3A_190 : i32
      %convert_element_type3A_192 = arith.extui %gt3A_191 : i1 to i32
      %cond3A_193 = arith.constant 0 : i32
      %cond3A_194 = arith.cmpi ne, %convert_element_type3A_192, %cond3A_193 : i32
      scf.if %cond3A_194 {
        %sub3A = arith.constant 4 : i32
        %sub3A_495 = arith.subi %mul3A_81, %sub3A : i32
        %add3A_496 = arith.constant 1 : i32
        %add3A_497 = arith.addi %sub3A_495, %add3A_496 : i32
        %dma_wait3A_498 = arith.constant 0 : i32
        %dma_wait3A_499 = tpu.memref_slice %arg7[%add3A_497, %dma_wait3A_498] : memref<64x128xi32, #tpu.memory_space<vmem>> -> memref<1x128xi32, #tpu.memory_space<vmem>>
        %dma_wait3A_500 = tpu.memref_squeeze %dma_wait3A_499 : memref<1x128xi32, #tpu.memory_space<vmem>> -> memref<128xi32, #tpu.memory_space<vmem>>
        %dma_wait3A_501 = arith.constant 0 : i32
        %dma_wait3A_502 = arith.constant 0 : i32
        %dma_wait3A_503 = tpu.memref_slice %arg5[%dma_wait3A_501, %dma_wait3A_502] : memref<524288x128xf32, #tpu.memory_space<hbm>> -> memref<524288x128xf32, #tpu.memory_space<hbm>>
        tpu.wait_indirect_dma semaphore(%arg23 : memref<!tpu.dma_semaphore, #tpu.memory_space<semaphore_mem>>) src(%arg14 : memref<128x128xf32, #tpu.memory_space<vmem>>) dst(%dma_wait3A_503 : memref<524288x128xf32, #tpu.memory_space<hbm>>)
      } else {
      }
      %add3A_195 = arith.constant 1 : i32
      %add3A_196 = arith.addi %mul3A_81, %add3A_195 : i32
      %iota3A_197 = tpu.iota {dimensions = array<i32: 0>} : vector<16xi32>
      %add3A_198 = arith.constant 0 : i32
      %add3A_199 = vector.broadcast %add3A_198 : i32 to vector<16xi32>
      %add3A_200 = arith.addi %iota3A_197, %add3A_199 : vector<16xi32>
      %broadcast_in_dim3A_201 = arith.constant 0 : i32
      %broadcast_in_dim3A_202 = vector.broadcast %broadcast_in_dim3A_201 : i32 to vector<16xi32>
      %get3A_203 = arith.index_cast %add3A_196 : i32 to index
      %get3A_204 = arith.constant 0 : index
      %get3A_205 = tpu.vector_load %arg8[%get3A_203, %get3A_204] {strides = array<i32>} : memref<64x128xf32, #tpu.memory_space<vmem>>, vector<16xf32>,
      tpu.vector_store_idx %arg14[%add3A_200, %broadcast_in_dim3A_202], %get3A_205 : memref<128x128xf32, #tpu.memory_space<vmem>>[vector<16xi32>, vector<16xi32>], vector<16xf32>,
      %add3A_206 = arith.constant 16 : i32
      %add3A_207 = vector.broadcast %add3A_206 : i32 to vector<16xi32>
      %add3A_208 = arith.addi %iota3A_197, %add3A_207 : vector<16xi32>
      %broadcast_in_dim3A_209 = arith.constant 0 : i32
      %broadcast_in_dim3A_210 = vector.broadcast %broadcast_in_dim3A_209 : i32 to vector<16xi32>
      %get3A_211 = arith.index_cast %add3A_196 : i32 to index
      %get3A_212 = arith.constant 16 : index
      %get3A_213 = tpu.vector_load %arg8[%get3A_211, %get3A_212] {strides = array<i32>} : memref<64x128xf32, #tpu.memory_space<vmem>>, vector<16xf32>,
      tpu.vector_store_idx %arg14[%add3A_208, %broadcast_in_dim3A_210], %get3A_213 : memref<128x128xf32, #tpu.memory_space<vmem>>[vector<16xi32>, vector<16xi32>], vector<16xf32>,
      %add3A_214 = arith.constant 32 : i32
      %add3A_215 = vector.broadcast %add3A_214 : i32 to vector<16xi32>
      %add3A_216 = arith.addi %iota3A_197, %add3A_215 : vector<16xi32>
      %broadcast_in_dim3A_217 = arith.constant 0 : i32
      %broadcast_in_dim3A_218 = vector.broadcast %broadcast_in_dim3A_217 : i32 to vector<16xi32>
      %get3A_219 = arith.index_cast %add3A_196 : i32 to index
      %get3A_220 = arith.constant 32 : index
      %get3A_221 = tpu.vector_load %arg8[%get3A_219, %get3A_220] {strides = array<i32>} : memref<64x128xf32, #tpu.memory_space<vmem>>, vector<16xf32>,
      tpu.vector_store_idx %arg14[%add3A_216, %broadcast_in_dim3A_218], %get3A_221 : memref<128x128xf32, #tpu.memory_space<vmem>>[vector<16xi32>, vector<16xi32>], vector<16xf32>,
      %add3A_222 = arith.constant 48 : i32
      %add3A_223 = vector.broadcast %add3A_222 : i32 to vector<16xi32>
      %add3A_224 = arith.addi %iota3A_197, %add3A_223 : vector<16xi32>
      %broadcast_in_dim3A_225 = arith.constant 0 : i32
      %broadcast_in_dim3A_226 = vector.broadcast %broadcast_in_dim3A_225 : i32 to vector<16xi32>
      %get3A_227 = arith.index_cast %add3A_196 : i32 to index
      %get3A_228 = arith.constant 48 : index
      %get3A_229 = tpu.vector_load %arg8[%get3A_227, %get3A_228] {strides = array<i32>} : memref<64x128xf32, #tpu.memory_space<vmem>>, vector<16xf32>,
      tpu.vector_store_idx %arg14[%add3A_224, %broadcast_in_dim3A_226], %get3A_229 : memref<128x128xf32, #tpu.memory_space<vmem>>[vector<16xi32>, vector<16xi32>], vector<16xf32>,
      %add3A_230 = arith.constant 64 : i32
      %add3A_231 = vector.broadcast %add3A_230 : i32 to vector<16xi32>
      %add3A_232 = arith.addi %iota3A_197, %add3A_231 : vector<16xi32>
      %broadcast_in_dim3A_233 = arith.constant 0 : i32
      %broadcast_in_dim3A_234 = vector.broadcast %broadcast_in_dim3A_233 : i32 to vector<16xi32>
      %get3A_235 = arith.index_cast %add3A_196 : i32 to index
      %get3A_236 = arith.constant 64 : index
      %get3A_237 = tpu.vector_load %arg8[%get3A_235, %get3A_236] {strides = array<i32>} : memref<64x128xf32, #tpu.memory_space<vmem>>, vector<16xf32>,
      tpu.vector_store_idx %arg14[%add3A_232, %broadcast_in_dim3A_234], %get3A_237 : memref<128x128xf32, #tpu.memory_space<vmem>>[vector<16xi32>, vector<16xi32>], vector<16xf32>,
      %add3A_238 = arith.constant 80 : i32
      %add3A_239 = vector.broadcast %add3A_238 : i32 to vector<16xi32>
      %add3A_240 = arith.addi %iota3A_197, %add3A_239 : vector<16xi32>
      %broadcast_in_dim3A_241 = arith.constant 0 : i32
      %broadcast_in_dim3A_242 = vector.broadcast %broadcast_in_dim3A_241 : i32 to vector<16xi32>
      %get3A_243 = arith.index_cast %add3A_196 : i32 to index
      %get3A_244 = arith.constant 80 : index
      %get3A_245 = tpu.vector_load %arg8[%get3A_243, %get3A_244] {strides = array<i32>} : memref<64x128xf32, #tpu.memory_space<vmem>>, vector<16xf32>,
      tpu.vector_store_idx %arg14[%add3A_240, %broadcast_in_dim3A_242], %get3A_245 : memref<128x128xf32, #tpu.memory_space<vmem>>[vector<16xi32>, vector<16xi32>], vector<16xf32>,
      %add3A_246 = arith.constant 96 : i32
      %add3A_247 = vector.broadcast %add3A_246 : i32 to vector<16xi32>
      %add3A_248 = arith.addi %iota3A_197, %add3A_247 : vector<16xi32>
      %broadcast_in_dim3A_249 = arith.constant 0 : i32
      %broadcast_in_dim3A_250 = vector.broadcast %broadcast_in_dim3A_249 : i32 to vector<16xi32>
      %get3A_251 = arith.index_cast %add3A_196 : i32 to index
      %get3A_252 = arith.constant 96 : index
      %get3A_253 = tpu.vector_load %arg8[%get3A_251, %get3A_252] {strides = array<i32>} : memref<64x128xf32, #tpu.memory_space<vmem>>, vector<16xf32>,
      tpu.vector_store_idx %arg14[%add3A_248, %broadcast_in_dim3A_250], %get3A_253 : memref<128x128xf32, #tpu.memory_space<vmem>>[vector<16xi32>, vector<16xi32>], vector<16xf32>,
      %add3A_254 = arith.constant 112 : i32
      %add3A_255 = vector.broadcast %add3A_254 : i32 to vector<16xi32>
      %add3A_256 = arith.addi %iota3A_197, %add3A_255 : vector<16xi32>
      %broadcast_in_dim3A_257 = arith.constant 0 : i32
      %broadcast_in_dim3A_258 = vector.broadcast %broadcast_in_dim3A_257 : i32 to vector<16xi32>
      %get3A_259 = arith.index_cast %add3A_196 : i32 to index
      %get3A_260 = arith.constant 112 : index
      %get3A_261 = tpu.vector_load %arg8[%get3A_259, %get3A_260] {strides = array<i32>} : memref<64x128xf32, #tpu.memory_space<vmem>>, vector<16xf32>,
      tpu.vector_store_idx %arg14[%add3A_256, %broadcast_in_dim3A_258], %get3A_261 : memref<128x128xf32, #tpu.memory_space<vmem>>[vector<16xi32>, vector<16xi32>], vector<16xf32>,
      %scan3A_262 = arith.constant 0 : i32
      %scan3A_263 = arith.constant 0 : i32
      %scan3A_264 = arith.constant 16 : i32
      %scan3A_265 = arith.addi %scan3A_263, %scan3A_264 : i32
      %scan3A_266 = arith.constant 1 : i32
      scf.for %scan3A_495 = %scan3A_263 to %scan3A_265 step %scan3A_266  : i32 {
        %add3A_496 = vector.broadcast %scan3A_495 : i32 to vector<16xi32>
        %add3A_497 = arith.addi %iota3A_197, %add3A_496 : vector<16xi32>
        %rem3A = arith.constant 16 : i32
        %rem3A_498 = vector.broadcast %rem3A : i32 to vector<16xi32>
        %rem3A_499 = arith.remsi %add3A_497, %rem3A_498 : vector<16xi32>
        %add3A_500 = arith.constant 0 : i32
        %add3A_501 = vector.broadcast %add3A_500 : i32 to vector<16xi32>
        %add3A_502 = arith.addi %rem3A_499, %add3A_501 : vector<16xi32>
        %add3A_503 = arith.constant 1 : i32
        %add3A_504 = vector.broadcast %add3A_503 : i32 to vector<16xi32>
        %add3A_505 = arith.addi %rem3A_499, %add3A_504 : vector<16xi32>
        %add3A_506 = arith.constant 0 : i32
        %add3A_507 = vector.broadcast %add3A_506 : i32 to vector<16xi32>
        %add3A_508 = arith.addi %iota3A_197, %add3A_507 : vector<16xi32>
        %gather3A = tpu.vector_load_idx %arg10[%add3A_502, %add3A_508] : memref<64x128xf32, #tpu.memory_space<vmem>>[vector<16xi32>, vector<16xi32>], vector<16xf32>,
        tpu.vector_store_idx %arg14[%add3A_508, %add3A_505], %gather3A : memref<128x128xf32, #tpu.memory_space<vmem>>[vector<16xi32>, vector<16xi32>], vector<16xf32>,
        %add3A_509 = arith.constant 16 : i32
        %add3A_510 = vector.broadcast %add3A_509 : i32 to vector<16xi32>
        %add3A_511 = arith.addi %iota3A_197, %add3A_510 : vector<16xi32>
        %gather3A_512 = tpu.vector_load_idx %arg10[%add3A_502, %add3A_511] : memref<64x128xf32, #tpu.memory_space<vmem>>[vector<16xi32>, vector<16xi32>], vector<16xf32>,
        tpu.vector_store_idx %arg14[%add3A_511, %add3A_505], %gather3A_512 : memref<128x128xf32, #tpu.memory_space<vmem>>[vector<16xi32>, vector<16xi32>], vector<16xf32>,
        %add3A_513 = arith.constant 32 : i32
        %add3A_514 = vector.broadcast %add3A_513 : i32 to vector<16xi32>
        %add3A_515 = arith.addi %iota3A_197, %add3A_514 : vector<16xi32>
        %gather3A_516 = tpu.vector_load_idx %arg10[%add3A_502, %add3A_515] : memref<64x128xf32, #tpu.memory_space<vmem>>[vector<16xi32>, vector<16xi32>], vector<16xf32>,
        tpu.vector_store_idx %arg14[%add3A_515, %add3A_505], %gather3A_516 : memref<128x128xf32, #tpu.memory_space<vmem>>[vector<16xi32>, vector<16xi32>], vector<16xf32>,
        %add3A_517 = arith.constant 48 : i32
        %add3A_518 = vector.broadcast %add3A_517 : i32 to vector<16xi32>
        %add3A_519 = arith.addi %iota3A_197, %add3A_518 : vector<16xi32>
        %gather3A_520 = tpu.vector_load_idx %arg10[%add3A_502, %add3A_519] : memref<64x128xf32, #tpu.memory_space<vmem>>[vector<16xi32>, vector<16xi32>], vector<16xf32>,
        tpu.vector_store_idx %arg14[%add3A_519, %add3A_505], %gather3A_520 : memref<128x128xf32, #tpu.memory_space<vmem>>[vector<16xi32>, vector<16xi32>], vector<16xf32>,
        %add3A_521 = arith.constant 64 : i32
        %add3A_522 = vector.broadcast %add3A_521 : i32 to vector<16xi32>
        %add3A_523 = arith.addi %iota3A_197, %add3A_522 : vector<16xi32>
        %gather3A_524 = tpu.vector_load_idx %arg10[%add3A_502, %add3A_523] : memref<64x128xf32, #tpu.memory_space<vmem>>[vector<16xi32>, vector<16xi32>], vector<16xf32>,
        tpu.vector_store_idx %arg14[%add3A_523, %add3A_505], %gather3A_524 : memref<128x128xf32, #tpu.memory_space<vmem>>[vector<16xi32>, vector<16xi32>], vector<16xf32>,
        %add3A_525 = arith.constant 80 : i32
        %add3A_526 = vector.broadcast %add3A_525 : i32 to vector<16xi32>
        %add3A_527 = arith.addi %iota3A_197, %add3A_526 : vector<16xi32>
        %gather3A_528 = tpu.vector_load_idx %arg10[%add3A_502, %add3A_527] : memref<64x128xf32, #tpu.memory_space<vmem>>[vector<16xi32>, vector<16xi32>], vector<16xf32>,
        tpu.vector_store_idx %arg14[%add3A_527, %add3A_505], %gather3A_528 : memref<128x128xf32, #tpu.memory_space<vmem>>[vector<16xi32>, vector<16xi32>], vector<16xf32>,
        %add3A_529 = arith.constant 96 : i32
        %add3A_530 = vector.broadcast %add3A_529 : i32 to vector<16xi32>
        %add3A_531 = arith.addi %iota3A_197, %add3A_530 : vector<16xi32>
        %gather3A_532 = tpu.vector_load_idx %arg10[%add3A_502, %add3A_531] : memref<64x128xf32, #tpu.memory_space<vmem>>[vector<16xi32>, vector<16xi32>], vector<16xf32>,
        tpu.vector_store_idx %arg14[%add3A_531, %add3A_505], %gather3A_532 : memref<128x128xf32, #tpu.memory_space<vmem>>[vector<16xi32>, vector<16xi32>], vector<16xf32>,
        %add3A_533 = arith.constant 112 : i32
        %add3A_534 = vector.broadcast %add3A_533 : i32 to vector<16xi32>
        %add3A_535 = arith.addi %iota3A_197, %add3A_534 : vector<16xi32>
        %gather3A_536 = tpu.vector_load_idx %arg10[%add3A_502, %add3A_535] : memref<64x128xf32, #tpu.memory_space<vmem>>[vector<16xi32>, vector<16xi32>], vector<16xf32>,
        tpu.vector_store_idx %arg14[%add3A_535, %add3A_505], %gather3A_536 : memref<128x128xf32, #tpu.memory_space<vmem>>[vector<16xi32>, vector<16xi32>], vector<16xf32>,
        %add3A_537 = arith.constant 16 : i32
        %add3A_538 = vector.broadcast %add3A_537 : i32 to vector<16xi32>
        %add3A_539 = arith.addi %rem3A_499, %add3A_538 : vector<16xi32>
        %add3A_540 = arith.constant 17 : i32
        %add3A_541 = vector.broadcast %add3A_540 : i32 to vector<16xi32>
        %add3A_542 = arith.addi %rem3A_499, %add3A_541 : vector<16xi32>
        %add3A_543 = arith.constant 0 : i32
        %add3A_544 = vector.broadcast %add3A_543 : i32 to vector<16xi32>
        %add3A_545 = arith.addi %iota3A_197, %add3A_544 : vector<16xi32>
        %gather3A_546 = tpu.vector_load_idx %arg10[%add3A_539, %add3A_545] : memref<64x128xf32, #tpu.memory_space<vmem>>[vector<16xi32>, vector<16xi32>], vector<16xf32>,
        tpu.vector_store_idx %arg14[%add3A_545, %add3A_542], %gather3A_546 : memref<128x128xf32, #tpu.memory_space<vmem>>[vector<16xi32>, vector<16xi32>], vector<16xf32>,
        %add3A_547 = arith.constant 16 : i32
        %add3A_548 = vector.broadcast %add3A_547 : i32 to vector<16xi32>
        %add3A_549 = arith.addi %iota3A_197, %add3A_548 : vector<16xi32>
        %gather3A_550 = tpu.vector_load_idx %arg10[%add3A_539, %add3A_549] : memref<64x128xf32, #tpu.memory_space<vmem>>[vector<16xi32>, vector<16xi32>], vector<16xf32>,
        tpu.vector_store_idx %arg14[%add3A_549, %add3A_542], %gather3A_550 : memref<128x128xf32, #tpu.memory_space<vmem>>[vector<16xi32>, vector<16xi32>], vector<16xf32>,
        %add3A_551 = arith.constant 32 : i32
        %add3A_552 = vector.broadcast %add3A_551 : i32 to vector<16xi32>
        %add3A_553 = arith.addi %iota3A_197, %add3A_552 : vector<16xi32>
        %gather3A_554 = tpu.vector_load_idx %arg10[%add3A_539, %add3A_553] : memref<64x128xf32, #tpu.memory_space<vmem>>[vector<16xi32>, vector<16xi32>], vector<16xf32>,
        tpu.vector_store_idx %arg14[%add3A_553, %add3A_542], %gather3A_554 : memref<128x128xf32, #tpu.memory_space<vmem>>[vector<16xi32>, vector<16xi32>], vector<16xf32>,
        %add3A_555 = arith.constant 48 : i32
        %add3A_556 = vector.broadcast %add3A_555 : i32 to vector<16xi32>
        %add3A_557 = arith.addi %iota3A_197, %add3A_556 : vector<16xi32>
        %gather3A_558 = tpu.vector_load_idx %arg10[%add3A_539, %add3A_557] : memref<64x128xf32, #tpu.memory_space<vmem>>[vector<16xi32>, vector<16xi32>], vector<16xf32>,
        tpu.vector_store_idx %arg14[%add3A_557, %add3A_542], %gather3A_558 : memref<128x128xf32, #tpu.memory_space<vmem>>[vector<16xi32>, vector<16xi32>], vector<16xf32>,
        %add3A_559 = arith.constant 64 : i32
        %add3A_560 = vector.broadcast %add3A_559 : i32 to vector<16xi32>
        %add3A_561 = arith.addi %iota3A_197, %add3A_560 : vector<16xi32>
        %gather3A_562 = tpu.vector_load_idx %arg10[%add3A_539, %add3A_561] : memref<64x128xf32, #tpu.memory_space<vmem>>[vector<16xi32>, vector<16xi32>], vector<16xf32>,
        tpu.vector_store_idx %arg14[%add3A_561, %add3A_542], %gather3A_562 : memref<128x128xf32, #tpu.memory_space<vmem>>[vector<16xi32>, vector<16xi32>], vector<16xf32>,
        %add3A_563 = arith.constant 80 : i32
        %add3A_564 = vector.broadcast %add3A_563 : i32 to vector<16xi32>
        %add3A_565 = arith.addi %iota3A_197, %add3A_564 : vector<16xi32>
        %gather3A_566 = tpu.vector_load_idx %arg10[%add3A_539, %add3A_565] : memref<64x128xf32, #tpu.memory_space<vmem>>[vector<16xi32>, vector<16xi32>], vector<16xf32>,
        tpu.vector_store_idx %arg14[%add3A_565, %add3A_542], %gather3A_566 : memref<128x128xf32, #tpu.memory_space<vmem>>[vector<16xi32>, vector<16xi32>], vector<16xf32>,
        %add3A_567 = arith.constant 96 : i32
        %add3A_568 = vector.broadcast %add3A_567 : i32 to vector<16xi32>
        %add3A_569 = arith.addi %iota3A_197, %add3A_568 : vector<16xi32>
        %gather3A_570 = tpu.vector_load_idx %arg10[%add3A_539, %add3A_569] : memref<64x128xf32, #tpu.memory_space<vmem>>[vector<16xi32>, vector<16xi32>], vector<16xf32>,
        tpu.vector_store_idx %arg14[%add3A_569, %add3A_542], %gather3A_570 : memref<128x128xf32, #tpu.memory_space<vmem>>[vector<16xi32>, vector<16xi32>], vector<16xf32>,
        %add3A_571 = arith.constant 112 : i32
        %add3A_572 = vector.broadcast %add3A_571 : i32 to vector<16xi32>
        %add3A_573 = arith.addi %iota3A_197, %add3A_572 : vector<16xi32>
        %gather3A_574 = tpu.vector_load_idx %arg10[%add3A_539, %add3A_573] : memref<64x128xf32, #tpu.memory_space<vmem>>[vector<16xi32>, vector<16xi32>], vector<16xf32>,
        tpu.vector_store_idx %arg14[%add3A_573, %add3A_542], %gather3A_574 : memref<128x128xf32, #tpu.memory_space<vmem>>[vector<16xi32>, vector<16xi32>], vector<16xf32>,
        %add3A_575 = arith.constant 32 : i32
        %add3A_576 = vector.broadcast %add3A_575 : i32 to vector<16xi32>
        %add3A_577 = arith.addi %rem3A_499, %add3A_576 : vector<16xi32>
        %add3A_578 = arith.constant 33 : i32
        %add3A_579 = vector.broadcast %add3A_578 : i32 to vector<16xi32>
        %add3A_580 = arith.addi %rem3A_499, %add3A_579 : vector<16xi32>
        %add3A_581 = arith.constant 0 : i32
        %add3A_582 = vector.broadcast %add3A_581 : i32 to vector<16xi32>
        %add3A_583 = arith.addi %iota3A_197, %add3A_582 : vector<16xi32>
        %gather3A_584 = tpu.vector_load_idx %arg10[%add3A_577, %add3A_583] : memref<64x128xf32, #tpu.memory_space<vmem>>[vector<16xi32>, vector<16xi32>], vector<16xf32>,
        tpu.vector_store_idx %arg14[%add3A_583, %add3A_580], %gather3A_584 : memref<128x128xf32, #tpu.memory_space<vmem>>[vector<16xi32>, vector<16xi32>], vector<16xf32>,
        %add3A_585 = arith.constant 16 : i32
        %add3A_586 = vector.broadcast %add3A_585 : i32 to vector<16xi32>
        %add3A_587 = arith.addi %iota3A_197, %add3A_586 : vector<16xi32>
        %gather3A_588 = tpu.vector_load_idx %arg10[%add3A_577, %add3A_587] : memref<64x128xf32, #tpu.memory_space<vmem>>[vector<16xi32>, vector<16xi32>], vector<16xf32>,
        tpu.vector_store_idx %arg14[%add3A_587, %add3A_580], %gather3A_588 : memref<128x128xf32, #tpu.memory_space<vmem>>[vector<16xi32>, vector<16xi32>], vector<16xf32>,
        %add3A_589 = arith.constant 32 : i32
        %add3A_590 = vector.broadcast %add3A_589 : i32 to vector<16xi32>
        %add3A_591 = arith.addi %iota3A_197, %add3A_590 : vector<16xi32>
        %gather3A_592 = tpu.vector_load_idx %arg10[%add3A_577, %add3A_591] : memref<64x128xf32, #tpu.memory_space<vmem>>[vector<16xi32>, vector<16xi32>], vector<16xf32>,
        tpu.vector_store_idx %arg14[%add3A_591, %add3A_580], %gather3A_592 : memref<128x128xf32, #tpu.memory_space<vmem>>[vector<16xi32>, vector<16xi32>], vector<16xf32>,
        %add3A_593 = arith.constant 48 : i32
        %add3A_594 = vector.broadcast %add3A_593 : i32 to vector<16xi32>
        %add3A_595 = arith.addi %iota3A_197, %add3A_594 : vector<16xi32>
        %gather3A_596 = tpu.vector_load_idx %arg10[%add3A_577, %add3A_595] : memref<64x128xf32, #tpu.memory_space<vmem>>[vector<16xi32>, vector<16xi32>], vector<16xf32>,
        tpu.vector_store_idx %arg14[%add3A_595, %add3A_580], %gather3A_596 : memref<128x128xf32, #tpu.memory_space<vmem>>[vector<16xi32>, vector<16xi32>], vector<16xf32>,
        %add3A_597 = arith.constant 64 : i32
        %add3A_598 = vector.broadcast %add3A_597 : i32 to vector<16xi32>
        %add3A_599 = arith.addi %iota3A_197, %add3A_598 : vector<16xi32>
        %gather3A_600 = tpu.vector_load_idx %arg10[%add3A_577, %add3A_599] : memref<64x128xf32, #tpu.memory_space<vmem>>[vector<16xi32>, vector<16xi32>], vector<16xf32>,
        tpu.vector_store_idx %arg14[%add3A_599, %add3A_580], %gather3A_600 : memref<128x128xf32, #tpu.memory_space<vmem>>[vector<16xi32>, vector<16xi32>], vector<16xf32>,
        %add3A_601 = arith.constant 80 : i32
        %add3A_602 = vector.broadcast %add3A_601 : i32 to vector<16xi32>
        %add3A_603 = arith.addi %iota3A_197, %add3A_602 : vector<16xi32>
        %gather3A_604 = tpu.vector_load_idx %arg10[%add3A_577, %add3A_603] : memref<64x128xf32, #tpu.memory_space<vmem>>[vector<16xi32>, vector<16xi32>], vector<16xf32>,
        tpu.vector_store_idx %arg14[%add3A_603, %add3A_580], %gather3A_604 : memref<128x128xf32, #tpu.memory_space<vmem>>[vector<16xi32>, vector<16xi32>], vector<16xf32>,
        %add3A_605 = arith.constant 96 : i32
        %add3A_606 = vector.broadcast %add3A_605 : i32 to vector<16xi32>
        %add3A_607 = arith.addi %iota3A_197, %add3A_606 : vector<16xi32>
        %gather3A_608 = tpu.vector_load_idx %arg10[%add3A_577, %add3A_607] : memref<64x128xf32, #tpu.memory_space<vmem>>[vector<16xi32>, vector<16xi32>], vector<16xf32>,
        tpu.vector_store_idx %arg14[%add3A_607, %add3A_580], %gather3A_608 : memref<128x128xf32, #tpu.memory_space<vmem>>[vector<16xi32>, vector<16xi32>], vector<16xf32>,
        %add3A_609 = arith.constant 112 : i32
        %add3A_610 = vector.broadcast %add3A_609 : i32 to vector<16xi32>
        %add3A_611 = arith.addi %iota3A_197, %add3A_610 : vector<16xi32>
        %gather3A_612 = tpu.vector_load_idx %arg10[%add3A_577, %add3A_611] : memref<64x128xf32, #tpu.memory_space<vmem>>[vector<16xi32>, vector<16xi32>], vector<16xf32>,
        tpu.vector_store_idx %arg14[%add3A_611, %add3A_580], %gather3A_612 : memref<128x128xf32, #tpu.memory_space<vmem>>[vector<16xi32>, vector<16xi32>], vector<16xf32>,
        %add3A_613 = arith.constant 48 : i32
        %add3A_614 = vector.broadcast %add3A_613 : i32 to vector<16xi32>
        %add3A_615 = arith.addi %rem3A_499, %add3A_614 : vector<16xi32>
        %add3A_616 = arith.constant 49 : i32
        %add3A_617 = vector.broadcast %add3A_616 : i32 to vector<16xi32>
        %add3A_618 = arith.addi %rem3A_499, %add3A_617 : vector<16xi32>
        %add3A_619 = arith.constant 0 : i32
        %add3A_620 = vector.broadcast %add3A_619 : i32 to vector<16xi32>
        %add3A_621 = arith.addi %iota3A_197, %add3A_620 : vector<16xi32>
        %gather3A_622 = tpu.vector_load_idx %arg10[%add3A_615, %add3A_621] : memref<64x128xf32, #tpu.memory_space<vmem>>[vector<16xi32>, vector<16xi32>], vector<16xf32>,
        tpu.vector_store_idx %arg14[%add3A_621, %add3A_618], %gather3A_622 : memref<128x128xf32, #tpu.memory_space<vmem>>[vector<16xi32>, vector<16xi32>], vector<16xf32>,
        %add3A_623 = arith.constant 16 : i32
        %add3A_624 = vector.broadcast %add3A_623 : i32 to vector<16xi32>
        %add3A_625 = arith.addi %iota3A_197, %add3A_624 : vector<16xi32>
        %gather3A_626 = tpu.vector_load_idx %arg10[%add3A_615, %add3A_625] : memref<64x128xf32, #tpu.memory_space<vmem>>[vector<16xi32>, vector<16xi32>], vector<16xf32>,
        tpu.vector_store_idx %arg14[%add3A_625, %add3A_618], %gather3A_626 : memref<128x128xf32, #tpu.memory_space<vmem>>[vector<16xi32>, vector<16xi32>], vector<16xf32>,
        %add3A_627 = arith.constant 32 : i32
        %add3A_628 = vector.broadcast %add3A_627 : i32 to vector<16xi32>
        %add3A_629 = arith.addi %iota3A_197, %add3A_628 : vector<16xi32>
        %gather3A_630 = tpu.vector_load_idx %arg10[%add3A_615, %add3A_629] : memref<64x128xf32, #tpu.memory_space<vmem>>[vector<16xi32>, vector<16xi32>], vector<16xf32>,
        tpu.vector_store_idx %arg14[%add3A_629, %add3A_618], %gather3A_630 : memref<128x128xf32, #tpu.memory_space<vmem>>[vector<16xi32>, vector<16xi32>], vector<16xf32>,
        %add3A_631 = arith.constant 48 : i32
        %add3A_632 = vector.broadcast %add3A_631 : i32 to vector<16xi32>
        %add3A_633 = arith.addi %iota3A_197, %add3A_632 : vector<16xi32>
        %gather3A_634 = tpu.vector_load_idx %arg10[%add3A_615, %add3A_633] : memref<64x128xf32, #tpu.memory_space<vmem>>[vector<16xi32>, vector<16xi32>], vector<16xf32>,
        tpu.vector_store_idx %arg14[%add3A_633, %add3A_618], %gather3A_634 : memref<128x128xf32, #tpu.memory_space<vmem>>[vector<16xi32>, vector<16xi32>], vector<16xf32>,
        %add3A_635 = arith.constant 64 : i32
        %add3A_636 = vector.broadcast %add3A_635 : i32 to vector<16xi32>
        %add3A_637 = arith.addi %iota3A_197, %add3A_636 : vector<16xi32>
        %gather3A_638 = tpu.vector_load_idx %arg10[%add3A_615, %add3A_637] : memref<64x128xf32, #tpu.memory_space<vmem>>[vector<16xi32>, vector<16xi32>], vector<16xf32>,
        tpu.vector_store_idx %arg14[%add3A_637, %add3A_618], %gather3A_638 : memref<128x128xf32, #tpu.memory_space<vmem>>[vector<16xi32>, vector<16xi32>], vector<16xf32>,
        %add3A_639 = arith.constant 80 : i32
        %add3A_640 = vector.broadcast %add3A_639 : i32 to vector<16xi32>
        %add3A_641 = arith.addi %iota3A_197, %add3A_640 : vector<16xi32>
        %gather3A_642 = tpu.vector_load_idx %arg10[%add3A_615, %add3A_641] : memref<64x128xf32, #tpu.memory_space<vmem>>[vector<16xi32>, vector<16xi32>], vector<16xf32>,
        tpu.vector_store_idx %arg14[%add3A_641, %add3A_618], %gather3A_642 : memref<128x128xf32, #tpu.memory_space<vmem>>[vector<16xi32>, vector<16xi32>], vector<16xf32>,
        %add3A_643 = arith.constant 96 : i32
        %add3A_644 = vector.broadcast %add3A_643 : i32 to vector<16xi32>
        %add3A_645 = arith.addi %iota3A_197, %add3A_644 : vector<16xi32>
        %gather3A_646 = tpu.vector_load_idx %arg10[%add3A_615, %add3A_645] : memref<64x128xf32, #tpu.memory_space<vmem>>[vector<16xi32>, vector<16xi32>], vector<16xf32>,
        tpu.vector_store_idx %arg14[%add3A_645, %add3A_618], %gather3A_646 : memref<128x128xf32, #tpu.memory_space<vmem>>[vector<16xi32>, vector<16xi32>], vector<16xf32>,
        %add3A_647 = arith.constant 112 : i32
        %add3A_648 = vector.broadcast %add3A_647 : i32 to vector<16xi32>
        %add3A_649 = arith.addi %iota3A_197, %add3A_648 : vector<16xi32>
        %gather3A_650 = tpu.vector_load_idx %arg10[%add3A_615, %add3A_649] : memref<64x128xf32, #tpu.memory_space<vmem>>[vector<16xi32>, vector<16xi32>], vector<16xf32>,
        tpu.vector_store_idx %arg14[%add3A_649, %add3A_618], %gather3A_650 : memref<128x128xf32, #tpu.memory_space<vmem>>[vector<16xi32>, vector<16xi32>], vector<16xf32>,
      }
      %scan3A_267 = arith.constant 16 : i32
      %add3A_268 = arith.constant 1 : i32
      %add3A_269 = arith.addi %mul3A_81, %add3A_268 : i32
      %dma_start3A_270 = arith.constant 0 : i32
      %dma_start3A_271 = tpu.memref_slice %arg7[%add3A_269, %dma_start3A_270] : memref<64x128xi32, #tpu.memory_space<vmem>> -> memref<1x128xi32, #tpu.memory_space<vmem>>
      %dma_start3A_272 = tpu.memref_squeeze %dma_start3A_271 : memref<1x128xi32, #tpu.memory_space<vmem>> -> memref<128xi32, #tpu.memory_space<vmem>>
      %dma_start3A_273 = arith.constant 0 : i32
      %dma_start3A_274 = arith.constant 0 : i32
      %dma_start3A_275 = tpu.memref_slice %arg5[%dma_start3A_273, %dma_start3A_274] : memref<524288x128xf32, #tpu.memory_space<hbm>> -> memref<524288x128xf32, #tpu.memory_space<hbm>>
      tpu.enqueue_indirect_dma source(%arg14 : memref<128x128xf32, #tpu.memory_space<vmem>>) target(%dma_start3A_275 : memref<524288x128xf32, #tpu.memory_space<hbm>>) offsets(%dma_start3A_272 : memref<128xi32, #tpu.memory_space<vmem>>) semaphore(%arg23 : memref<!tpu.dma_semaphore, #tpu.memory_space<semaphore_mem>>)
      %add3A_276 = arith.constant 1 : i32
      %add3A_277 = arith.addi %mul3A_81, %add3A_276 : i32
      %add3A_278 = arith.constant 4 : i32
      %add3A_279 = arith.addi %add3A_277, %add3A_278 : i32
      %lt3A_280 = arith.constant 64 : i32
      %lt3A_281 = arith.cmpi slt, %add3A_279, %lt3A_280 : i32
      %convert_element_type3A_282 = arith.extui %lt3A_281 : i1 to i32
      %cond3A_283 = arith.constant 0 : i32
      %cond3A_284 = arith.cmpi ne, %convert_element_type3A_282, %cond3A_283 : i32
      scf.if %cond3A_284 {
        %add3A_495 = arith.constant 1 : i32
        %add3A_496 = arith.addi %mul3A_81, %add3A_495 : i32
        %add3A_497 = arith.constant 4 : i32
        %add3A_498 = arith.addi %add3A_496, %add3A_497 : i32
        %mul3A_499 = arith.constant 128 : i32
        %mul3A_500 = arith.muli %add3A_498, %mul3A_499 : i32
        %add3A_501 = arith.addi %mul3A_2, %mul3A_500 : i32
        %multiple_of3A_502 = tpu.assume_multiple %add3A_501, 128 : i32
        %dma_start3A_503 = arith.constant 0 : i32
        %dma_start3A_504 = tpu.memref_slice %arg4[%dma_start3A_503, %multiple_of3A_502] : memref<64x262144xf32, #tpu.memory_space<hbm>> -> memref<64x128xf32, #tpu.memory_space<hbm>>
        %dma_start3A_505 = arith.constant 0 : i32
        %dma_start3A_506 = tpu.memref_slice %arg4[%dma_start3A_505, %multiple_of3A_502] : memref<64x262144xf32, #tpu.memory_space<hbm>> -> memref<64x128xf32, #tpu.memory_space<hbm>>
        tpu.enqueue_dma source(%dma_start3A_506 : memref<64x128xf32, #tpu.memory_space<hbm>>) target(%arg10 : memref<64x128xf32, #tpu.memory_space<vmem>>) target_semaphore(%arg19 : memref<!tpu.dma_semaphore, #tpu.memory_space<semaphore_mem>>)
      } else {
      }
      %add3A_285 = arith.constant 2 : i32
      %add3A_286 = arith.addi %mul3A_81, %add3A_285 : i32
      %mul3A_287 = arith.constant 128 : i32
      %mul3A_288 = arith.muli %add3A_286, %mul3A_287 : i32
      %add3A_289 = arith.addi %mul3A_2, %mul3A_288 : i32
      %multiple_of3A_290 = tpu.assume_multiple %add3A_289, 128 : i32
      %dma_wait3A_291 = arith.constant 0 : i32
      %dma_wait3A_292 = tpu.memref_slice %arg4[%dma_wait3A_291, %multiple_of3A_290] : memref<64x262144xf32, #tpu.memory_space<hbm>> -> memref<64x128xf32, #tpu.memory_space<hbm>>
      %dma_wait3A_293 = arith.constant 0 : i32
      %dma_wait3A_294 = tpu.memref_slice %arg4[%dma_wait3A_293, %multiple_of3A_290] : memref<64x262144xf32, #tpu.memory_space<hbm>> -> memref<64x128xf32, #tpu.memory_space<hbm>>
      tpu.wait_dma2 semaphore(%arg20 : memref<!tpu.dma_semaphore, #tpu.memory_space<semaphore_mem>>) src(%dma_wait3A_294 : memref<64x128xf32, #tpu.memory_space<hbm>>) dst(%arg11 : memref<64x128xf32, #tpu.memory_space<vmem>>)
      %gt3A_295 = arith.constant 0 : i32
      %gt3A_296 = arith.cmpi sgt, %scan3A_79, %gt3A_295 : i32
      %convert_element_type3A_297 = arith.extui %gt3A_296 : i1 to i32
      %cond3A_298 = arith.constant 0 : i32
      %cond3A_299 = arith.cmpi ne, %convert_element_type3A_297, %cond3A_298 : i32
      scf.if %cond3A_299 {
        %sub3A = arith.constant 4 : i32
        %sub3A_495 = arith.subi %mul3A_81, %sub3A : i32
        %add3A_496 = arith.constant 2 : i32
        %add3A_497 = arith.addi %sub3A_495, %add3A_496 : i32
        %dma_wait3A_498 = arith.constant 0 : i32
        %dma_wait3A_499 = tpu.memref_slice %arg7[%add3A_497, %dma_wait3A_498] : memref<64x128xi32, #tpu.memory_space<vmem>> -> memref<1x128xi32, #tpu.memory_space<vmem>>
        %dma_wait3A_500 = tpu.memref_squeeze %dma_wait3A_499 : memref<1x128xi32, #tpu.memory_space<vmem>> -> memref<128xi32, #tpu.memory_space<vmem>>
        %dma_wait3A_501 = arith.constant 0 : i32
        %dma_wait3A_502 = arith.constant 0 : i32
        %dma_wait3A_503 = tpu.memref_slice %arg5[%dma_wait3A_501, %dma_wait3A_502] : memref<524288x128xf32, #tpu.memory_space<hbm>> -> memref<524288x128xf32, #tpu.memory_space<hbm>>
        tpu.wait_indirect_dma semaphore(%arg24 : memref<!tpu.dma_semaphore, #tpu.memory_space<semaphore_mem>>) src(%arg15 : memref<128x128xf32, #tpu.memory_space<vmem>>) dst(%dma_wait3A_503 : memref<524288x128xf32, #tpu.memory_space<hbm>>)
      } else {
      }
      %add3A_300 = arith.constant 2 : i32
      %add3A_301 = arith.addi %mul3A_81, %add3A_300 : i32
      %iota3A_302 = tpu.iota {dimensions = array<i32: 0>} : vector<16xi32>
      %add3A_303 = arith.constant 0 : i32
      %add3A_304 = vector.broadcast %add3A_303 : i32 to vector<16xi32>
      %add3A_305 = arith.addi %iota3A_302, %add3A_304 : vector<16xi32>
      %broadcast_in_dim3A_306 = arith.constant 0 : i32
      %broadcast_in_dim3A_307 = vector.broadcast %broadcast_in_dim3A_306 : i32 to vector<16xi32>
      %get3A_308 = arith.index_cast %add3A_301 : i32 to index
      %get3A_309 = arith.constant 0 : index
      %get3A_310 = tpu.vector_load %arg8[%get3A_308, %get3A_309] {strides = array<i32>} : memref<64x128xf32, #tpu.memory_space<vmem>>, vector<16xf32>,
      tpu.vector_store_idx %arg15[%add3A_305, %broadcast_in_dim3A_307], %get3A_310 : memref<128x128xf32, #tpu.memory_space<vmem>>[vector<16xi32>, vector<16xi32>], vector<16xf32>,
      %add3A_311 = arith.constant 16 : i32
      %add3A_312 = vector.broadcast %add3A_311 : i32 to vector<16xi32>
      %add3A_313 = arith.addi %iota3A_302, %add3A_312 : vector<16xi32>
      %broadcast_in_dim3A_314 = arith.constant 0 : i32
      %broadcast_in_dim3A_315 = vector.broadcast %broadcast_in_dim3A_314 : i32 to vector<16xi32>
      %get3A_316 = arith.index_cast %add3A_301 : i32 to index
      %get3A_317 = arith.constant 16 : index
      %get3A_318 = tpu.vector_load %arg8[%get3A_316, %get3A_317] {strides = array<i32>} : memref<64x128xf32, #tpu.memory_space<vmem>>, vector<16xf32>,
      tpu.vector_store_idx %arg15[%add3A_313, %broadcast_in_dim3A_315], %get3A_318 : memref<128x128xf32, #tpu.memory_space<vmem>>[vector<16xi32>, vector<16xi32>], vector<16xf32>,
      %add3A_319 = arith.constant 32 : i32
      %add3A_320 = vector.broadcast %add3A_319 : i32 to vector<16xi32>
      %add3A_321 = arith.addi %iota3A_302, %add3A_320 : vector<16xi32>
      %broadcast_in_dim3A_322 = arith.constant 0 : i32
      %broadcast_in_dim3A_323 = vector.broadcast %broadcast_in_dim3A_322 : i32 to vector<16xi32>
      %get3A_324 = arith.index_cast %add3A_301 : i32 to index
      %get3A_325 = arith.constant 32 : index
      %get3A_326 = tpu.vector_load %arg8[%get3A_324, %get3A_325] {strides = array<i32>} : memref<64x128xf32, #tpu.memory_space<vmem>>, vector<16xf32>,
      tpu.vector_store_idx %arg15[%add3A_321, %broadcast_in_dim3A_323], %get3A_326 : memref<128x128xf32, #tpu.memory_space<vmem>>[vector<16xi32>, vector<16xi32>], vector<16xf32>,
      %add3A_327 = arith.constant 48 : i32
      %add3A_328 = vector.broadcast %add3A_327 : i32 to vector<16xi32>
      %add3A_329 = arith.addi %iota3A_302, %add3A_328 : vector<16xi32>
      %broadcast_in_dim3A_330 = arith.constant 0 : i32
      %broadcast_in_dim3A_331 = vector.broadcast %broadcast_in_dim3A_330 : i32 to vector<16xi32>
      %get3A_332 = arith.index_cast %add3A_301 : i32 to index
      %get3A_333 = arith.constant 48 : index
      %get3A_334 = tpu.vector_load %arg8[%get3A_332, %get3A_333] {strides = array<i32>} : memref<64x128xf32, #tpu.memory_space<vmem>>, vector<16xf32>,
      tpu.vector_store_idx %arg15[%add3A_329, %broadcast_in_dim3A_331], %get3A_334 : memref<128x128xf32, #tpu.memory_space<vmem>>[vector<16xi32>, vector<16xi32>], vector<16xf32>,
      %add3A_335 = arith.constant 64 : i32
      %add3A_336 = vector.broadcast %add3A_335 : i32 to vector<16xi32>
      %add3A_337 = arith.addi %iota3A_302, %add3A_336 : vector<16xi32>
      %broadcast_in_dim3A_338 = arith.constant 0 : i32
      %broadcast_in_dim3A_339 = vector.broadcast %broadcast_in_dim3A_338 : i32 to vector<16xi32>
      %get3A_340 = arith.index_cast %add3A_301 : i32 to index
      %get3A_341 = arith.constant 64 : index
      %get3A_342 = tpu.vector_load %arg8[%get3A_340, %get3A_341] {strides = array<i32>} : memref<64x128xf32, #tpu.memory_space<vmem>>, vector<16xf32>,
      tpu.vector_store_idx %arg15[%add3A_337, %broadcast_in_dim3A_339], %get3A_342 : memref<128x128xf32, #tpu.memory_space<vmem>>[vector<16xi32>, vector<16xi32>], vector<16xf32>,
      %add3A_343 = arith.constant 80 : i32
      %add3A_344 = vector.broadcast %add3A_343 : i32 to vector<16xi32>
      %add3A_345 = arith.addi %iota3A_302, %add3A_344 : vector<16xi32>
      %broadcast_in_dim3A_346 = arith.constant 0 : i32
      %broadcast_in_dim3A_347 = vector.broadcast %broadcast_in_dim3A_346 : i32 to vector<16xi32>
      %get3A_348 = arith.index_cast %add3A_301 : i32 to index
      %get3A_349 = arith.constant 80 : index
      %get3A_350 = tpu.vector_load %arg8[%get3A_348, %get3A_349] {strides = array<i32>} : memref<64x128xf32, #tpu.memory_space<vmem>>, vector<16xf32>,
      tpu.vector_store_idx %arg15[%add3A_345, %broadcast_in_dim3A_347], %get3A_350 : memref<128x128xf32, #tpu.memory_space<vmem>>[vector<16xi32>, vector<16xi32>], vector<16xf32>,
      %add3A_351 = arith.constant 96 : i32
      %add3A_352 = vector.broadcast %add3A_351 : i32 to vector<16xi32>
      %add3A_353 = arith.addi %iota3A_302, %add3A_352 : vector<16xi32>
      %broadcast_in_dim3A_354 = arith.constant 0 : i32
      %broadcast_in_dim3A_355 = vector.broadcast %broadcast_in_dim3A_354 : i32 to vector<16xi32>
      %get3A_356 = arith.index_cast %add3A_301 : i32 to index
      %get3A_357 = arith.constant 96 : index
      %get3A_358 = tpu.vector_load %arg8[%get3A_356, %get3A_357] {strides = array<i32>} : memref<64x128xf32, #tpu.memory_space<vmem>>, vector<16xf32>,
      tpu.vector_store_idx %arg15[%add3A_353, %broadcast_in_dim3A_355], %get3A_358 : memref<128x128xf32, #tpu.memory_space<vmem>>[vector<16xi32>, vector<16xi32>], vector<16xf32>,
      %add3A_359 = arith.constant 112 : i32
      %add3A_360 = vector.broadcast %add3A_359 : i32 to vector<16xi32>
      %add3A_361 = arith.addi %iota3A_302, %add3A_360 : vector<16xi32>
      %broadcast_in_dim3A_362 = arith.constant 0 : i32
      %broadcast_in_dim3A_363 = vector.broadcast %broadcast_in_dim3A_362 : i32 to vector<16xi32>
      %get3A_364 = arith.index_cast %add3A_301 : i32 to index
      %get3A_365 = arith.constant 112 : index
      %get3A_366 = tpu.vector_load %arg8[%get3A_364, %get3A_365] {strides = array<i32>} : memref<64x128xf32, #tpu.memory_space<vmem>>, vector<16xf32>,
      tpu.vector_store_idx %arg15[%add3A_361, %broadcast_in_dim3A_363], %get3A_366 : memref<128x128xf32, #tpu.memory_space<vmem>>[vector<16xi32>, vector<16xi32>], vector<16xf32>,
      %scan3A_367 = arith.constant 0 : i32
      %scan3A_368 = arith.constant 0 : i32
      %scan3A_369 = arith.constant 16 : i32
      %scan3A_370 = arith.addi %scan3A_368, %scan3A_369 : i32
      %scan3A_371 = arith.constant 1 : i32
      scf.for %scan3A_495 = %scan3A_368 to %scan3A_370 step %scan3A_371  : i32 {
        %add3A_496 = vector.broadcast %scan3A_495 : i32 to vector<16xi32>
        %add3A_497 = arith.addi %iota3A_302, %add3A_496 : vector<16xi32>
        %rem3A = arith.constant 16 : i32
        %rem3A_498 = vector.broadcast %rem3A : i32 to vector<16xi32>
        %rem3A_499 = arith.remsi %add3A_497, %rem3A_498 : vector<16xi32>
        %add3A_500 = arith.constant 0 : i32
        %add3A_501 = vector.broadcast %add3A_500 : i32 to vector<16xi32>
        %add3A_502 = arith.addi %rem3A_499, %add3A_501 : vector<16xi32>
        %add3A_503 = arith.constant 1 : i32
        %add3A_504 = vector.broadcast %add3A_503 : i32 to vector<16xi32>
        %add3A_505 = arith.addi %rem3A_499, %add3A_504 : vector<16xi32>
        %add3A_506 = arith.constant 0 : i32
        %add3A_507 = vector.broadcast %add3A_506 : i32 to vector<16xi32>
        %add3A_508 = arith.addi %iota3A_302, %add3A_507 : vector<16xi32>
        %gather3A = tpu.vector_load_idx %arg11[%add3A_502, %add3A_508] : memref<64x128xf32, #tpu.memory_space<vmem>>[vector<16xi32>, vector<16xi32>], vector<16xf32>,
        tpu.vector_store_idx %arg15[%add3A_508, %add3A_505], %gather3A : memref<128x128xf32, #tpu.memory_space<vmem>>[vector<16xi32>, vector<16xi32>], vector<16xf32>,
        %add3A_509 = arith.constant 16 : i32
        %add3A_510 = vector.broadcast %add3A_509 : i32 to vector<16xi32>
        %add3A_511 = arith.addi %iota3A_302, %add3A_510 : vector<16xi32>
        %gather3A_512 = tpu.vector_load_idx %arg11[%add3A_502, %add3A_511] : memref<64x128xf32, #tpu.memory_space<vmem>>[vector<16xi32>, vector<16xi32>], vector<16xf32>,
        tpu.vector_store_idx %arg15[%add3A_511, %add3A_505], %gather3A_512 : memref<128x128xf32, #tpu.memory_space<vmem>>[vector<16xi32>, vector<16xi32>], vector<16xf32>,
        %add3A_513 = arith.constant 32 : i32
        %add3A_514 = vector.broadcast %add3A_513 : i32 to vector<16xi32>
        %add3A_515 = arith.addi %iota3A_302, %add3A_514 : vector<16xi32>
        %gather3A_516 = tpu.vector_load_idx %arg11[%add3A_502, %add3A_515] : memref<64x128xf32, #tpu.memory_space<vmem>>[vector<16xi32>, vector<16xi32>], vector<16xf32>,
        tpu.vector_store_idx %arg15[%add3A_515, %add3A_505], %gather3A_516 : memref<128x128xf32, #tpu.memory_space<vmem>>[vector<16xi32>, vector<16xi32>], vector<16xf32>,
        %add3A_517 = arith.constant 48 : i32
        %add3A_518 = vector.broadcast %add3A_517 : i32 to vector<16xi32>
        %add3A_519 = arith.addi %iota3A_302, %add3A_518 : vector<16xi32>
        %gather3A_520 = tpu.vector_load_idx %arg11[%add3A_502, %add3A_519] : memref<64x128xf32, #tpu.memory_space<vmem>>[vector<16xi32>, vector<16xi32>], vector<16xf32>,
        tpu.vector_store_idx %arg15[%add3A_519, %add3A_505], %gather3A_520 : memref<128x128xf32, #tpu.memory_space<vmem>>[vector<16xi32>, vector<16xi32>], vector<16xf32>,
        %add3A_521 = arith.constant 64 : i32
        %add3A_522 = vector.broadcast %add3A_521 : i32 to vector<16xi32>
        %add3A_523 = arith.addi %iota3A_302, %add3A_522 : vector<16xi32>
        %gather3A_524 = tpu.vector_load_idx %arg11[%add3A_502, %add3A_523] : memref<64x128xf32, #tpu.memory_space<vmem>>[vector<16xi32>, vector<16xi32>], vector<16xf32>,
        tpu.vector_store_idx %arg15[%add3A_523, %add3A_505], %gather3A_524 : memref<128x128xf32, #tpu.memory_space<vmem>>[vector<16xi32>, vector<16xi32>], vector<16xf32>,
        %add3A_525 = arith.constant 80 : i32
        %add3A_526 = vector.broadcast %add3A_525 : i32 to vector<16xi32>
        %add3A_527 = arith.addi %iota3A_302, %add3A_526 : vector<16xi32>
        %gather3A_528 = tpu.vector_load_idx %arg11[%add3A_502, %add3A_527] : memref<64x128xf32, #tpu.memory_space<vmem>>[vector<16xi32>, vector<16xi32>], vector<16xf32>,
        tpu.vector_store_idx %arg15[%add3A_527, %add3A_505], %gather3A_528 : memref<128x128xf32, #tpu.memory_space<vmem>>[vector<16xi32>, vector<16xi32>], vector<16xf32>,
        %add3A_529 = arith.constant 96 : i32
        %add3A_530 = vector.broadcast %add3A_529 : i32 to vector<16xi32>
        %add3A_531 = arith.addi %iota3A_302, %add3A_530 : vector<16xi32>
        %gather3A_532 = tpu.vector_load_idx %arg11[%add3A_502, %add3A_531] : memref<64x128xf32, #tpu.memory_space<vmem>>[vector<16xi32>, vector<16xi32>], vector<16xf32>,
        tpu.vector_store_idx %arg15[%add3A_531, %add3A_505], %gather3A_532 : memref<128x128xf32, #tpu.memory_space<vmem>>[vector<16xi32>, vector<16xi32>], vector<16xf32>,
        %add3A_533 = arith.constant 112 : i32
        %add3A_534 = vector.broadcast %add3A_533 : i32 to vector<16xi32>
        %add3A_535 = arith.addi %iota3A_302, %add3A_534 : vector<16xi32>
        %gather3A_536 = tpu.vector_load_idx %arg11[%add3A_502, %add3A_535] : memref<64x128xf32, #tpu.memory_space<vmem>>[vector<16xi32>, vector<16xi32>], vector<16xf32>,
        tpu.vector_store_idx %arg15[%add3A_535, %add3A_505], %gather3A_536 : memref<128x128xf32, #tpu.memory_space<vmem>>[vector<16xi32>, vector<16xi32>], vector<16xf32>,
        %add3A_537 = arith.constant 16 : i32
        %add3A_538 = vector.broadcast %add3A_537 : i32 to vector<16xi32>
        %add3A_539 = arith.addi %rem3A_499, %add3A_538 : vector<16xi32>
        %add3A_540 = arith.constant 17 : i32
        %add3A_541 = vector.broadcast %add3A_540 : i32 to vector<16xi32>
        %add3A_542 = arith.addi %rem3A_499, %add3A_541 : vector<16xi32>
        %add3A_543 = arith.constant 0 : i32
        %add3A_544 = vector.broadcast %add3A_543 : i32 to vector<16xi32>
        %add3A_545 = arith.addi %iota3A_302, %add3A_544 : vector<16xi32>
        %gather3A_546 = tpu.vector_load_idx %arg11[%add3A_539, %add3A_545] : memref<64x128xf32, #tpu.memory_space<vmem>>[vector<16xi32>, vector<16xi32>], vector<16xf32>,
        tpu.vector_store_idx %arg15[%add3A_545, %add3A_542], %gather3A_546 : memref<128x128xf32, #tpu.memory_space<vmem>>[vector<16xi32>, vector<16xi32>], vector<16xf32>,
        %add3A_547 = arith.constant 16 : i32
        %add3A_548 = vector.broadcast %add3A_547 : i32 to vector<16xi32>
        %add3A_549 = arith.addi %iota3A_302, %add3A_548 : vector<16xi32>
        %gather3A_550 = tpu.vector_load_idx %arg11[%add3A_539, %add3A_549] : memref<64x128xf32, #tpu.memory_space<vmem>>[vector<16xi32>, vector<16xi32>], vector<16xf32>,
        tpu.vector_store_idx %arg15[%add3A_549, %add3A_542], %gather3A_550 : memref<128x128xf32, #tpu.memory_space<vmem>>[vector<16xi32>, vector<16xi32>], vector<16xf32>,
        %add3A_551 = arith.constant 32 : i32
        %add3A_552 = vector.broadcast %add3A_551 : i32 to vector<16xi32>
        %add3A_553 = arith.addi %iota3A_302, %add3A_552 : vector<16xi32>
        %gather3A_554 = tpu.vector_load_idx %arg11[%add3A_539, %add3A_553] : memref<64x128xf32, #tpu.memory_space<vmem>>[vector<16xi32>, vector<16xi32>], vector<16xf32>,
        tpu.vector_store_idx %arg15[%add3A_553, %add3A_542], %gather3A_554 : memref<128x128xf32, #tpu.memory_space<vmem>>[vector<16xi32>, vector<16xi32>], vector<16xf32>,
        %add3A_555 = arith.constant 48 : i32
        %add3A_556 = vector.broadcast %add3A_555 : i32 to vector<16xi32>
        %add3A_557 = arith.addi %iota3A_302, %add3A_556 : vector<16xi32>
        %gather3A_558 = tpu.vector_load_idx %arg11[%add3A_539, %add3A_557] : memref<64x128xf32, #tpu.memory_space<vmem>>[vector<16xi32>, vector<16xi32>], vector<16xf32>,
        tpu.vector_store_idx %arg15[%add3A_557, %add3A_542], %gather3A_558 : memref<128x128xf32, #tpu.memory_space<vmem>>[vector<16xi32>, vector<16xi32>], vector<16xf32>,
        %add3A_559 = arith.constant 64 : i32
        %add3A_560 = vector.broadcast %add3A_559 : i32 to vector<16xi32>
        %add3A_561 = arith.addi %iota3A_302, %add3A_560 : vector<16xi32>
        %gather3A_562 = tpu.vector_load_idx %arg11[%add3A_539, %add3A_561] : memref<64x128xf32, #tpu.memory_space<vmem>>[vector<16xi32>, vector<16xi32>], vector<16xf32>,
        tpu.vector_store_idx %arg15[%add3A_561, %add3A_542], %gather3A_562 : memref<128x128xf32, #tpu.memory_space<vmem>>[vector<16xi32>, vector<16xi32>], vector<16xf32>,
        %add3A_563 = arith.constant 80 : i32
        %add3A_564 = vector.broadcast %add3A_563 : i32 to vector<16xi32>
        %add3A_565 = arith.addi %iota3A_302, %add3A_564 : vector<16xi32>
        %gather3A_566 = tpu.vector_load_idx %arg11[%add3A_539, %add3A_565] : memref<64x128xf32, #tpu.memory_space<vmem>>[vector<16xi32>, vector<16xi32>], vector<16xf32>,
        tpu.vector_store_idx %arg15[%add3A_565, %add3A_542], %gather3A_566 : memref<128x128xf32, #tpu.memory_space<vmem>>[vector<16xi32>, vector<16xi32>], vector<16xf32>,
        %add3A_567 = arith.constant 96 : i32
        %add3A_568 = vector.broadcast %add3A_567 : i32 to vector<16xi32>
        %add3A_569 = arith.addi %iota3A_302, %add3A_568 : vector<16xi32>
        %gather3A_570 = tpu.vector_load_idx %arg11[%add3A_539, %add3A_569] : memref<64x128xf32, #tpu.memory_space<vmem>>[vector<16xi32>, vector<16xi32>], vector<16xf32>,
        tpu.vector_store_idx %arg15[%add3A_569, %add3A_542], %gather3A_570 : memref<128x128xf32, #tpu.memory_space<vmem>>[vector<16xi32>, vector<16xi32>], vector<16xf32>,
        %add3A_571 = arith.constant 112 : i32
        %add3A_572 = vector.broadcast %add3A_571 : i32 to vector<16xi32>
        %add3A_573 = arith.addi %iota3A_302, %add3A_572 : vector<16xi32>
        %gather3A_574 = tpu.vector_load_idx %arg11[%add3A_539, %add3A_573] : memref<64x128xf32, #tpu.memory_space<vmem>>[vector<16xi32>, vector<16xi32>], vector<16xf32>,
        tpu.vector_store_idx %arg15[%add3A_573, %add3A_542], %gather3A_574 : memref<128x128xf32, #tpu.memory_space<vmem>>[vector<16xi32>, vector<16xi32>], vector<16xf32>,
        %add3A_575 = arith.constant 32 : i32
        %add3A_576 = vector.broadcast %add3A_575 : i32 to vector<16xi32>
        %add3A_577 = arith.addi %rem3A_499, %add3A_576 : vector<16xi32>
        %add3A_578 = arith.constant 33 : i32
        %add3A_579 = vector.broadcast %add3A_578 : i32 to vector<16xi32>
        %add3A_580 = arith.addi %rem3A_499, %add3A_579 : vector<16xi32>
        %add3A_581 = arith.constant 0 : i32
        %add3A_582 = vector.broadcast %add3A_581 : i32 to vector<16xi32>
        %add3A_583 = arith.addi %iota3A_302, %add3A_582 : vector<16xi32>
        %gather3A_584 = tpu.vector_load_idx %arg11[%add3A_577, %add3A_583] : memref<64x128xf32, #tpu.memory_space<vmem>>[vector<16xi32>, vector<16xi32>], vector<16xf32>,
        tpu.vector_store_idx %arg15[%add3A_583, %add3A_580], %gather3A_584 : memref<128x128xf32, #tpu.memory_space<vmem>>[vector<16xi32>, vector<16xi32>], vector<16xf32>,
        %add3A_585 = arith.constant 16 : i32
        %add3A_586 = vector.broadcast %add3A_585 : i32 to vector<16xi32>
        %add3A_587 = arith.addi %iota3A_302, %add3A_586 : vector<16xi32>
        %gather3A_588 = tpu.vector_load_idx %arg11[%add3A_577, %add3A_587] : memref<64x128xf32, #tpu.memory_space<vmem>>[vector<16xi32>, vector<16xi32>], vector<16xf32>,
        tpu.vector_store_idx %arg15[%add3A_587, %add3A_580], %gather3A_588 : memref<128x128xf32, #tpu.memory_space<vmem>>[vector<16xi32>, vector<16xi32>], vector<16xf32>,
        %add3A_589 = arith.constant 32 : i32
        %add3A_590 = vector.broadcast %add3A_589 : i32 to vector<16xi32>
        %add3A_591 = arith.addi %iota3A_302, %add3A_590 : vector<16xi32>
        %gather3A_592 = tpu.vector_load_idx %arg11[%add3A_577, %add3A_591] : memref<64x128xf32, #tpu.memory_space<vmem>>[vector<16xi32>, vector<16xi32>], vector<16xf32>,
        tpu.vector_store_idx %arg15[%add3A_591, %add3A_580], %gather3A_592 : memref<128x128xf32, #tpu.memory_space<vmem>>[vector<16xi32>, vector<16xi32>], vector<16xf32>,
        %add3A_593 = arith.constant 48 : i32
        %add3A_594 = vector.broadcast %add3A_593 : i32 to vector<16xi32>
        %add3A_595 = arith.addi %iota3A_302, %add3A_594 : vector<16xi32>
        %gather3A_596 = tpu.vector_load_idx %arg11[%add3A_577, %add3A_595] : memref<64x128xf32, #tpu.memory_space<vmem>>[vector<16xi32>, vector<16xi32>], vector<16xf32>,
        tpu.vector_store_idx %arg15[%add3A_595, %add3A_580], %gather3A_596 : memref<128x128xf32, #tpu.memory_space<vmem>>[vector<16xi32>, vector<16xi32>], vector<16xf32>,
        %add3A_597 = arith.constant 64 : i32
        %add3A_598 = vector.broadcast %add3A_597 : i32 to vector<16xi32>
        %add3A_599 = arith.addi %iota3A_302, %add3A_598 : vector<16xi32>
        %gather3A_600 = tpu.vector_load_idx %arg11[%add3A_577, %add3A_599] : memref<64x128xf32, #tpu.memory_space<vmem>>[vector<16xi32>, vector<16xi32>], vector<16xf32>,
        tpu.vector_store_idx %arg15[%add3A_599, %add3A_580], %gather3A_600 : memref<128x128xf32, #tpu.memory_space<vmem>>[vector<16xi32>, vector<16xi32>], vector<16xf32>,
        %add3A_601 = arith.constant 80 : i32
        %add3A_602 = vector.broadcast %add3A_601 : i32 to vector<16xi32>
        %add3A_603 = arith.addi %iota3A_302, %add3A_602 : vector<16xi32>
        %gather3A_604 = tpu.vector_load_idx %arg11[%add3A_577, %add3A_603] : memref<64x128xf32, #tpu.memory_space<vmem>>[vector<16xi32>, vector<16xi32>], vector<16xf32>,
        tpu.vector_store_idx %arg15[%add3A_603, %add3A_580], %gather3A_604 : memref<128x128xf32, #tpu.memory_space<vmem>>[vector<16xi32>, vector<16xi32>], vector<16xf32>,
        %add3A_605 = arith.constant 96 : i32
        %add3A_606 = vector.broadcast %add3A_605 : i32 to vector<16xi32>
        %add3A_607 = arith.addi %iota3A_302, %add3A_606 : vector<16xi32>
        %gather3A_608 = tpu.vector_load_idx %arg11[%add3A_577, %add3A_607] : memref<64x128xf32, #tpu.memory_space<vmem>>[vector<16xi32>, vector<16xi32>], vector<16xf32>,
        tpu.vector_store_idx %arg15[%add3A_607, %add3A_580], %gather3A_608 : memref<128x128xf32, #tpu.memory_space<vmem>>[vector<16xi32>, vector<16xi32>], vector<16xf32>,
        %add3A_609 = arith.constant 112 : i32
        %add3A_610 = vector.broadcast %add3A_609 : i32 to vector<16xi32>
        %add3A_611 = arith.addi %iota3A_302, %add3A_610 : vector<16xi32>
        %gather3A_612 = tpu.vector_load_idx %arg11[%add3A_577, %add3A_611] : memref<64x128xf32, #tpu.memory_space<vmem>>[vector<16xi32>, vector<16xi32>], vector<16xf32>,
        tpu.vector_store_idx %arg15[%add3A_611, %add3A_580], %gather3A_612 : memref<128x128xf32, #tpu.memory_space<vmem>>[vector<16xi32>, vector<16xi32>], vector<16xf32>,
        %add3A_613 = arith.constant 48 : i32
        %add3A_614 = vector.broadcast %add3A_613 : i32 to vector<16xi32>
        %add3A_615 = arith.addi %rem3A_499, %add3A_614 : vector<16xi32>
        %add3A_616 = arith.constant 49 : i32
        %add3A_617 = vector.broadcast %add3A_616 : i32 to vector<16xi32>
        %add3A_618 = arith.addi %rem3A_499, %add3A_617 : vector<16xi32>
        %add3A_619 = arith.constant 0 : i32
        %add3A_620 = vector.broadcast %add3A_619 : i32 to vector<16xi32>
        %add3A_621 = arith.addi %iota3A_302, %add3A_620 : vector<16xi32>
        %gather3A_622 = tpu.vector_load_idx %arg11[%add3A_615, %add3A_621] : memref<64x128xf32, #tpu.memory_space<vmem>>[vector<16xi32>, vector<16xi32>], vector<16xf32>,
        tpu.vector_store_idx %arg15[%add3A_621, %add3A_618], %gather3A_622 : memref<128x128xf32, #tpu.memory_space<vmem>>[vector<16xi32>, vector<16xi32>], vector<16xf32>,
        %add3A_623 = arith.constant 16 : i32
        %add3A_624 = vector.broadcast %add3A_623 : i32 to vector<16xi32>
        %add3A_625 = arith.addi %iota3A_302, %add3A_624 : vector<16xi32>
        %gather3A_626 = tpu.vector_load_idx %arg11[%add3A_615, %add3A_625] : memref<64x128xf32, #tpu.memory_space<vmem>>[vector<16xi32>, vector<16xi32>], vector<16xf32>,
        tpu.vector_store_idx %arg15[%add3A_625, %add3A_618], %gather3A_626 : memref<128x128xf32, #tpu.memory_space<vmem>>[vector<16xi32>, vector<16xi32>], vector<16xf32>,
        %add3A_627 = arith.constant 32 : i32
        %add3A_628 = vector.broadcast %add3A_627 : i32 to vector<16xi32>
        %add3A_629 = arith.addi %iota3A_302, %add3A_628 : vector<16xi32>
        %gather3A_630 = tpu.vector_load_idx %arg11[%add3A_615, %add3A_629] : memref<64x128xf32, #tpu.memory_space<vmem>>[vector<16xi32>, vector<16xi32>], vector<16xf32>,
        tpu.vector_store_idx %arg15[%add3A_629, %add3A_618], %gather3A_630 : memref<128x128xf32, #tpu.memory_space<vmem>>[vector<16xi32>, vector<16xi32>], vector<16xf32>,
        %add3A_631 = arith.constant 48 : i32
        %add3A_632 = vector.broadcast %add3A_631 : i32 to vector<16xi32>
        %add3A_633 = arith.addi %iota3A_302, %add3A_632 : vector<16xi32>
        %gather3A_634 = tpu.vector_load_idx %arg11[%add3A_615, %add3A_633] : memref<64x128xf32, #tpu.memory_space<vmem>>[vector<16xi32>, vector<16xi32>], vector<16xf32>,
        tpu.vector_store_idx %arg15[%add3A_633, %add3A_618], %gather3A_634 : memref<128x128xf32, #tpu.memory_space<vmem>>[vector<16xi32>, vector<16xi32>], vector<16xf32>,
        %add3A_635 = arith.constant 64 : i32
        %add3A_636 = vector.broadcast %add3A_635 : i32 to vector<16xi32>
        %add3A_637 = arith.addi %iota3A_302, %add3A_636 : vector<16xi32>
        %gather3A_638 = tpu.vector_load_idx %arg11[%add3A_615, %add3A_637] : memref<64x128xf32, #tpu.memory_space<vmem>>[vector<16xi32>, vector<16xi32>], vector<16xf32>,
        tpu.vector_store_idx %arg15[%add3A_637, %add3A_618], %gather3A_638 : memref<128x128xf32, #tpu.memory_space<vmem>>[vector<16xi32>, vector<16xi32>], vector<16xf32>,
        %add3A_639 = arith.constant 80 : i32
        %add3A_640 = vector.broadcast %add3A_639 : i32 to vector<16xi32>
        %add3A_641 = arith.addi %iota3A_302, %add3A_640 : vector<16xi32>
        %gather3A_642 = tpu.vector_load_idx %arg11[%add3A_615, %add3A_641] : memref<64x128xf32, #tpu.memory_space<vmem>>[vector<16xi32>, vector<16xi32>], vector<16xf32>,
        tpu.vector_store_idx %arg15[%add3A_641, %add3A_618], %gather3A_642 : memref<128x128xf32, #tpu.memory_space<vmem>>[vector<16xi32>, vector<16xi32>], vector<16xf32>,
        %add3A_643 = arith.constant 96 : i32
        %add3A_644 = vector.broadcast %add3A_643 : i32 to vector<16xi32>
        %add3A_645 = arith.addi %iota3A_302, %add3A_644 : vector<16xi32>
        %gather3A_646 = tpu.vector_load_idx %arg11[%add3A_615, %add3A_645] : memref<64x128xf32, #tpu.memory_space<vmem>>[vector<16xi32>, vector<16xi32>], vector<16xf32>,
        tpu.vector_store_idx %arg15[%add3A_645, %add3A_618], %gather3A_646 : memref<128x128xf32, #tpu.memory_space<vmem>>[vector<16xi32>, vector<16xi32>], vector<16xf32>,
        %add3A_647 = arith.constant 112 : i32
        %add3A_648 = vector.broadcast %add3A_647 : i32 to vector<16xi32>
        %add3A_649 = arith.addi %iota3A_302, %add3A_648 : vector<16xi32>
        %gather3A_650 = tpu.vector_load_idx %arg11[%add3A_615, %add3A_649] : memref<64x128xf32, #tpu.memory_space<vmem>>[vector<16xi32>, vector<16xi32>], vector<16xf32>,
        tpu.vector_store_idx %arg15[%add3A_649, %add3A_618], %gather3A_650 : memref<128x128xf32, #tpu.memory_space<vmem>>[vector<16xi32>, vector<16xi32>], vector<16xf32>,
      }
      %scan3A_372 = arith.constant 16 : i32
      %add3A_373 = arith.constant 2 : i32
      %add3A_374 = arith.addi %mul3A_81, %add3A_373 : i32
      %dma_start3A_375 = arith.constant 0 : i32
      %dma_start3A_376 = tpu.memref_slice %arg7[%add3A_374, %dma_start3A_375] : memref<64x128xi32, #tpu.memory_space<vmem>> -> memref<1x128xi32, #tpu.memory_space<vmem>>
      %dma_start3A_377 = tpu.memref_squeeze %dma_start3A_376 : memref<1x128xi32, #tpu.memory_space<vmem>> -> memref<128xi32, #tpu.memory_space<vmem>>
      %dma_start3A_378 = arith.constant 0 : i32
      %dma_start3A_379 = arith.constant 0 : i32
      %dma_start3A_380 = tpu.memref_slice %arg5[%dma_start3A_378, %dma_start3A_379] : memref<524288x128xf32, #tpu.memory_space<hbm>> -> memref<524288x128xf32, #tpu.memory_space<hbm>>
      tpu.enqueue_indirect_dma source(%arg15 : memref<128x128xf32, #tpu.memory_space<vmem>>) target(%dma_start3A_380 : memref<524288x128xf32, #tpu.memory_space<hbm>>) offsets(%dma_start3A_377 : memref<128xi32, #tpu.memory_space<vmem>>) semaphore(%arg24 : memref<!tpu.dma_semaphore, #tpu.memory_space<semaphore_mem>>)
      %add3A_381 = arith.constant 2 : i32
      %add3A_382 = arith.addi %mul3A_81, %add3A_381 : i32
      %add3A_383 = arith.constant 4 : i32
      %add3A_384 = arith.addi %add3A_382, %add3A_383 : i32
      %lt3A_385 = arith.constant 64 : i32
      %lt3A_386 = arith.cmpi slt, %add3A_384, %lt3A_385 : i32
      %convert_element_type3A_387 = arith.extui %lt3A_386 : i1 to i32
      %cond3A_388 = arith.constant 0 : i32
      %cond3A_389 = arith.cmpi ne, %convert_element_type3A_387, %cond3A_388 : i32
      scf.if %cond3A_389 {
        %add3A_495 = arith.constant 2 : i32
        %add3A_496 = arith.addi %mul3A_81, %add3A_495 : i32
        %add3A_497 = arith.constant 4 : i32
        %add3A_498 = arith.addi %add3A_496, %add3A_497 : i32
        %mul3A_499 = arith.constant 128 : i32
        %mul3A_500 = arith.muli %add3A_498, %mul3A_499 : i32
        %add3A_501 = arith.addi %mul3A_2, %mul3A_500 : i32
        %multiple_of3A_502 = tpu.assume_multiple %add3A_501, 128 : i32
        %dma_start3A_503 = arith.constant 0 : i32
        %dma_start3A_504 = tpu.memref_slice %arg4[%dma_start3A_503, %multiple_of3A_502] : memref<64x262144xf32, #tpu.memory_space<hbm>> -> memref<64x128xf32, #tpu.memory_space<hbm>>
        %dma_start3A_505 = arith.constant 0 : i32
        %dma_start3A_506 = tpu.memref_slice %arg4[%dma_start3A_505, %multiple_of3A_502] : memref<64x262144xf32, #tpu.memory_space<hbm>> -> memref<64x128xf32, #tpu.memory_space<hbm>>
        tpu.enqueue_dma source(%dma_start3A_506 : memref<64x128xf32, #tpu.memory_space<hbm>>) target(%arg11 : memref<64x128xf32, #tpu.memory_space<vmem>>) target_semaphore(%arg20 : memref<!tpu.dma_semaphore, #tpu.memory_space<semaphore_mem>>)
      } else {
      }
      %add3A_390 = arith.constant 3 : i32
      %add3A_391 = arith.addi %mul3A_81, %add3A_390 : i32
      %mul3A_392 = arith.constant 128 : i32
      %mul3A_393 = arith.muli %add3A_391, %mul3A_392 : i32
      %add3A_394 = arith.addi %mul3A_2, %mul3A_393 : i32
      %multiple_of3A_395 = tpu.assume_multiple %add3A_394, 128 : i32
      %dma_wait3A_396 = arith.constant 0 : i32
      %dma_wait3A_397 = tpu.memref_slice %arg4[%dma_wait3A_396, %multiple_of3A_395] : memref<64x262144xf32, #tpu.memory_space<hbm>> -> memref<64x128xf32, #tpu.memory_space<hbm>>
      %dma_wait3A_398 = arith.constant 0 : i32
      %dma_wait3A_399 = tpu.memref_slice %arg4[%dma_wait3A_398, %multiple_of3A_395] : memref<64x262144xf32, #tpu.memory_space<hbm>> -> memref<64x128xf32, #tpu.memory_space<hbm>>
      tpu.wait_dma2 semaphore(%arg21 : memref<!tpu.dma_semaphore, #tpu.memory_space<semaphore_mem>>) src(%dma_wait3A_399 : memref<64x128xf32, #tpu.memory_space<hbm>>) dst(%arg12 : memref<64x128xf32, #tpu.memory_space<vmem>>)
      %gt3A_400 = arith.constant 0 : i32
      %gt3A_401 = arith.cmpi sgt, %scan3A_79, %gt3A_400 : i32
      %convert_element_type3A_402 = arith.extui %gt3A_401 : i1 to i32
      %cond3A_403 = arith.constant 0 : i32
      %cond3A_404 = arith.cmpi ne, %convert_element_type3A_402, %cond3A_403 : i32
      scf.if %cond3A_404 {
        %sub3A = arith.constant 4 : i32
        %sub3A_495 = arith.subi %mul3A_81, %sub3A : i32
        %add3A_496 = arith.constant 3 : i32
        %add3A_497 = arith.addi %sub3A_495, %add3A_496 : i32
        %dma_wait3A_498 = arith.constant 0 : i32
        %dma_wait3A_499 = tpu.memref_slice %arg7[%add3A_497, %dma_wait3A_498] : memref<64x128xi32, #tpu.memory_space<vmem>> -> memref<1x128xi32, #tpu.memory_space<vmem>>
        %dma_wait3A_500 = tpu.memref_squeeze %dma_wait3A_499 : memref<1x128xi32, #tpu.memory_space<vmem>> -> memref<128xi32, #tpu.memory_space<vmem>>
        %dma_wait3A_501 = arith.constant 0 : i32
        %dma_wait3A_502 = arith.constant 0 : i32
        %dma_wait3A_503 = tpu.memref_slice %arg5[%dma_wait3A_501, %dma_wait3A_502] : memref<524288x128xf32, #tpu.memory_space<hbm>> -> memref<524288x128xf32, #tpu.memory_space<hbm>>
        tpu.wait_indirect_dma semaphore(%arg25 : memref<!tpu.dma_semaphore, #tpu.memory_space<semaphore_mem>>) src(%arg16 : memref<128x128xf32, #tpu.memory_space<vmem>>) dst(%dma_wait3A_503 : memref<524288x128xf32, #tpu.memory_space<hbm>>)
      } else {
      }
      %add3A_405 = arith.constant 3 : i32
      %add3A_406 = arith.addi %mul3A_81, %add3A_405 : i32
      %iota3A_407 = tpu.iota {dimensions = array<i32: 0>} : vector<16xi32>
      %add3A_408 = arith.constant 0 : i32
      %add3A_409 = vector.broadcast %add3A_408 : i32 to vector<16xi32>
      %add3A_410 = arith.addi %iota3A_407, %add3A_409 : vector<16xi32>
      %broadcast_in_dim3A_411 = arith.constant 0 : i32
      %broadcast_in_dim3A_412 = vector.broadcast %broadcast_in_dim3A_411 : i32 to vector<16xi32>
      %get3A_413 = arith.index_cast %add3A_406 : i32 to index
      %get3A_414 = arith.constant 0 : index
      %get3A_415 = tpu.vector_load %arg8[%get3A_413, %get3A_414] {strides = array<i32>} : memref<64x128xf32, #tpu.memory_space<vmem>>, vector<16xf32>,
      tpu.vector_store_idx %arg16[%add3A_410, %broadcast_in_dim3A_412], %get3A_415 : memref<128x128xf32, #tpu.memory_space<vmem>>[vector<16xi32>, vector<16xi32>], vector<16xf32>,
      %add3A_416 = arith.constant 16 : i32
      %add3A_417 = vector.broadcast %add3A_416 : i32 to vector<16xi32>
      %add3A_418 = arith.addi %iota3A_407, %add3A_417 : vector<16xi32>
      %broadcast_in_dim3A_419 = arith.constant 0 : i32
      %broadcast_in_dim3A_420 = vector.broadcast %broadcast_in_dim3A_419 : i32 to vector<16xi32>
      %get3A_421 = arith.index_cast %add3A_406 : i32 to index
      %get3A_422 = arith.constant 16 : index
      %get3A_423 = tpu.vector_load %arg8[%get3A_421, %get3A_422] {strides = array<i32>} : memref<64x128xf32, #tpu.memory_space<vmem>>, vector<16xf32>,
      tpu.vector_store_idx %arg16[%add3A_418, %broadcast_in_dim3A_420], %get3A_423 : memref<128x128xf32, #tpu.memory_space<vmem>>[vector<16xi32>, vector<16xi32>], vector<16xf32>,
      %add3A_424 = arith.constant 32 : i32
      %add3A_425 = vector.broadcast %add3A_424 : i32 to vector<16xi32>
      %add3A_426 = arith.addi %iota3A_407, %add3A_425 : vector<16xi32>
      %broadcast_in_dim3A_427 = arith.constant 0 : i32
      %broadcast_in_dim3A_428 = vector.broadcast %broadcast_in_dim3A_427 : i32 to vector<16xi32>
      %get3A_429 = arith.index_cast %add3A_406 : i32 to index
      %get3A_430 = arith.constant 32 : index
      %get3A_431 = tpu.vector_load %arg8[%get3A_429, %get3A_430] {strides = array<i32>} : memref<64x128xf32, #tpu.memory_space<vmem>>, vector<16xf32>,
      tpu.vector_store_idx %arg16[%add3A_426, %broadcast_in_dim3A_428], %get3A_431 : memref<128x128xf32, #tpu.memory_space<vmem>>[vector<16xi32>, vector<16xi32>], vector<16xf32>,
      %add3A_432 = arith.constant 48 : i32
      %add3A_433 = vector.broadcast %add3A_432 : i32 to vector<16xi32>
      %add3A_434 = arith.addi %iota3A_407, %add3A_433 : vector<16xi32>
      %broadcast_in_dim3A_435 = arith.constant 0 : i32
      %broadcast_in_dim3A_436 = vector.broadcast %broadcast_in_dim3A_435 : i32 to vector<16xi32>
      %get3A_437 = arith.index_cast %add3A_406 : i32 to index
      %get3A_438 = arith.constant 48 : index
      %get3A_439 = tpu.vector_load %arg8[%get3A_437, %get3A_438] {strides = array<i32>} : memref<64x128xf32, #tpu.memory_space<vmem>>, vector<16xf32>,
      tpu.vector_store_idx %arg16[%add3A_434, %broadcast_in_dim3A_436], %get3A_439 : memref<128x128xf32, #tpu.memory_space<vmem>>[vector<16xi32>, vector<16xi32>], vector<16xf32>,
      %add3A_440 = arith.constant 64 : i32
      %add3A_441 = vector.broadcast %add3A_440 : i32 to vector<16xi32>
      %add3A_442 = arith.addi %iota3A_407, %add3A_441 : vector<16xi32>
      %broadcast_in_dim3A_443 = arith.constant 0 : i32
      %broadcast_in_dim3A_444 = vector.broadcast %broadcast_in_dim3A_443 : i32 to vector<16xi32>
      %get3A_445 = arith.index_cast %add3A_406 : i32 to index
      %get3A_446 = arith.constant 64 : index
      %get3A_447 = tpu.vector_load %arg8[%get3A_445, %get3A_446] {strides = array<i32>} : memref<64x128xf32, #tpu.memory_space<vmem>>, vector<16xf32>,
      tpu.vector_store_idx %arg16[%add3A_442, %broadcast_in_dim3A_444], %get3A_447 : memref<128x128xf32, #tpu.memory_space<vmem>>[vector<16xi32>, vector<16xi32>], vector<16xf32>,
      %add3A_448 = arith.constant 80 : i32
      %add3A_449 = vector.broadcast %add3A_448 : i32 to vector<16xi32>
      %add3A_450 = arith.addi %iota3A_407, %add3A_449 : vector<16xi32>
      %broadcast_in_dim3A_451 = arith.constant 0 : i32
      %broadcast_in_dim3A_452 = vector.broadcast %broadcast_in_dim3A_451 : i32 to vector<16xi32>
      %get3A_453 = arith.index_cast %add3A_406 : i32 to index
      %get3A_454 = arith.constant 80 : index
      %get3A_455 = tpu.vector_load %arg8[%get3A_453, %get3A_454] {strides = array<i32>} : memref<64x128xf32, #tpu.memory_space<vmem>>, vector<16xf32>,
      tpu.vector_store_idx %arg16[%add3A_450, %broadcast_in_dim3A_452], %get3A_455 : memref<128x128xf32, #tpu.memory_space<vmem>>[vector<16xi32>, vector<16xi32>], vector<16xf32>,
      %add3A_456 = arith.constant 96 : i32
      %add3A_457 = vector.broadcast %add3A_456 : i32 to vector<16xi32>
      %add3A_458 = arith.addi %iota3A_407, %add3A_457 : vector<16xi32>
      %broadcast_in_dim3A_459 = arith.constant 0 : i32
      %broadcast_in_dim3A_460 = vector.broadcast %broadcast_in_dim3A_459 : i32 to vector<16xi32>
      %get3A_461 = arith.index_cast %add3A_406 : i32 to index
      %get3A_462 = arith.constant 96 : index
      %get3A_463 = tpu.vector_load %arg8[%get3A_461, %get3A_462] {strides = array<i32>} : memref<64x128xf32, #tpu.memory_space<vmem>>, vector<16xf32>,
      tpu.vector_store_idx %arg16[%add3A_458, %broadcast_in_dim3A_460], %get3A_463 : memref<128x128xf32, #tpu.memory_space<vmem>>[vector<16xi32>, vector<16xi32>], vector<16xf32>,
      %add3A_464 = arith.constant 112 : i32
      %add3A_465 = vector.broadcast %add3A_464 : i32 to vector<16xi32>
      %add3A_466 = arith.addi %iota3A_407, %add3A_465 : vector<16xi32>
      %broadcast_in_dim3A_467 = arith.constant 0 : i32
      %broadcast_in_dim3A_468 = vector.broadcast %broadcast_in_dim3A_467 : i32 to vector<16xi32>
      %get3A_469 = arith.index_cast %add3A_406 : i32 to index
      %get3A_470 = arith.constant 112 : index
      %get3A_471 = tpu.vector_load %arg8[%get3A_469, %get3A_470] {strides = array<i32>} : memref<64x128xf32, #tpu.memory_space<vmem>>, vector<16xf32>,
      tpu.vector_store_idx %arg16[%add3A_466, %broadcast_in_dim3A_468], %get3A_471 : memref<128x128xf32, #tpu.memory_space<vmem>>[vector<16xi32>, vector<16xi32>], vector<16xf32>,
      %scan3A_472 = arith.constant 0 : i32
      %scan3A_473 = arith.constant 0 : i32
      %scan3A_474 = arith.constant 16 : i32
      %scan3A_475 = arith.addi %scan3A_473, %scan3A_474 : i32
      %scan3A_476 = arith.constant 1 : i32
      scf.for %scan3A_495 = %scan3A_473 to %scan3A_475 step %scan3A_476  : i32 {
        %add3A_496 = vector.broadcast %scan3A_495 : i32 to vector<16xi32>
        %add3A_497 = arith.addi %iota3A_407, %add3A_496 : vector<16xi32>
        %rem3A = arith.constant 16 : i32
        %rem3A_498 = vector.broadcast %rem3A : i32 to vector<16xi32>
        %rem3A_499 = arith.remsi %add3A_497, %rem3A_498 : vector<16xi32>
        %add3A_500 = arith.constant 0 : i32
        %add3A_501 = vector.broadcast %add3A_500 : i32 to vector<16xi32>
        %add3A_502 = arith.addi %rem3A_499, %add3A_501 : vector<16xi32>
        %add3A_503 = arith.constant 1 : i32
        %add3A_504 = vector.broadcast %add3A_503 : i32 to vector<16xi32>
        %add3A_505 = arith.addi %rem3A_499, %add3A_504 : vector<16xi32>
        %add3A_506 = arith.constant 0 : i32
        %add3A_507 = vector.broadcast %add3A_506 : i32 to vector<16xi32>
        %add3A_508 = arith.addi %iota3A_407, %add3A_507 : vector<16xi32>
        %gather3A = tpu.vector_load_idx %arg12[%add3A_502, %add3A_508] : memref<64x128xf32, #tpu.memory_space<vmem>>[vector<16xi32>, vector<16xi32>], vector<16xf32>,
        tpu.vector_store_idx %arg16[%add3A_508, %add3A_505], %gather3A : memref<128x128xf32, #tpu.memory_space<vmem>>[vector<16xi32>, vector<16xi32>], vector<16xf32>,
        %add3A_509 = arith.constant 16 : i32
        %add3A_510 = vector.broadcast %add3A_509 : i32 to vector<16xi32>
        %add3A_511 = arith.addi %iota3A_407, %add3A_510 : vector<16xi32>
        %gather3A_512 = tpu.vector_load_idx %arg12[%add3A_502, %add3A_511] : memref<64x128xf32, #tpu.memory_space<vmem>>[vector<16xi32>, vector<16xi32>], vector<16xf32>,
        tpu.vector_store_idx %arg16[%add3A_511, %add3A_505], %gather3A_512 : memref<128x128xf32, #tpu.memory_space<vmem>>[vector<16xi32>, vector<16xi32>], vector<16xf32>,
        %add3A_513 = arith.constant 32 : i32
        %add3A_514 = vector.broadcast %add3A_513 : i32 to vector<16xi32>
        %add3A_515 = arith.addi %iota3A_407, %add3A_514 : vector<16xi32>
        %gather3A_516 = tpu.vector_load_idx %arg12[%add3A_502, %add3A_515] : memref<64x128xf32, #tpu.memory_space<vmem>>[vector<16xi32>, vector<16xi32>], vector<16xf32>,
        tpu.vector_store_idx %arg16[%add3A_515, %add3A_505], %gather3A_516 : memref<128x128xf32, #tpu.memory_space<vmem>>[vector<16xi32>, vector<16xi32>], vector<16xf32>,
        %add3A_517 = arith.constant 48 : i32
        %add3A_518 = vector.broadcast %add3A_517 : i32 to vector<16xi32>
        %add3A_519 = arith.addi %iota3A_407, %add3A_518 : vector<16xi32>
        %gather3A_520 = tpu.vector_load_idx %arg12[%add3A_502, %add3A_519] : memref<64x128xf32, #tpu.memory_space<vmem>>[vector<16xi32>, vector<16xi32>], vector<16xf32>,
        tpu.vector_store_idx %arg16[%add3A_519, %add3A_505], %gather3A_520 : memref<128x128xf32, #tpu.memory_space<vmem>>[vector<16xi32>, vector<16xi32>], vector<16xf32>,
        %add3A_521 = arith.constant 64 : i32
        %add3A_522 = vector.broadcast %add3A_521 : i32 to vector<16xi32>
        %add3A_523 = arith.addi %iota3A_407, %add3A_522 : vector<16xi32>
        %gather3A_524 = tpu.vector_load_idx %arg12[%add3A_502, %add3A_523] : memref<64x128xf32, #tpu.memory_space<vmem>>[vector<16xi32>, vector<16xi32>], vector<16xf32>,
        tpu.vector_store_idx %arg16[%add3A_523, %add3A_505], %gather3A_524 : memref<128x128xf32, #tpu.memory_space<vmem>>[vector<16xi32>, vector<16xi32>], vector<16xf32>,
        %add3A_525 = arith.constant 80 : i32
        %add3A_526 = vector.broadcast %add3A_525 : i32 to vector<16xi32>
        %add3A_527 = arith.addi %iota3A_407, %add3A_526 : vector<16xi32>
        %gather3A_528 = tpu.vector_load_idx %arg12[%add3A_502, %add3A_527] : memref<64x128xf32, #tpu.memory_space<vmem>>[vector<16xi32>, vector<16xi32>], vector<16xf32>,
        tpu.vector_store_idx %arg16[%add3A_527, %add3A_505], %gather3A_528 : memref<128x128xf32, #tpu.memory_space<vmem>>[vector<16xi32>, vector<16xi32>], vector<16xf32>,
        %add3A_529 = arith.constant 96 : i32
        %add3A_530 = vector.broadcast %add3A_529 : i32 to vector<16xi32>
        %add3A_531 = arith.addi %iota3A_407, %add3A_530 : vector<16xi32>
        %gather3A_532 = tpu.vector_load_idx %arg12[%add3A_502, %add3A_531] : memref<64x128xf32, #tpu.memory_space<vmem>>[vector<16xi32>, vector<16xi32>], vector<16xf32>,
        tpu.vector_store_idx %arg16[%add3A_531, %add3A_505], %gather3A_532 : memref<128x128xf32, #tpu.memory_space<vmem>>[vector<16xi32>, vector<16xi32>], vector<16xf32>,
        %add3A_533 = arith.constant 112 : i32
        %add3A_534 = vector.broadcast %add3A_533 : i32 to vector<16xi32>
        %add3A_535 = arith.addi %iota3A_407, %add3A_534 : vector<16xi32>
        %gather3A_536 = tpu.vector_load_idx %arg12[%add3A_502, %add3A_535] : memref<64x128xf32, #tpu.memory_space<vmem>>[vector<16xi32>, vector<16xi32>], vector<16xf32>,
        tpu.vector_store_idx %arg16[%add3A_535, %add3A_505], %gather3A_536 : memref<128x128xf32, #tpu.memory_space<vmem>>[vector<16xi32>, vector<16xi32>], vector<16xf32>,
        %add3A_537 = arith.constant 16 : i32
        %add3A_538 = vector.broadcast %add3A_537 : i32 to vector<16xi32>
        %add3A_539 = arith.addi %rem3A_499, %add3A_538 : vector<16xi32>
        %add3A_540 = arith.constant 17 : i32
        %add3A_541 = vector.broadcast %add3A_540 : i32 to vector<16xi32>
        %add3A_542 = arith.addi %rem3A_499, %add3A_541 : vector<16xi32>
        %add3A_543 = arith.constant 0 : i32
        %add3A_544 = vector.broadcast %add3A_543 : i32 to vector<16xi32>
        %add3A_545 = arith.addi %iota3A_407, %add3A_544 : vector<16xi32>
        %gather3A_546 = tpu.vector_load_idx %arg12[%add3A_539, %add3A_545] : memref<64x128xf32, #tpu.memory_space<vmem>>[vector<16xi32>, vector<16xi32>], vector<16xf32>,
        tpu.vector_store_idx %arg16[%add3A_545, %add3A_542], %gather3A_546 : memref<128x128xf32, #tpu.memory_space<vmem>>[vector<16xi32>, vector<16xi32>], vector<16xf32>,
        %add3A_547 = arith.constant 16 : i32
        %add3A_548 = vector.broadcast %add3A_547 : i32 to vector<16xi32>
        %add3A_549 = arith.addi %iota3A_407, %add3A_548 : vector<16xi32>
        %gather3A_550 = tpu.vector_load_idx %arg12[%add3A_539, %add3A_549] : memref<64x128xf32, #tpu.memory_space<vmem>>[vector<16xi32>, vector<16xi32>], vector<16xf32>,
        tpu.vector_store_idx %arg16[%add3A_549, %add3A_542], %gather3A_550 : memref<128x128xf32, #tpu.memory_space<vmem>>[vector<16xi32>, vector<16xi32>], vector<16xf32>,
        %add3A_551 = arith.constant 32 : i32
        %add3A_552 = vector.broadcast %add3A_551 : i32 to vector<16xi32>
        %add3A_553 = arith.addi %iota3A_407, %add3A_552 : vector<16xi32>
        %gather3A_554 = tpu.vector_load_idx %arg12[%add3A_539, %add3A_553] : memref<64x128xf32, #tpu.memory_space<vmem>>[vector<16xi32>, vector<16xi32>], vector<16xf32>,
        tpu.vector_store_idx %arg16[%add3A_553, %add3A_542], %gather3A_554 : memref<128x128xf32, #tpu.memory_space<vmem>>[vector<16xi32>, vector<16xi32>], vector<16xf32>,
        %add3A_555 = arith.constant 48 : i32
        %add3A_556 = vector.broadcast %add3A_555 : i32 to vector<16xi32>
        %add3A_557 = arith.addi %iota3A_407, %add3A_556 : vector<16xi32>
        %gather3A_558 = tpu.vector_load_idx %arg12[%add3A_539, %add3A_557] : memref<64x128xf32, #tpu.memory_space<vmem>>[vector<16xi32>, vector<16xi32>], vector<16xf32>,
        tpu.vector_store_idx %arg16[%add3A_557, %add3A_542], %gather3A_558 : memref<128x128xf32, #tpu.memory_space<vmem>>[vector<16xi32>, vector<16xi32>], vector<16xf32>,
        %add3A_559 = arith.constant 64 : i32
        %add3A_560 = vector.broadcast %add3A_559 : i32 to vector<16xi32>
        %add3A_561 = arith.addi %iota3A_407, %add3A_560 : vector<16xi32>
        %gather3A_562 = tpu.vector_load_idx %arg12[%add3A_539, %add3A_561] : memref<64x128xf32, #tpu.memory_space<vmem>>[vector<16xi32>, vector<16xi32>], vector<16xf32>,
        tpu.vector_store_idx %arg16[%add3A_561, %add3A_542], %gather3A_562 : memref<128x128xf32, #tpu.memory_space<vmem>>[vector<16xi32>, vector<16xi32>], vector<16xf32>,
        %add3A_563 = arith.constant 80 : i32
        %add3A_564 = vector.broadcast %add3A_563 : i32 to vector<16xi32>
        %add3A_565 = arith.addi %iota3A_407, %add3A_564 : vector<16xi32>
        %gather3A_566 = tpu.vector_load_idx %arg12[%add3A_539, %add3A_565] : memref<64x128xf32, #tpu.memory_space<vmem>>[vector<16xi32>, vector<16xi32>], vector<16xf32>,
        tpu.vector_store_idx %arg16[%add3A_565, %add3A_542], %gather3A_566 : memref<128x128xf32, #tpu.memory_space<vmem>>[vector<16xi32>, vector<16xi32>], vector<16xf32>,
        %add3A_567 = arith.constant 96 : i32
        %add3A_568 = vector.broadcast %add3A_567 : i32 to vector<16xi32>
        %add3A_569 = arith.addi %iota3A_407, %add3A_568 : vector<16xi32>
        %gather3A_570 = tpu.vector_load_idx %arg12[%add3A_539, %add3A_569] : memref<64x128xf32, #tpu.memory_space<vmem>>[vector<16xi32>, vector<16xi32>], vector<16xf32>,
        tpu.vector_store_idx %arg16[%add3A_569, %add3A_542], %gather3A_570 : memref<128x128xf32, #tpu.memory_space<vmem>>[vector<16xi32>, vector<16xi32>], vector<16xf32>,
        %add3A_571 = arith.constant 112 : i32
        %add3A_572 = vector.broadcast %add3A_571 : i32 to vector<16xi32>
        %add3A_573 = arith.addi %iota3A_407, %add3A_572 : vector<16xi32>
        %gather3A_574 = tpu.vector_load_idx %arg12[%add3A_539, %add3A_573] : memref<64x128xf32, #tpu.memory_space<vmem>>[vector<16xi32>, vector<16xi32>], vector<16xf32>,
        tpu.vector_store_idx %arg16[%add3A_573, %add3A_542], %gather3A_574 : memref<128x128xf32, #tpu.memory_space<vmem>>[vector<16xi32>, vector<16xi32>], vector<16xf32>,
        %add3A_575 = arith.constant 32 : i32
        %add3A_576 = vector.broadcast %add3A_575 : i32 to vector<16xi32>
        %add3A_577 = arith.addi %rem3A_499, %add3A_576 : vector<16xi32>
        %add3A_578 = arith.constant 33 : i32
        %add3A_579 = vector.broadcast %add3A_578 : i32 to vector<16xi32>
        %add3A_580 = arith.addi %rem3A_499, %add3A_579 : vector<16xi32>
        %add3A_581 = arith.constant 0 : i32
        %add3A_582 = vector.broadcast %add3A_581 : i32 to vector<16xi32>
        %add3A_583 = arith.addi %iota3A_407, %add3A_582 : vector<16xi32>
        %gather3A_584 = tpu.vector_load_idx %arg12[%add3A_577, %add3A_583] : memref<64x128xf32, #tpu.memory_space<vmem>>[vector<16xi32>, vector<16xi32>], vector<16xf32>,
        tpu.vector_store_idx %arg16[%add3A_583, %add3A_580], %gather3A_584 : memref<128x128xf32, #tpu.memory_space<vmem>>[vector<16xi32>, vector<16xi32>], vector<16xf32>,
        %add3A_585 = arith.constant 16 : i32
        %add3A_586 = vector.broadcast %add3A_585 : i32 to vector<16xi32>
        %add3A_587 = arith.addi %iota3A_407, %add3A_586 : vector<16xi32>
        %gather3A_588 = tpu.vector_load_idx %arg12[%add3A_577, %add3A_587] : memref<64x128xf32, #tpu.memory_space<vmem>>[vector<16xi32>, vector<16xi32>], vector<16xf32>,
        tpu.vector_store_idx %arg16[%add3A_587, %add3A_580], %gather3A_588 : memref<128x128xf32, #tpu.memory_space<vmem>>[vector<16xi32>, vector<16xi32>], vector<16xf32>,
        %add3A_589 = arith.constant 32 : i32
        %add3A_590 = vector.broadcast %add3A_589 : i32 to vector<16xi32>
        %add3A_591 = arith.addi %iota3A_407, %add3A_590 : vector<16xi32>
        %gather3A_592 = tpu.vector_load_idx %arg12[%add3A_577, %add3A_591] : memref<64x128xf32, #tpu.memory_space<vmem>>[vector<16xi32>, vector<16xi32>], vector<16xf32>,
        tpu.vector_store_idx %arg16[%add3A_591, %add3A_580], %gather3A_592 : memref<128x128xf32, #tpu.memory_space<vmem>>[vector<16xi32>, vector<16xi32>], vector<16xf32>,
        %add3A_593 = arith.constant 48 : i32
        %add3A_594 = vector.broadcast %add3A_593 : i32 to vector<16xi32>
        %add3A_595 = arith.addi %iota3A_407, %add3A_594 : vector<16xi32>
        %gather3A_596 = tpu.vector_load_idx %arg12[%add3A_577, %add3A_595] : memref<64x128xf32, #tpu.memory_space<vmem>>[vector<16xi32>, vector<16xi32>], vector<16xf32>,
        tpu.vector_store_idx %arg16[%add3A_595, %add3A_580], %gather3A_596 : memref<128x128xf32, #tpu.memory_space<vmem>>[vector<16xi32>, vector<16xi32>], vector<16xf32>,
        %add3A_597 = arith.constant 64 : i32
        %add3A_598 = vector.broadcast %add3A_597 : i32 to vector<16xi32>
        %add3A_599 = arith.addi %iota3A_407, %add3A_598 : vector<16xi32>
        %gather3A_600 = tpu.vector_load_idx %arg12[%add3A_577, %add3A_599] : memref<64x128xf32, #tpu.memory_space<vmem>>[vector<16xi32>, vector<16xi32>], vector<16xf32>,
        tpu.vector_store_idx %arg16[%add3A_599, %add3A_580], %gather3A_600 : memref<128x128xf32, #tpu.memory_space<vmem>>[vector<16xi32>, vector<16xi32>], vector<16xf32>,
        %add3A_601 = arith.constant 80 : i32
        %add3A_602 = vector.broadcast %add3A_601 : i32 to vector<16xi32>
        %add3A_603 = arith.addi %iota3A_407, %add3A_602 : vector<16xi32>
        %gather3A_604 = tpu.vector_load_idx %arg12[%add3A_577, %add3A_603] : memref<64x128xf32, #tpu.memory_space<vmem>>[vector<16xi32>, vector<16xi32>], vector<16xf32>,
        tpu.vector_store_idx %arg16[%add3A_603, %add3A_580], %gather3A_604 : memref<128x128xf32, #tpu.memory_space<vmem>>[vector<16xi32>, vector<16xi32>], vector<16xf32>,
        %add3A_605 = arith.constant 96 : i32
        %add3A_606 = vector.broadcast %add3A_605 : i32 to vector<16xi32>
        %add3A_607 = arith.addi %iota3A_407, %add3A_606 : vector<16xi32>
        %gather3A_608 = tpu.vector_load_idx %arg12[%add3A_577, %add3A_607] : memref<64x128xf32, #tpu.memory_space<vmem>>[vector<16xi32>, vector<16xi32>], vector<16xf32>,
        tpu.vector_store_idx %arg16[%add3A_607, %add3A_580], %gather3A_608 : memref<128x128xf32, #tpu.memory_space<vmem>>[vector<16xi32>, vector<16xi32>], vector<16xf32>,
        %add3A_609 = arith.constant 112 : i32
        %add3A_610 = vector.broadcast %add3A_609 : i32 to vector<16xi32>
        %add3A_611 = arith.addi %iota3A_407, %add3A_610 : vector<16xi32>
        %gather3A_612 = tpu.vector_load_idx %arg12[%add3A_577, %add3A_611] : memref<64x128xf32, #tpu.memory_space<vmem>>[vector<16xi32>, vector<16xi32>], vector<16xf32>,
        tpu.vector_store_idx %arg16[%add3A_611, %add3A_580], %gather3A_612 : memref<128x128xf32, #tpu.memory_space<vmem>>[vector<16xi32>, vector<16xi32>], vector<16xf32>,
        %add3A_613 = arith.constant 48 : i32
        %add3A_614 = vector.broadcast %add3A_613 : i32 to vector<16xi32>
        %add3A_615 = arith.addi %rem3A_499, %add3A_614 : vector<16xi32>
        %add3A_616 = arith.constant 49 : i32
        %add3A_617 = vector.broadcast %add3A_616 : i32 to vector<16xi32>
        %add3A_618 = arith.addi %rem3A_499, %add3A_617 : vector<16xi32>
        %add3A_619 = arith.constant 0 : i32
        %add3A_620 = vector.broadcast %add3A_619 : i32 to vector<16xi32>
        %add3A_621 = arith.addi %iota3A_407, %add3A_620 : vector<16xi32>
        %gather3A_622 = tpu.vector_load_idx %arg12[%add3A_615, %add3A_621] : memref<64x128xf32, #tpu.memory_space<vmem>>[vector<16xi32>, vector<16xi32>], vector<16xf32>,
        tpu.vector_store_idx %arg16[%add3A_621, %add3A_618], %gather3A_622 : memref<128x128xf32, #tpu.memory_space<vmem>>[vector<16xi32>, vector<16xi32>], vector<16xf32>,
        %add3A_623 = arith.constant 16 : i32
        %add3A_624 = vector.broadcast %add3A_623 : i32 to vector<16xi32>
        %add3A_625 = arith.addi %iota3A_407, %add3A_624 : vector<16xi32>
        %gather3A_626 = tpu.vector_load_idx %arg12[%add3A_615, %add3A_625] : memref<64x128xf32, #tpu.memory_space<vmem>>[vector<16xi32>, vector<16xi32>], vector<16xf32>,
        tpu.vector_store_idx %arg16[%add3A_625, %add3A_618], %gather3A_626 : memref<128x128xf32, #tpu.memory_space<vmem>>[vector<16xi32>, vector<16xi32>], vector<16xf32>,
        %add3A_627 = arith.constant 32 : i32
        %add3A_628 = vector.broadcast %add3A_627 : i32 to vector<16xi32>
        %add3A_629 = arith.addi %iota3A_407, %add3A_628 : vector<16xi32>
        %gather3A_630 = tpu.vector_load_idx %arg12[%add3A_615, %add3A_629] : memref<64x128xf32, #tpu.memory_space<vmem>>[vector<16xi32>, vector<16xi32>], vector<16xf32>,
        tpu.vector_store_idx %arg16[%add3A_629, %add3A_618], %gather3A_630 : memref<128x128xf32, #tpu.memory_space<vmem>>[vector<16xi32>, vector<16xi32>], vector<16xf32>,
        %add3A_631 = arith.constant 48 : i32
        %add3A_632 = vector.broadcast %add3A_631 : i32 to vector<16xi32>
        %add3A_633 = arith.addi %iota3A_407, %add3A_632 : vector<16xi32>
        %gather3A_634 = tpu.vector_load_idx %arg12[%add3A_615, %add3A_633] : memref<64x128xf32, #tpu.memory_space<vmem>>[vector<16xi32>, vector<16xi32>], vector<16xf32>,
        tpu.vector_store_idx %arg16[%add3A_633, %add3A_618], %gather3A_634 : memref<128x128xf32, #tpu.memory_space<vmem>>[vector<16xi32>, vector<16xi32>], vector<16xf32>,
        %add3A_635 = arith.constant 64 : i32
        %add3A_636 = vector.broadcast %add3A_635 : i32 to vector<16xi32>
        %add3A_637 = arith.addi %iota3A_407, %add3A_636 : vector<16xi32>
        %gather3A_638 = tpu.vector_load_idx %arg12[%add3A_615, %add3A_637] : memref<64x128xf32, #tpu.memory_space<vmem>>[vector<16xi32>, vector<16xi32>], vector<16xf32>,
        tpu.vector_store_idx %arg16[%add3A_637, %add3A_618], %gather3A_638 : memref<128x128xf32, #tpu.memory_space<vmem>>[vector<16xi32>, vector<16xi32>], vector<16xf32>,
        %add3A_639 = arith.constant 80 : i32
        %add3A_640 = vector.broadcast %add3A_639 : i32 to vector<16xi32>
        %add3A_641 = arith.addi %iota3A_407, %add3A_640 : vector<16xi32>
        %gather3A_642 = tpu.vector_load_idx %arg12[%add3A_615, %add3A_641] : memref<64x128xf32, #tpu.memory_space<vmem>>[vector<16xi32>, vector<16xi32>], vector<16xf32>,
        tpu.vector_store_idx %arg16[%add3A_641, %add3A_618], %gather3A_642 : memref<128x128xf32, #tpu.memory_space<vmem>>[vector<16xi32>, vector<16xi32>], vector<16xf32>,
        %add3A_643 = arith.constant 96 : i32
        %add3A_644 = vector.broadcast %add3A_643 : i32 to vector<16xi32>
        %add3A_645 = arith.addi %iota3A_407, %add3A_644 : vector<16xi32>
        %gather3A_646 = tpu.vector_load_idx %arg12[%add3A_615, %add3A_645] : memref<64x128xf32, #tpu.memory_space<vmem>>[vector<16xi32>, vector<16xi32>], vector<16xf32>,
        tpu.vector_store_idx %arg16[%add3A_645, %add3A_618], %gather3A_646 : memref<128x128xf32, #tpu.memory_space<vmem>>[vector<16xi32>, vector<16xi32>], vector<16xf32>,
        %add3A_647 = arith.constant 112 : i32
        %add3A_648 = vector.broadcast %add3A_647 : i32 to vector<16xi32>
        %add3A_649 = arith.addi %iota3A_407, %add3A_648 : vector<16xi32>
        %gather3A_650 = tpu.vector_load_idx %arg12[%add3A_615, %add3A_649] : memref<64x128xf32, #tpu.memory_space<vmem>>[vector<16xi32>, vector<16xi32>], vector<16xf32>,
        tpu.vector_store_idx %arg16[%add3A_649, %add3A_618], %gather3A_650 : memref<128x128xf32, #tpu.memory_space<vmem>>[vector<16xi32>, vector<16xi32>], vector<16xf32>,
      }
      %scan3A_477 = arith.constant 16 : i32
      %add3A_478 = arith.constant 3 : i32
      %add3A_479 = arith.addi %mul3A_81, %add3A_478 : i32
      %dma_start3A_480 = arith.constant 0 : i32
      %dma_start3A_481 = tpu.memref_slice %arg7[%add3A_479, %dma_start3A_480] : memref<64x128xi32, #tpu.memory_space<vmem>> -> memref<1x128xi32, #tpu.memory_space<vmem>>
      %dma_start3A_482 = tpu.memref_squeeze %dma_start3A_481 : memref<1x128xi32, #tpu.memory_space<vmem>> -> memref<128xi32, #tpu.memory_space<vmem>>
      %dma_start3A_483 = arith.constant 0 : i32
      %dma_start3A_484 = arith.constant 0 : i32
      %dma_start3A_485 = tpu.memref_slice %arg5[%dma_start3A_483, %dma_start3A_484] : memref<524288x128xf32, #tpu.memory_space<hbm>> -> memref<524288x128xf32, #tpu.memory_space<hbm>>
      tpu.enqueue_indirect_dma source(%arg16 : memref<128x128xf32, #tpu.memory_space<vmem>>) target(%dma_start3A_485 : memref<524288x128xf32, #tpu.memory_space<hbm>>) offsets(%dma_start3A_482 : memref<128xi32, #tpu.memory_space<vmem>>) semaphore(%arg25 : memref<!tpu.dma_semaphore, #tpu.memory_space<semaphore_mem>>)
      %add3A_486 = arith.constant 3 : i32
      %add3A_487 = arith.addi %mul3A_81, %add3A_486 : i32
      %add3A_488 = arith.constant 4 : i32
      %add3A_489 = arith.addi %add3A_487, %add3A_488 : i32
      %lt3A_490 = arith.constant 64 : i32
      %lt3A_491 = arith.cmpi slt, %add3A_489, %lt3A_490 : i32
      %convert_element_type3A_492 = arith.extui %lt3A_491 : i1 to i32
      %cond3A_493 = arith.constant 0 : i32
      %cond3A_494 = arith.cmpi ne, %convert_element_type3A_492, %cond3A_493 : i32
      scf.if %cond3A_494 {
        %add3A_495 = arith.constant 3 : i32
        %add3A_496 = arith.addi %mul3A_81, %add3A_495 : i32
        %add3A_497 = arith.constant 4 : i32
        %add3A_498 = arith.addi %add3A_496, %add3A_497 : i32
        %mul3A_499 = arith.constant 128 : i32
        %mul3A_500 = arith.muli %add3A_498, %mul3A_499 : i32
        %add3A_501 = arith.addi %mul3A_2, %mul3A_500 : i32
        %multiple_of3A_502 = tpu.assume_multiple %add3A_501, 128 : i32
        %dma_start3A_503 = arith.constant 0 : i32
        %dma_start3A_504 = tpu.memref_slice %arg4[%dma_start3A_503, %multiple_of3A_502] : memref<64x262144xf32, #tpu.memory_space<hbm>> -> memref<64x128xf32, #tpu.memory_space<hbm>>
        %dma_start3A_505 = arith.constant 0 : i32
        %dma_start3A_506 = tpu.memref_slice %arg4[%dma_start3A_505, %multiple_of3A_502] : memref<64x262144xf32, #tpu.memory_space<hbm>> -> memref<64x128xf32, #tpu.memory_space<hbm>>
        tpu.enqueue_dma source(%dma_start3A_506 : memref<64x128xf32, #tpu.memory_space<hbm>>) target(%arg12 : memref<64x128xf32, #tpu.memory_space<vmem>>) target_semaphore(%arg21 : memref<!tpu.dma_semaphore, #tpu.memory_space<semaphore_mem>>)
      } else {
      }
    }
    %scan3A_50 = arith.constant 16 : i32
    %dma_wait3A_51 = arith.constant 60 : i32
    %dma_wait3A_52 = arith.constant 0 : i32
    %dma_wait3A_53 = tpu.memref_slice %arg7[%dma_wait3A_51, %dma_wait3A_52] : memref<64x128xi32, #tpu.memory_space<vmem>> -> memref<1x128xi32, #tpu.memory_space<vmem>>
    %dma_wait3A_54 = tpu.memref_squeeze %dma_wait3A_53 : memref<1x128xi32, #tpu.memory_space<vmem>> -> memref<128xi32, #tpu.memory_space<vmem>>
    %dma_wait3A_55 = arith.constant 0 : i32
    %dma_wait3A_56 = arith.constant 0 : i32
    %dma_wait3A_57 = tpu.memref_slice %arg5[%dma_wait3A_55, %dma_wait3A_56] : memref<524288x128xf32, #tpu.memory_space<hbm>> -> memref<524288x128xf32, #tpu.memory_space<hbm>>
    tpu.wait_indirect_dma semaphore(%arg22 : memref<!tpu.dma_semaphore, #tpu.memory_space<semaphore_mem>>) src(%arg13 : memref<128x128xf32, #tpu.memory_space<vmem>>) dst(%dma_wait3A_57 : memref<524288x128xf32, #tpu.memory_space<hbm>>)
    %dma_wait3A_58 = arith.constant 61 : i32
    %dma_wait3A_59 = arith.constant 0 : i32
    %dma_wait3A_60 = tpu.memref_slice %arg7[%dma_wait3A_58, %dma_wait3A_59] : memref<64x128xi32, #tpu.memory_space<vmem>> -> memref<1x128xi32, #tpu.memory_space<vmem>>
    %dma_wait3A_61 = tpu.memref_squeeze %dma_wait3A_60 : memref<1x128xi32, #tpu.memory_space<vmem>> -> memref<128xi32, #tpu.memory_space<vmem>>
    %dma_wait3A_62 = arith.constant 0 : i32
    %dma_wait3A_63 = arith.constant 0 : i32
    %dma_wait3A_64 = tpu.memref_slice %arg5[%dma_wait3A_62, %dma_wait3A_63] : memref<524288x128xf32, #tpu.memory_space<hbm>> -> memref<524288x128xf32, #tpu.memory_space<hbm>>
    tpu.wait_indirect_dma semaphore(%arg23 : memref<!tpu.dma_semaphore, #tpu.memory_space<semaphore_mem>>) src(%arg14 : memref<128x128xf32, #tpu.memory_space<vmem>>) dst(%dma_wait3A_64 : memref<524288x128xf32, #tpu.memory_space<hbm>>)
    %dma_wait3A_65 = arith.constant 62 : i32
    %dma_wait3A_66 = arith.constant 0 : i32
    %dma_wait3A_67 = tpu.memref_slice %arg7[%dma_wait3A_65, %dma_wait3A_66] : memref<64x128xi32, #tpu.memory_space<vmem>> -> memref<1x128xi32, #tpu.memory_space<vmem>>
    %dma_wait3A_68 = tpu.memref_squeeze %dma_wait3A_67 : memref<1x128xi32, #tpu.memory_space<vmem>> -> memref<128xi32, #tpu.memory_space<vmem>>
    %dma_wait3A_69 = arith.constant 0 : i32
    %dma_wait3A_70 = arith.constant 0 : i32
    %dma_wait3A_71 = tpu.memref_slice %arg5[%dma_wait3A_69, %dma_wait3A_70] : memref<524288x128xf32, #tpu.memory_space<hbm>> -> memref<524288x128xf32, #tpu.memory_space<hbm>>
    tpu.wait_indirect_dma semaphore(%arg24 : memref<!tpu.dma_semaphore, #tpu.memory_space<semaphore_mem>>) src(%arg15 : memref<128x128xf32, #tpu.memory_space<vmem>>) dst(%dma_wait3A_71 : memref<524288x128xf32, #tpu.memory_space<hbm>>)
    %dma_wait3A_72 = arith.constant 63 : i32
    %dma_wait3A_73 = arith.constant 0 : i32
    %dma_wait3A_74 = tpu.memref_slice %arg7[%dma_wait3A_72, %dma_wait3A_73] : memref<64x128xi32, #tpu.memory_space<vmem>> -> memref<1x128xi32, #tpu.memory_space<vmem>>
    %dma_wait3A_75 = tpu.memref_squeeze %dma_wait3A_74 : memref<1x128xi32, #tpu.memory_space<vmem>> -> memref<128xi32, #tpu.memory_space<vmem>>
    %dma_wait3A_76 = arith.constant 0 : i32
    %dma_wait3A_77 = arith.constant 0 : i32
    %dma_wait3A_78 = tpu.memref_slice %arg5[%dma_wait3A_76, %dma_wait3A_77] : memref<524288x128xf32, #tpu.memory_space<hbm>> -> memref<524288x128xf32, #tpu.memory_space<hbm>>
    tpu.wait_indirect_dma semaphore(%arg25 : memref<!tpu.dma_semaphore, #tpu.memory_space<semaphore_mem>>) src(%arg16 : memref<128x128xf32, #tpu.memory_space<vmem>>) dst(%dma_wait3A_78 : memref<524288x128xf32, #tpu.memory_space<hbm>>)
    return
  }
}

module attributes {stable_mosaic.version = 14 : i64} {
  func.func @_softplus_body(%arg0: memref<2048x128xf32, #tpu.memory_space<vmem>>, %arg1: memref<2048x128xf32, #tpu.memory_space<vmem>>) attributes {dimension_semantics = [], scalar_prefetch = 0 : i64, scratch_operands = 0 : i64, tpu.core_type = #tpu.core_type<tc>} {
    %get3A = arith.constant 0 : index
    %get3A_0 = arith.constant 0 : index
    %get3A_1 = vector.load %arg0[%get3A, %get3A_0] : memref<2048x128xf32, #tpu.memory_space<vmem>>, vector<2048x128xf32>
    %sub3A = arith.constant 1.000000e+00 : f32
    %sub3A_2 = vector.broadcast %sub3A : f32 to vector<2048x128xf32>
    %sub3A_3 = arith.subf %get3A_1, %sub3A_2 : vector<2048x128xf32>
    %custom_jvp_call3A = arith.constant 0.000000e+00 : f32
    %max3A = vector.broadcast %custom_jvp_call3A : f32 to vector<2048x128xf32>
    %max3A_4 = arith.maximumf %sub3A_3, %max3A : vector<2048x128xf32>
    %sub3A_5 = vector.broadcast %custom_jvp_call3A : f32 to vector<2048x128xf32>
    %sub3A_6 = arith.subf %sub3A_3, %sub3A_5 : vector<2048x128xf32>
    %ne3A = arith.cmpf one, %sub3A_6, %sub3A_6 : vector<2048x128xf32>
    %add3A = vector.broadcast %custom_jvp_call3A : f32 to vector<2048x128xf32>
    %add3A_7 = arith.addf %sub3A_3, %add3A : vector<2048x128xf32>
    %abs3A = math.absf %sub3A_6 : vector<2048x128xf32>
    %neg3A = arith.constant 0.000000e+00 : f32
    %neg3A_8 = vector.broadcast %neg3A : f32 to vector<2048x128xf32>
    %neg3A_9 = arith.subf %neg3A_8, %abs3A : vector<2048x128xf32>
    %exp3A = math.exp %neg3A_9 : vector<2048x128xf32>
    %log1p3A = math.log1p %exp3A : vector<2048x128xf32>
    %add3A_10 = arith.addf %max3A_4, %log1p3A : vector<2048x128xf32>
    %select_n3A = arith.select %ne3A, %add3A_7, %add3A_10 : vector<2048x128xi1>, vector<2048x128xf32>
    %swap3A = arith.constant 0 : index
    %swap3A_11 = arith.constant 0 : index
    %swap3A_12 = vector.load %arg1[%swap3A, %swap3A_11] : memref<2048x128xf32, #tpu.memory_space<vmem>>, vector<2048x128xf32>
    tpu.vector_store %arg1[%swap3A, %swap3A_11], %select_n3A {strides = array<i32>} : memref<2048x128xf32, #tpu.memory_space<vmem>>, vector<2048x128xf32>,
    return
  }
}

</mosaic_0001>

<sc_bundles>
// kernel: kernel.4.cloned.1.call-start
scs
__scs_entry_jumppad:
0x0: {  	(pc) =	sbr.rel $0x88, $3  }
0x1: {  	(tag) =	ssettag $0x0;
	lr =	simm.s32 $0x1  }
0x2: {  	[smem:$0x3F9E] =	sst lr;
	_ =	strace $0xD0000000  }
0x3: {  	_ = 	snop  }
0x4: {  	_ = 	snop  }
0x5: {  	_ = 	snop  }
0x6: {  	_ = 	snop  }
0x7: {  	_ = 	snop  }
__scs_overlays_trampoline_lowered:
0x8: {  	[smem:$0x3FAD] =	sst s0  }
0x9: {  	[smem:$0x3FAE] =	sst s1  }
0xa: {  	[smem:$0x3FAF] =	sst s2  }
0xb: {  	[smem:$0x3FB0] =	sst s3  }
0xc: {  	[smem:$0x3FB1] =	sst s4  }
0xd: {  	[smem:$0x3FB2] =	sst s5  }
0xe: {  	[smem:$0x3FB3] =	sst s6  }
0xf: {  	[smem:$0x3FB4] =	sst s7  }
0x10: {  	[smem:$0x3FB5] =	sst s8  }
0x11: {  	[smem:$0x3FB6] =	sst s9;
	s0 =	simm.s32 @!p0 $0x0  }
0x12: {  	s1 =	sld [smem:$0x3F9C];
	s0 =	simm.s32 @p0 $0x1  }
0x13: {  	[smem:$0x3FB7] =	sst s0;
	s0 =	simm.s32 @!p1 $0x0  }
0x14: {  	s2 =	sld [smem:$0x3F9B];
	s0 =	simm.s32 @p1 $0x1  }
0x15: {  	[smem:$0x3FB8] =	sst s0;
	s0 =	simm.s32 @!p2 $0x0  }
0x16: {  	s3 =	sld [smem:$0x3FDB];
	s0 =	simm.s32 @p2 $0x1  }
0x17: {  	s4 =	simm.s32 $0x1BF5;
	[smem:$0x3FBA] =	sst s0  }
0x18: {  	s0 =	sld [smem:$0x3F9D];
	_ =	swait.ge [sflag:s4], $0x0  }
0x19: {  	s7 =	sld [smem:$0x3F9E]  }
0x1a: {  	s8 =	sadd.s32 $0xFFFFE003, lr  }
0x1b: {  	s9 =	sadd.s32 $0xFFFFFEF7, lr;
	s5 =	simm.s32 $0xFFFFFFFF;
	p2 =	slt.u32 s8, $0xFFFFF086  }
0x1c: {  	p1 =	slt.u32 s9, $0xF7A;
	s5 =	simm.s32 @!p2 $0x0  }
0x1d: {  	s5 =	simm.s32 @p1 $0x1;
	p0 =	seq.s32 s7, s2  }
0x1e: {  	s7 =	smul.u32 @!p0 $0xF7A, s2;
	p2 =	seq.s32 @!p0 s5, $0x0  }
0x1f: {  	s9 =	smul.u32 $0xF7A, s1;
	s8 =	simm.s32 @!p0 $0x1BF5;
	p2 =	por !p2, p0  }
0x20: {  	[sflag:s8] =	ssyncset.s32 @!p0 $0xFFFFF086;
	s6 =	sadd.s32 @!p0 s3, s7;
	s7 =	simm.s32 @!p0 $0x108  }
0x21: {  	s3 =	sadd.s32 s3, s9;
	s6 =	sadd.s32 @!p0 $0x88, s6;
	s7 =	simm.s32 @p2 $0x1082  }
0x22: {  	[simem:s7], [sflag:s8] =	dma.local @!p0 [hbm:s6], $0xF7A  }
0x23: {  	s9 =	sor.u32 $0xD0000000, s2;
	s6 =	simm.s32 $0x108;
	_ =	swait.ge @!p0 [sflag:s8], $0x0  }
0x24: {  	s3 =	sadd.s32 $0x88, s3;
	s6 =	simm.s32 @!p1 $0x1082;
	[sflag:s4] =	ssyncset.s32 $0xFFFFF086  }
0x25: {  	[simem:s6], [sflag:s4] =	dma.local [hbm:s3], $0xF7A  }
0x26: {  	[smem:$0x3F9E] =	sst s1;
	(tag) =	ssettag s2;
	_ =	strace s9  }
0x27: {  	s1 =	sld [smem:$0x3FAE]  }
0x28: {  	s2 =	sld [smem:$0x3FAF]  }
0x29: {  	s4 =	sld [smem:$0x3FB1]  }
0x2a: {  	p0 =	seq.s32 s5, $0x0;
	s5 =	sld [smem:$0x3FB2]  }
0x2b: {  	s6 =	sld [smem:$0x3FB3]  }
0x2c: {  	s7 =	sld [smem:$0x3FB4]  }
0x2d: {  	s3 =	simm.s32 $0x108;
	s8 =	sld [smem:$0x3FB5]  }
0x2e: {  	s3 =	simm.s32 @!p0 $0x1082;
	s9 =	sld [smem:$0x3FB6]  }
0x2f: {  	lr =	sadd.s32 s0, s3;
	s0 =	sld [smem:$0x3FAD]  }
0x30: {  	s3 =	sld [smem:$0x3FB0]  }
0x31: {  	[smem:$0x3FB9] =	sst s10  }
0x32: {  	s10 =	sld [smem:$0x3FB7];
	_ =	sdelay $0x3  }
0x33: {  	p0 =	seq.s32 s10, $0x1;
	s10 =	sld [smem:$0x3FB9];
	_ =	sdelay $0x3  }
0x34: {  	[smem:$0x3FB9] =	sst s10  }
0x35: {  	s10 =	sld [smem:$0x3FB8];
	_ =	sdelay $0x3  }
0x36: {  	p1 =	seq.s32 s10, $0x1;
	s10 =	sld [smem:$0x3FB9];
	_ =	sdelay $0x3  }
0x37: {  	[smem:$0x3FB9] =	sst s10  }
0x38: {  	s10 =	sld [smem:$0x3FBA]  }
0x39: {  	_ = 	snop;
	(pc) =	sbr.ind lr, $3  }
0x3a: {  	_ = 	snop  }
0x3b: {  	_ = 	snop  }
0x3c: {  	p2 =	seq.s32 s10, $0x1;
	s10 =	sld [smem:$0x3FB9]  }
0x3d: {  	_ =	shalt  }
0x3e: {  	_ =	shalt  }
0x3f: {  	_ =	shalt  }
0x40: {  	_ =	shalt  }
0x41: {  	_ =	shalt  }
0x42: {  	_ =	shalt  }
0x43: {  	_ =	shalt  }
0x44: {  	_ =	shalt  }
0x45: {  	_ =	shalt  }
0x46: {  	_ =	shalt  }
0x47: {  	_ =	shalt  }
0x48: {  	_ =	shalt  }
0x49: {  	_ =	shalt  }
0x4a: {  	_ =	shalt  }
0x4b: {  	_ =	shalt  }
0x4c: {  	_ =	shalt  }
0x4d: {  	_ =	shalt  }
0x4e: {  	_ =	shalt  }
0x4f: {  	_ =	shalt  }
0x50: {  	_ =	shalt  }
0x51: {  	_ =	shalt  }
0x52: {  	_ =	shalt  }
0x53: {  	_ =	shalt  }
0x54: {  	_ =	shalt  }
0x55: {  	_ =	shalt  }
0x56: {  	_ =	shalt  }
0x57: {  	_ =	shalt  }
0x58: {  	_ =	shalt  }
0x59: {  	_ =	shalt  }
0x5a: {  	_ =	shalt  }
0x5b: {  	_ =	shalt  }
0x5c: {  	_ =	shalt  }
0x5d: {  	_ =	shalt  }
0x5e: {  	_ =	shalt  }
0x5f: {  	_ =	shalt  }
0x60: {  	_ =	shalt  }
0x61: {  	_ =	shalt  }
0x62: {  	_ =	shalt  }
0x63: {  	_ =	shalt  }
0x64: {  	_ =	shalt  }
0x65: {  	_ =	shalt  }
0x66: {  	_ =	shalt  }
0x67: {  	_ =	shalt  }
0x68: {  	_ =	shalt  }
0x69: {  	_ =	shalt  }
0x6a: {  	_ =	shalt  }
0x6b: {  	_ =	shalt  }
0x6c: {  	_ =	shalt  }
0x6d: {  	_ =	shalt  }
0x6e: {  	_ =	shalt  }
0x6f: {  	_ =	shalt  }
0x70: {  	_ =	shalt  }
0x71: {  	_ =	shalt  }
0x72: {  	_ =	shalt  }
0x73: {  	_ =	shalt  }
0x74: {  	_ =	shalt  }
0x75: {  	_ =	shalt  }
0x76: {  	_ =	shalt  }
0x77: {  	_ =	shalt  }
0x78: {  	_ =	shalt  }
0x79: {  	_ =	shalt  }
0x7a: {  	_ =	shalt  }
0x7b: {  	_ =	shalt  }
0x7c: {  	_ =	shalt  }
0x7d: {  	_ =	shalt  }
0x7e: {  	_ =	shalt  }
0x7f: {  	_ =	shalt  }
0x80: {  	_ =	shalt  }
0x81: {  	_ =	shalt  }
0x82: {  	_ =	shalt  }
0x83: {  	_ =	shalt  }
0x84: {  	_ =	shalt  }
0x85: {  	_ =	shalt  }
0x86: {  	_ =	shalt  }
0x87: {  	_ =	shalt  }
.Lfunc_end0:
.L_simem_size_0:
called_computation.1_lowered:
.L_overlay_start_0:
0x88: {  	s2 =	sld [smem:$0x3FD9]  }
0x89: {  	s3 =	sld [smem:$0x3FFE];
	_ =	sdelay $0x1  }
0x8a: {  	s1 =	srdreg.scid  }
0x8b: {  	s0 =	sand.u32 $0x1, s1  }
0x8c: {  	s17 =	sshll.u32 s0, $0xA;
	s2 =	sadd.s32 s3, s2  }
0x8d: {  	s2 =	sadd.s32 s2, s17  }
0x8e: {  	[smem:$0x3FC5] =	sst s2  }
0x8f: {  	_ = 	snop  }
0x90: {  	s2 =	sld [smem:$0x3FC9]  }
0x91: {  	s18 =	sld [smem:$0x3FC7]  }
0x92: {  	s4 =	sld [smem:$0x3FD0];
	(tm) =	ssettm $0x1  }
0x93: {  	s5 =	sld [smem:$0x3FFB];
	_ =	sdelay $0x3  }
0x94: {  	_ =	strace s5  }
0x95: {  	s5 =	sld [smem:$0x3FFC];
	_ =	sdelay $0x3  }
0x96: {  	_ =	strace s5  }
0x97: {  	s5 =	sld [smem:$0x3FFD];
	_ =	sdelay $0x3  }
0x98: {  	_ =	strace s5  }
0x99: {  	_ =	strace $0x8FFFFFFF  }
0x9a: {  	s19 =	sld [smem:$0x3FDB];
	_ =	sdelay $0x1  }
0x9b: {  	s6 =	simm.s32 $_scs_section_size  }
0x9c: {  	s7 =	simm.s32 $_size__tile_overlayer_lowered;
	s8 =	simm.s32 $_tile_overlayer_lowered  }
0x9d: {  	s22 =	simm.s32 $0x1BFF;
	s21 =	sshll.u32 s8, $0x1;
	s5 =	sadd.s32 s6, s19  }
0x9e: {  	s9 =	simm.s32 $0x0;
	s20 =	sshll.u32 s7, $0x1;
	s7 =	sadd.s32 s21, s5  }
0x9f: {  	[timem:s9], [sflag:s22] =	dma.local [hbm:s7], s20  }
0xa0: {  	_ =	swait.ge [sflag:s22], s20  }
0xa1: {  	s6 =	ssub.s32 $0x0, s20;
	[sflag:s22] =	ssyncset.done $0x0  }
0xa2: {  	[sflag:s22] =	ssyncadd.s32 s6;
	_ =	sdelay $0x1  }
0xa3: {  	s23 =	simm.s32 $0x1B8B  }
0xa4: {  	_ =	swait.ge [sflag:s23], $0x1  }
0xa5: {  	[sflag:s23] =	ssyncset.done $0x0  }
0xa6: {  	s25 =	simm.s32 $0x1B8E;
	s24 =	sld [smem:$0x3FFE];
	[sflag:s23] =	ssyncadd.s32 $0xFFFFFFFF  }
0xa7: {  	s26 =	simm.s32 $execute0_lowered;
	[smem:$0x3FD2] =	sst s25  }
0xa8: {  	s7 =	sshll.u32 s26, $0x1;
	_ =	strace $0x80000046;
	[dreg:$0x1] =	wrdreg $0xFFFFFFFF  }
0xa9: {  	s28 =	simm.s32 $_size_execute0_lowered;
	s5 =	sadd.s32 s5, s7;
	[dreg:$0x0] =	wrdreg $0x0  }
0xaa: {  	s7 =	sshll.u32 s28, $0x1;
	[dreg:$0x2] =	wrdreg s5  }
0xab: {  	[dreg:$0x3] =	wrdreg s7  }
0xac: {  	[dreg:$0x4] =	wrdreg $0xC0  }
0xad: {  	_ =	task [dreg:s9], $0x5FFFF  }
0xae: {  	[dreg:$0x1] =	wrdreg $0xFFFFFFFF  }
0xaf: {  	[dreg:$0x0] =	wrdreg $0x60  }
0xb0: {  	[dreg:$0x2] =	wrdreg s2  }
0xb1: {  	[dreg:$0x3] =	wrdreg s4  }
0xb2: {  	[dreg:$0x4] =	wrdreg s18  }
0xb3: {  	[dreg:$0x5] =	wrdreg s24  }
0xb4: {  	[dreg:$0x6] =	wrdreg $0x9  }
0xb5: {  	_ =	task.clear_ibuf [dreg:s9], $0x7FFFF;
	_ =	strace $0x90000046  }
0xb6: {  	s29 =	simm.s32 $0x9;
	_ =	strace $0x80000048  }
0xb7: {  	_ =	swait.ge [sflag:s29], $0x1  }
0xb8: {  	[sflag:s29] =	ssyncadd.s32 $0xFFFFFFFF  }
0xb9: {  	_ =	strace $0x90000048  }
0xba: {  	_ =	sfence  }
0xbb: {  	s30 =	sld [smem:$0x0];
	_ =	sdelay $0x2  }
0xbc: {  	s31 =	sshll.u32 s1, $0xD;
	s1 =	sshrl.u32 s1, $0x2  }
0xbd: {  	s3 =	sand.u32 $0x4000, s31;
	s1 =	sadd.s32 s1, s30  }
0xbe: {  	s0 =	sor.u32 s3, s0;
	s1 =	sshll.u32 s1, $0x11  }
0xbf: {  	s0 =	sor.u32 s1, s0  }
0xc0: {  	s0 =	sadd.s32 $0x8F2B, s0  }
0xc1: {  	[sflag:s0] =	ssyncadd.remote.s32 $0x1  }
0xc2: {  	_ =	sfence.sel $0xFFFF  }
0xc3: {  	[dreg:$0x0] =	wrdreg $0xFFFFFFFF;
	(pc) =	sbr.abs _section_cstart, $3  }
0xc4: {  	[dreg:$0x1] =	wrdreg $0xFFFFFFFF  }
0xc5: {  	_ =	task.clear_ibuf [dreg:s9], $0x2FFFF;
	_ =	strace $0x9FFFFFFF  }
0xc6: {  	(tm) =	ssettm $0x7FFFFFFF  }
0xc7: {  	_ =	shalt  }
tec
execute0_lowered:
.L_overlay_start_1:
0x0: {  	(tag) =	ssettag $0x1  }
0x1: {  	v4 =	vlaneseq.u32  }
0x2: {  	v12 =	vmul.u32 $0x80, v4;
	_ =	sdelay $0x1  }
0x3: {  	v0 =	vor.u32 $0x800, v12  }
0x4: {  	[tilespmem:$0x1FC10] =	vst v0;
	v0 =	vor.u32 $0x1000, v12  }
0x5: {  	[tilespmem:$0x1FC20] =	vst v0;
	v0 =	vor.u32 $0x1800, v12  }
0x6: {  	[tilespmem:$0x1FC30] =	vst v0;
	v0 =	vor.u32 $0x2000, v12  }
0x7: {  	s0 =	rddreg [dreg:$0x0];
	[tilespmem:$0x1FC40] =	vst v0;
	v0 =	vor.u32 $0x2800, v12  }
0x8: {  	s1 =	rddreg [dreg:$0x1];
	[tilespmem:$0x1FC50] =	vst v0;
	v0 =	vor.u32 $0x3000, v12  }
0x9: {  	s2 =	rddreg [dreg:$0x2];
	s5 =	simm.s32 $0x0;
	[tilespmem:$0x1FC60] =	vst v0;
	v0 =	vor.u32 $0x3800, v12  }
0xa: {  	v11 =	vor.u32 $0x10, v4;
	[smem:$0x7FF] =	sst s5;
	[tilespmem:$0x1FC70] =	vst v0  }
0xb: {  	s3 =	rddreg [dreg:$0x3];
	v15 =	vor.u32 $0x801, v12;
	_ =	strace $0x80000047;
	[tilespmem:$0x1FC80] =	vst v11  }
0xc: {  	v16 =	vor.u32 $0x20, v4;
	[tilespmem:$0x1FC90] =	vst v15  }
0xd: {  	v17 =	vor.u32 $0x1001, v12;
	[tilespmem:$0x1FCA0] =	vst v16  }
0xe: {  	v18 =	vor.u32 $0x30, v4;
	[tilespmem:$0x1FCB0] =	vst v17  }
0xf: {  	v19 =	vor.u32 $0x1801, v12;
	[tilespmem:$0x1FCC0] =	vst v18  }
0x10: {  	v20 =	vor.u32 $0x40, v4;
	[tilespmem:$0x1FCD0] =	vst v19  }
0x11: {  	v21 =	vor.u32 $0x2001, v12;
	[tilespmem:$0x1FCE0] =	vst v20  }
0x12: {  	v22 =	vor.u32 $0x50, v4;
	[tilespmem:$0x1FCF0] =	vst v21  }
0x13: {  	v23 =	vor.u32 $0x2801, v12;
	[tilespmem:$0x1FD00] =	vst v22  }
0x14: {  	v24 =	vor.u32 $0x60, v4;
	[tilespmem:$0x1FD10] =	vst v23  }
0x15: {  	v25 =	vor.u32 $0x3001, v12;
	[tilespmem:$0x1FD20] =	vst v24  }
0x16: {  	v26 =	vor.u32 $0x70, v4;
	[tilespmem:$0x1FD30] =	vst v25  }
0x17: {  	v27 =	vor.u32 $0x3801, v12;
	[tilespmem:$0x1FD40] =	vst v26  }
0x18: {  	v28 =	vor.u32 $0x800, v4;
	[tilespmem:$0x1FD50] =	vst v27  }
0x19: {  	v29 =	vor.u32 $0x11, v12;
	[tilespmem:$0x1FD60] =	vst v28  }
0x1a: {  	v30 =	vor.u32 $0x810, v4;
	[tilespmem:$0x1FD70] =	vst v29  }
0x1b: {  	v31 =	vor.u32 $0x811, v12;
	[tilespmem:$0x1FD80] =	vst v30  }
0x1c: {  	v32 =	vor.u32 $0x820, v4;
	[tilespmem:$0x1FD90] =	vst v31  }
0x1d: {  	v33 =	vor.u32 $0x1011, v12;
	[tilespmem:$0x1FDA0] =	vst v32  }
0x1e: {  	v34 =	vor.u32 $0x830, v4;
	[tilespmem:$0x1FDB0] =	vst v33  }
0x1f: {  	v35 =	vor.u32 $0x1811, v12;
	[tilespmem:$0x1FDC0] =	vst v34  }
0x20: {  	v36 =	vor.u32 $0x840, v4;
	[tilespmem:$0x1FDD0] =	vst v35  }
0x21: {  	v37 =	vor.u32 $0x2011, v12;
	[tilespmem:$0x1FDE0] =	vst v36  }
0x22: {  	v38 =	vor.u32 $0x850, v4;
	[tilespmem:$0x1FDF0] =	vst v37  }
0x23: {  	v39 =	vor.u32 $0x2811, v12;
	[tilespmem:$0x1FE00] =	vst v38  }
0x24: {  	v40 =	vor.u32 $0x860, v4;
	[tilespmem:$0x1FE10] =	vst v39  }
0x25: {  	v43 =	vor.u32 $0x3011, v12;
	[tilespmem:$0x1FE20] =	vst v40  }
0x26: {  	v42 =	vor.u32 $0x870, v4;
	[tilespmem:$0x1FE30] =	vst v43  }
0x27: {  	v45 =	vor.u32 $0x3811, v12;
	[tilespmem:$0x1FE40] =	vst v42  }
0x28: {  	v46 =	vor.u32 $0x1000, v4;
	[tilespmem:$0x1FE50] =	vst v45  }
0x29: {  	v47 =	vor.u32 $0x21, v12;
	[tilespmem:$0x1FE60] =	vst v46  }
0x2a: {  	v48 =	vor.u32 $0x1010, v4;
	[tilespmem:$0x1FE70] =	vst v47  }
0x2b: {  	v49 =	vor.u32 $0x821, v12;
	[tilespmem:$0x1FE80] =	vst v48  }
0x2c: {  	v50 =	vor.u32 $0x1020, v4;
	[tilespmem:$0x1FE90] =	vst v49  }
0x2d: {  	v51 =	vor.u32 $0x1021, v12;
	[tilespmem:$0x1FEA0] =	vst v50  }
0x2e: {  	v52 =	vor.u32 $0x1030, v4;
	[tilespmem:$0x1FEB0] =	vst v51  }
0x2f: {  	v53 =	vor.u32 $0x1040, v4;
	[tilespmem:$0x1FEC0] =	vst v52  }
0x30: {  	v54 =	vor.u32 $0x1821, v12;
	[tilespmem:$0x1FED0] =	vst v53  }
0x31: {  	v55 =	vor.u32 $0x2021, v12;
	[tilespmem:$0x1FEE0] =	vst v54  }
0x32: {  	s4 =	srdreg.scid;
	s6 =	stileid.u32;
	v56 =	vor.u32 $0x1050, v4;
	[tilespmem:$0x1FEF0] =	vst v55  }
0x33: {  	s16 =	simm.s32 $0x400;
	s17 =	simm.s32 $0x200000;
	s18 =	simm.s32 $0x4000;
	v57 =	vor.u32 $0x2821, v12;
	[tilespmem:$0x1FF00] =	vst v56  }
0x34: {  	s19 =	simm.s32 $0x6000;
	s20 =	simm.s32 $0x8000;
	s28 =	simm.s32 $0x7;
	v58 =	vor.u32 $0x1060, v4;
	[tilespmem:$0x1FF10] =	vst v57  }
0x35: {  	s29 =	simm.s32 $0x10000;
	s30 =	simm.s32 $0x4;
	s31 =	simm.s32 $0x8;
	v59 =	vor.u32 $0x3021, v12;
	[tilespmem:$0x1FF20] =	vst v58  }
0x36: {  	s15 =	simm.s32 $0x9;
	s4 =	sand.u32 $0x1, s4;
	s6 =	sshll.u32 s6, $0x1;
	v60 =	vor.u32 $0x1070, v4;
	[tilespmem:$0x1FF30] =	vst v59  }
0x37: {  	s3 =	sadd.s32 $0xC00, s3;
	s21 =	ssub.s32 $0x2, s4;
	s4 =	sor.u32 s4, s6;
	v61 =	vor.u32 $0x3821, v12;
	[tilespmem:$0x1FF40] =	vst v60  }
0x38: {  	v62 =	vor.u32 $0x1800, v4;
	s7 =	sshrl.u32 s21, $0x1;
	s6 =	sshll.u32 s4, $0xD;
	s4 =	sshll.u32 s4, $0xA;
	[tilespmem:$0x1FF50] =	vst v61  }
0x39: {  	v63 =	vor.u32 $0x31, v12;
	s5 =	ssub.s32 s21, s7;
	s0 =	sadd.s32 s0, s4;
	s22 =	sadd.s32 s1, s4;
	[tilespmem:$0x1FF60] =	vst v62  }
0x3a: {  	v2 =	vor.u32 $0x1810, v4;
	s6 =	sadd.s32 s2, s6;
	s21 =	simm.s32 $0xA000;
	s2 =	simm.s32 $0x5;
	[tilespmem:$0x1FF70] =	vst v63  }
0x3b: {  	v13 =	vor.u32 $0x831, v12;
	s1 =	simm.s32 $0x18000;
	s4 =	simm.s32 $0x6;
	[dreg:$0x5] =	wrdreg s0;
	[tilespmem:$0x1FF80] =	vst v2  }
0x3c: {  	v6 =	vor.u32 $0x1820, v4;
	s23 =	sadd.s32 $0x80, s6;
	s24 =	sadd.s32 $0x100, s6;
	[dreg:$0x6] =	wrdreg s22;
	[tilespmem:$0x1FF90] =	vst v13  }
0x3d: {  	v7 =	vor.u32 $0x1031, v12;
	s25 =	sadd.s32 $0x180, s6;
	s10 =	sadd.s32 $0x200, s6;
	[dreg:$0x7] =	wrdreg s23;
	[tilespmem:$0x1FFA0] =	vst v6  }
.Ltmp0:
0x3e: {  	v8 =	vor.u32 $0x1830, v4;
	s11 =	sadd.s32 $0x280, s6;
	[dreg:$0x8] =	wrdreg s24;
	[tilespmem:$0x1FFB0] =	vst v7;
	(pc) =	sbr.rel .LBB2_1-.Ltmp0, $4  }
0x3f: {  	v9 =	vor.u32 $0x1831, v12;
	s12 =	sadd.s32 $0x300, s6;
	s26 =	smax.u32 s5, $0x1;
	[dreg:$0x9] =	wrdreg s25;
	[tilespmem:$0x1FFC0] =	vst v8  }
0x40: {  	v10 =	vor.u32 $0x1840, v4;
	s13 =	sadd.s32 $0x380, s6;
	s5 =	simm.s32 $0x0;
	[dreg:$0xa] =	wrdreg s26;
	[tilespmem:$0x1FFD0] =	vst v9  }
0x41: {  	s22 =	simm.s32 $0x1;
	s23 =	simm.s32 $0x2;
	s24 =	simm.s32 $0xC000;
	[tilespmem:$0x1FFE0] =	vst v10  }
0x42: {  	v14 =	vor.u32 $0x1, v12;
	s25 =	simm.s32 $0x80;
	s26 =	simm.s32 $0x3;
	s0 =	simm.s32 $0x14000;
	[tilespmem:$0x1FFF0] =	vst v12  }
.LBB2_24:
0x43: {  	_ =	swait.ge [sflag:s4], $0x4000  }
0x44: {  	[sflag:s4] =	ssyncset.done $0x0  }
0x45: {  	[sflag:s4] =	ssyncadd.s32 $0xFFFFC000  }
0x46: {  	_ =	swait.ge [sflag:s28], $0x4000  }
0x47: {  	[sflag:s28] =	ssyncset.done $0x0  }
0x48: {  	[sflag:s28] =	ssyncadd.s32 $0xFFFFC000  }
0x49: {  	_ =	swait.ge [sflag:s31], $0x4000  }
0x4a: {  	[sflag:s31] =	ssyncset.done $0x0  }
0x4b: {  	[sflag:s31] =	ssyncadd.s32 $0xFFFFC000  }
0x4c: {  	_ =	swait.ge [sflag:s15], $0x4000  }
0x4d: {  	s5 =	sadd.s32 $0x1, s5;
	s7 =	rddreg [dreg:$0xa]  }
0x4e: {  	v12 =	vld [tilespmem:$0x1FFF0];
	p0 =	sne.s32 s5, s7  }
.Ltmp1:
0x4f: {  	v6 =	vld [tilespmem:$0x1FFA0];
	(pc) =	sbr.rel @!p0 .LBB2_25-.Ltmp1, $4  }
0x50: {  	v7 =	vld [tilespmem:$0x1FFB0]  }
0x51: {  	v8 =	vld [tilespmem:$0x1FFC0]  }
0x52: {  	[sflag:s15] =	ssyncset.done $0x0;
	v9 =	vld [tilespmem:$0x1FFD0]  }
0x53: {  	v10 =	vld [tilespmem:$0x1FFE0];
	[sflag:s15] =	ssyncadd.s32 $0xFFFFC000  }
.LBB2_1:
0x54: {  	s7 =	simm.s32 $0x0;
	s8 =	rddreg [dreg:$0x5]  }
0x55: {  	[tilespmem:s7], [sflag:$0x1] =	stream.linear.gather [hbm4b:s8+s7], $0x2000, $0x38;
	[tilespmem:$0x1C000] =	vst v63  }
0x56: {  	s14 =	rddreg [dreg:$0x6];
	s9 =	simm.s32 $0x2000  }
0x57: {  	[tilespmem:s9], [sflag:$0x1] =	stream.linear.gather [hbm4b:s14+s7], $0x2000, $0x38;
	[tilespmem:$0x1C000] =	vst v63  }
0x58: {  	_ = 	snop  }
0x59: {  	[tilespmem:s18], [sflag:$0x2] =	stream.strided.gather [hbm4b:s6+s16], $0x2000, s17, s16, $0x38;
	[tilespmem:$0x1C000] =	vst v63  }
0x5a: {  	s8 =	rddreg [dreg:$0x7]  }
0x5b: {  	[tilespmem:s19], [sflag:$0x3] =	stream.strided.gather [hbm4b:s8+s16], $0x2000, s17, s16, $0x38;
	[tilespmem:$0x1C000] =	vst v63  }
0x5c: {  	s9 =	rddreg [dreg:$0x8]  }
0x5d: {  	[tilespmem:s20], [sflag:$0x4] =	stream.strided.gather [hbm4b:s9+s16], $0x2000, s17, s16, $0x38;
	[tilespmem:$0x1C000] =	vst v63  }
0x5e: {  	s14 =	rddreg [dreg:$0x9]  }
0x5f: {  	[tilespmem:s21], [sflag:$0x5] =	stream.strided.gather [hbm4b:s14+s16], $0x2000, s17, s16, $0x38;
	[tilespmem:$0x1C000] =	vst v63  }
0x60: {  	_ =	swait.ge [sflag:s22], $0x2000  }
0x61: {  	[sflag:s22] =	ssyncset.done $0x0  }
0x62: {  	[sflag:s22] =	ssyncadd.s32 $0xFFFFE000  }
0x63: {  	_ =	swait.ge [sflag:s22], $0x2000  }
0x64: {  	[sflag:s22] =	ssyncset.done $0x0  }
0x65: {  	s7 =	simm.s32 $0x0;
	[sflag:s22] =	ssyncadd.s32 $0xFFFFE000  }
.LBB2_2:
0x66: {  	_ =	swait.ge [sflag:s23], $0x2000  }
0x67: {  	p0 =	seq.s32 s7, $0x0;
	[sflag:s23] =	ssyncset.done $0x0  }
0x68: {  	s9 =	simm.s32 @!p0 $0x6;
	[sflag:s23] =	ssyncadd.s32 $0xFFFFE000  }
0x69: {  	_ =	swait.ge @!p0 [sflag:s9], $0x4000  }
0x6a: {  	[sflag:s9] =	ssyncset.done @!p0 $0x0  }
0x6b: {  	s8 =	sshll.u32 s7, $0x9;
	[sflag:s9] =	ssyncadd.s32 @!p0 $0xFFFFC000  }
0x6c: {  	v0 =	vld [tilespmem:s8+$0x2000];
	_ =	sdelay $0x2  }
0x6d: {  	v1 =	vld [tilespmem:$0x1FC10];
	_ =	sdelay $0x1  }
0x6e: {  	[tilespmem:v12+s24+$0x0] =	vst.idx.msk $0xffff, v0  }
0x6f: {  	v0 =	vld [tilespmem:s8+$0x2010];
	_ =	sdelay $0x4  }
0x70: {  	[tilespmem:v1+s24+$0x0] =	vst.idx.msk $0xffff, v0;
	v1 =	vld [tilespmem:$0x1FC20];
	_ =	sdelay $0x2  }
0x71: {  	v0 =	vld [tilespmem:s8+$0x2020];
	_ =	sdelay $0x4  }
0x72: {  	[tilespmem:v1+s24+$0x0] =	vst.idx.msk $0xffff, v0;
	v1 =	vld [tilespmem:$0x1FC30];
	_ =	sdelay $0x2  }
0x73: {  	v0 =	vld [tilespmem:s8+$0x2030];
	_ =	sdelay $0x4  }
0x74: {  	[tilespmem:v1+s24+$0x0] =	vst.idx.msk $0xffff, v0;
	v1 =	vld [tilespmem:$0x1FC40];
	_ =	sdelay $0x2  }
0x75: {  	v0 =	vld [tilespmem:s8+$0x2040];
	_ =	sdelay $0x4  }
0x76: {  	[tilespmem:v1+s24+$0x0] =	vst.idx.msk $0xffff, v0;
	v1 =	vld [tilespmem:$0x1FC50];
	_ =	sdelay $0x2  }
0x77: {  	v0 =	vld [tilespmem:s8+$0x2050];
	_ =	sdelay $0x2  }
0x78: {  	v3 =	vld [tilespmem:$0x1FC60];
	_ =	sdelay $0x1  }
0x79: {  	[tilespmem:v1+s24+$0x0] =	vst.idx.msk $0xffff, v0  }
0x7a: {  	v0 =	vld [tilespmem:s8+$0x2060];
	_ =	sdelay $0x2  }
0x7b: {  	s14 =	simm.s32 $0x0;
	v5 =	vld [tilespmem:$0x1FC70]  }
0x7c: {  	v1 =	vadd.s32 s14, v4  }
0x7d: {  	[tilespmem:v3+s24+$0x0] =	vst.idx.msk $0xffff, v0;
	v0 =	vand.u32 $0xF, v1  }
0x7e: {  	v44 =	vlaneseq.u32;
	v3 =	vld [tilespmem:s8+$0x2070];
	v1 =	vshll.u32 v0, $0x7  }
0x7f: {  	v4 =	vor.u32 v44, v1;
	_ =	sdelay $0x3  }
0x80: {  	[tilespmem:v5+s24+$0x0] =	vst.idx.msk $0xffff, v3  }
0x81: {  	v3 =	vld.idx.msk [tilespmem:v4+s18+$0x0], $0xffff;
	v4 =	vadd.s32 v14, v0  }
0x82: {  	v5 =	vor.u32 v11, v1;
	_ =	sdelay $0x3  }
0x83: {  	[tilespmem:v4+s24+$0x0] =	vst.idx.msk $0xffff, v3  }
0x84: {  	v4 =	vadd.s32 v15, v0;
	v3 =	vld.idx.msk [tilespmem:v5+s18+$0x0], $0xffff  }
0x85: {  	v5 =	vor.u32 v16, v1;
	_ =	sdelay $0x3  }
0x86: {  	[tilespmem:v4+s24+$0x0] =	vst.idx.msk $0xffff, v3  }
0x87: {  	v4 =	vadd.s32 v17, v0;
	v3 =	vld.idx.msk [tilespmem:v5+s18+$0x0], $0xffff  }
0x88: {  	v5 =	vor.u32 v18, v1;
	_ =	sdelay $0x3  }
0x89: {  	[tilespmem:v4+s24+$0x0] =	vst.idx.msk $0xffff, v3  }
0x8a: {  	v4 =	vadd.s32 v19, v0;
	v3 =	vld.idx.msk [tilespmem:v5+s18+$0x0], $0xffff  }
0x8b: {  	v5 =	vor.u32 v20, v1;
	_ =	sdelay $0x3  }
0x8c: {  	[tilespmem:v4+s24+$0x0] =	vst.idx.msk $0xffff, v3  }
0x8d: {  	v4 =	vadd.s32 v21, v0;
	v3 =	vld.idx.msk [tilespmem:v5+s18+$0x0], $0xffff  }
0x8e: {  	v5 =	vor.u32 v22, v1;
	_ =	sdelay $0x3  }
0x8f: {  	[tilespmem:v4+s24+$0x0] =	vst.idx.msk $0xffff, v3  }
0x90: {  	v4 =	vadd.s32 v23, v0;
	v3 =	vld.idx.msk [tilespmem:v5+s18+$0x0], $0xffff  }
0x91: {  	v5 =	vor.u32 v24, v1;
	_ =	sdelay $0x3  }
0x92: {  	[tilespmem:v4+s24+$0x0] =	vst.idx.msk $0xffff, v3  }
0x93: {  	v4 =	vadd.s32 v25, v0;
	v3 =	vld.idx.msk [tilespmem:v5+s18+$0x0], $0xffff  }
0x94: {  	v5 =	vor.u32 v26, v1;
	_ =	sdelay $0x3  }
0x95: {  	[tilespmem:v4+s24+$0x0] =	vst.idx.msk $0xffff, v3  }
0x96: {  	v4 =	vadd.s32 v27, v0;
	v3 =	vld.idx.msk [tilespmem:v5+s18+$0x0], $0xffff  }
0x97: {  	v5 =	vor.u32 v28, v1;
	_ =	sdelay $0x3  }
0x98: {  	[tilespmem:v4+s24+$0x0] =	vst.idx.msk $0xffff, v3  }
0x99: {  	v4 =	vadd.s32 v29, v0;
	v3 =	vld.idx.msk [tilespmem:v5+s18+$0x0], $0xffff  }
0x9a: {  	v5 =	vor.u32 v30, v1;
	_ =	sdelay $0x3  }
0x9b: {  	[tilespmem:v4+s24+$0x0] =	vst.idx.msk $0xffff, v3  }
0x9c: {  	v4 =	vadd.s32 v31, v0;
	v3 =	vld.idx.msk [tilespmem:v5+s18+$0x0], $0xffff  }
0x9d: {  	v5 =	vor.u32 v32, v1;
	_ =	sdelay $0x3  }
0x9e: {  	[tilespmem:v4+s24+$0x0] =	vst.idx.msk $0xffff, v3  }
0x9f: {  	v4 =	vadd.s32 v33, v0;
	v3 =	vld.idx.msk [tilespmem:v5+s18+$0x0], $0xffff  }
0xa0: {  	v5 =	vor.u32 v34, v1;
	_ =	sdelay $0x3  }
0xa1: {  	[tilespmem:v4+s24+$0x0] =	vst.idx.msk $0xffff, v3  }
0xa2: {  	v4 =	vadd.s32 v35, v0;
	v3 =	vld.idx.msk [tilespmem:v5+s18+$0x0], $0xffff  }
0xa3: {  	v5 =	vor.u32 v36, v1;
	_ =	sdelay $0x3  }
0xa4: {  	[tilespmem:v4+s24+$0x0] =	vst.idx.msk $0xffff, v3  }
0xa5: {  	v4 =	vadd.s32 v37, v0;
	v3 =	vld.idx.msk [tilespmem:v5+s18+$0x0], $0xffff  }
0xa6: {  	v5 =	vor.u32 v38, v1;
	_ =	sdelay $0x3  }
0xa7: {  	[tilespmem:v4+s24+$0x0] =	vst.idx.msk $0xffff, v3  }
0xa8: {  	v4 =	vadd.s32 v39, v0;
	v3 =	vld.idx.msk [tilespmem:v5+s18+$0x0], $0xffff  }
0xa9: {  	v5 =	vor.u32 v40, v1;
	_ =	sdelay $0x3  }
0xaa: {  	[tilespmem:v4+s24+$0x0] =	vst.idx.msk $0xffff, v3  }
0xab: {  	v4 =	vadd.s32 v43, v0;
	v3 =	vld.idx.msk [tilespmem:v5+s18+$0x0], $0xffff  }
0xac: {  	v5 =	vor.u32 v42, v1;
	_ =	sdelay $0x3  }
0xad: {  	[tilespmem:v4+s24+$0x0] =	vst.idx.msk $0xffff, v3  }
0xae: {  	v4 =	vadd.s32 v45, v0;
	v3 =	vld.idx.msk [tilespmem:v5+s18+$0x0], $0xffff  }
0xaf: {  	v5 =	vor.u32 v46, v1;
	_ =	sdelay $0x3  }
0xb0: {  	[tilespmem:v4+s24+$0x0] =	vst.idx.msk $0xffff, v3  }
0xb1: {  	v4 =	vadd.s32 v47, v0;
	v3 =	vld.idx.msk [tilespmem:v5+s18+$0x0], $0xffff  }
0xb2: {  	v5 =	vor.u32 v48, v1;
	_ =	sdelay $0x3  }
0xb3: {  	[tilespmem:v4+s24+$0x0] =	vst.idx.msk $0xffff, v3  }
0xb4: {  	v4 =	vadd.s32 v49, v0;
	v3 =	vld.idx.msk [tilespmem:v5+s18+$0x0], $0xffff  }
0xb5: {  	v5 =	vor.u32 v50, v1;
	_ =	sdelay $0x3  }
0xb6: {  	[tilespmem:v4+s24+$0x0] =	vst.idx.msk $0xffff, v3  }
0xb7: {  	v4 =	vadd.s32 v51, v0;
	v3 =	vld.idx.msk [tilespmem:v5+s18+$0x0], $0xffff  }
0xb8: {  	v5 =	vor.u32 v52, v1;
	_ =	sdelay $0x3  }
0xb9: {  	[tilespmem:v4+s24+$0x0] =	vst.idx.msk $0xffff, v3  }
0xba: {  	v4 =	vadd.s32 v54, v0;
	v3 =	vld.idx.msk [tilespmem:v5+s18+$0x0], $0xffff  }
0xbb: {  	v5 =	vor.u32 v53, v1;
	_ =	sdelay $0x3  }
0xbc: {  	[tilespmem:v4+s24+$0x0] =	vst.idx.msk $0xffff, v3  }
0xbd: {  	v4 =	vadd.s32 v55, v0;
	v3 =	vld.idx.msk [tilespmem:v5+s18+$0x0], $0xffff  }
0xbe: {  	v5 =	vor.u32 v56, v1;
	_ =	sdelay $0x3  }
0xbf: {  	[tilespmem:v4+s24+$0x0] =	vst.idx.msk $0xffff, v3  }
0xc0: {  	v4 =	vadd.s32 v57, v0;
	v3 =	vld.idx.msk [tilespmem:v5+s18+$0x0], $0xffff  }
0xc1: {  	v5 =	vor.u32 v58, v1;
	_ =	sdelay $0x3  }
0xc2: {  	[tilespmem:v4+s24+$0x0] =	vst.idx.msk $0xffff, v3  }
0xc3: {  	v4 =	vadd.s32 v59, v0;
	v3 =	vld.idx.msk [tilespmem:v5+s18+$0x0], $0xffff  }
0xc4: {  	v5 =	vor.u32 v60, v1;
	_ =	sdelay $0x3  }
0xc5: {  	[tilespmem:v4+s24+$0x0] =	vst.idx.msk $0xffff, v3  }
0xc6: {  	v4 =	vadd.s32 v61, v0;
	v3 =	vld.idx.msk [tilespmem:v5+s18+$0x0], $0xffff  }
0xc7: {  	v5 =	vor.u32 v62, v1;
	_ =	sdelay $0x3  }
0xc8: {  	[tilespmem:v4+s24+$0x0] =	vst.idx.msk $0xffff, v3  }
0xc9: {  	v4 =	vadd.s32 v63, v0;
	v3 =	vld.idx.msk [tilespmem:v5+s18+$0x0], $0xffff  }
0xca: {  	v5 =	vor.u32 v2, v1;
	_ =	sdelay $0x3  }
0xcb: {  	[tilespmem:v4+s24+$0x0] =	vst.idx.msk $0xffff, v3  }
0xcc: {  	v4 =	vadd.s32 v13, v0;
	v3 =	vld.idx.msk [tilespmem:v5+s18+$0x0], $0xffff  }
0xcd: {  	v5 =	vor.u32 v6, v1;
	_ =	sdelay $0x3  }
0xce: {  	[tilespmem:v4+s24+$0x0] =	vst.idx.msk $0xffff, v3  }
0xcf: {  	v4 =	vadd.s32 v7, v0;
	v3 =	vld.idx.msk [tilespmem:v5+s18+$0x0], $0xffff  }
0xd0: {  	v5 =	vor.u32 v8, v1;
	_ =	sdelay $0x3  }
0xd1: {  	[tilespmem:v4+s24+$0x0] =	vst.idx.msk $0xffff, v3  }
0xd2: {  	v4 =	vadd.s32 v9, v0;
	v3 =	vld.idx.msk [tilespmem:v5+s18+$0x0], $0xffff  }
0xd3: {  	v5 =	vor.u32 v10, v1;
	_ =	sdelay $0x1  }
0xd4: {  	v41 =	vmovc v39;
	v39 =	vmov v37;
	v37 =	vmov v35;
	v35 =	vmov v33  }
0xd5: {  	v33 =	vmovc v31;
	v31 =	vmovc v29;
	v29 =	vmov v27;
	v27 =	vmov v25;
	v25 =	vmov v23  }
0xd6: {  	v23 =	vmovc v21;
	v21 =	vmovc v19;
	v19 =	vmov v17;
	v17 =	vmov v15;
	v15 =	vor.u32 $0x2031, v12;
	[tilespmem:v4+s24+$0x0] =	vst.idx.msk $0xffff, v3  }
0xd7: {  	[tilespmem:$0x1FBC0] =	vst v15;
	v4 =	vmov v6;
	v6 =	vadd.s32 v15, v0;
	v15 =	vor.u32 $0x1850, v44;
	v3 =	vld.idx.msk [tilespmem:v5+s18+$0x0], $0xffff  }
0xd8: {  	v5 =	vmov v7;
	v7 =	vor.u32 v15, v1  }
0xd9: {  	v44 =	vmov v42;
	v42 =	vmov v40  }
0xda: {  	v40 =	vmovc v38;
	v38 =	vmovc v36;
	v36 =	vmov v34;
	v34 =	vmov v32;
	[tilespmem:$0x1FBD0] =	vst v15;
	v15 =	vor.u32 $0x2831, v12  }
0xdb: {  	v32 =	vmovc v30;
	v30 =	vmovc v28;
	v28 =	vmov v26;
	v26 =	vmov v24;
	v24 =	vmov v22;
	[tilespmem:$0x1FBE0] =	vst v15  }
0xdc: {  	v22 =	vmovc v20;
	v20 =	vmovc v18;
	[tilespmem:v6+s24+$0x0] =	vst.idx.msk $0xffff, v3;
	v6 =	vmov v8;
	v8 =	vadd.s32 v15, v0;
	v15 =	vlaneseq.u32  }
0xdd: {  	v18 =	vmovc v16;
	v16 =	vmovc v11;
	v11 =	vmov v13;
	v13 =	vmov v14;
	v3 =	vld.idx.msk [tilespmem:v7+s18+$0x0], $0xffff;
	v14 =	vor.u32 $0x1860, v15  }
0xde: {  	v7 =	vmov v9;
	v9 =	vor.u32 v14, v1;
	_ =	sdelay $0x3  }
0xdf: {  	[tilespmem:v8+s24+$0x0] =	vst.idx.msk $0xffff, v3;
	v3 =	vor.u32 $0x3031, v12  }
0xe0: {  	v8 =	vmov v10;
	v9 =	vld.idx.msk [tilespmem:v9+s18+$0x0], $0xffff;
	v10 =	vadd.s32 v3, v0;
	_ =	sdelay $0x1  }
0xe1: {  	[tilespmem:$0x1FC00] =	vst v3;
	v3 =	vor.u32 $0x1870, v15;
	_ =	sdelay $0x1  }
0xe2: {  	s14 =	simm.s32 $0x1;
	[tilespmem:$0x1FBF0] =	vst v14;
	v14 =	vlaneseq.u32  }
0xe3: {  	s9 =	simm.s32 $0x2;
	v15 =	vmovc v3;
	[tilespmem:v10+s24+$0x0] =	vst.idx.msk $0xffff, v9;
	v9 =	vor.u32 v3, v1;
	v10 =	vadd.s32 s14, v14;
	v3 =	vmovc v11;
	v14 =	vlaneseq.u32  }
.LBB2_3:
0xe4: {  	_ =	sdelay $0x3  }
0xe5: {  	v10 =	vand.u32 $0xF, v10;
	v1 =	vor.u32 $0x3831, v12  }
0xe6: {  	v11 =	vld.idx.msk [tilespmem:v9+s18+$0x0], $0xffff;
	v9 =	vshll.u32 v10, $0x7;
	v12 =	vadd.s32 v1, v0  }
0xe7: {  	v0 =	vmov v10;
	v10 =	vor.u32 v14, v9;
	_ =	sdelay $0x3  }
0xe8: {  	[tilespmem:v12+s24+$0x0] =	vst.idx.msk $0xffff, v11  }
0xe9: {  	v11 =	vadd.s32 v13, v0;
	v10 =	vld.idx.msk [tilespmem:v10+s18+$0x0], $0xffff  }
0xea: {  	v12 =	vor.u32 v16, v9;
	_ =	sdelay $0x3  }
0xeb: {  	[tilespmem:v11+s24+$0x0] =	vst.idx.msk $0xffff, v10  }
0xec: {  	v11 =	vadd.s32 v17, v0;
	v10 =	vld.idx.msk [tilespmem:v12+s18+$0x0], $0xffff  }
0xed: {  	v12 =	vor.u32 v18, v9;
	_ =	sdelay $0x3  }
0xee: {  	[tilespmem:v11+s24+$0x0] =	vst.idx.msk $0xffff, v10  }
0xef: {  	v11 =	vadd.s32 v19, v0;
	v10 =	vld.idx.msk [tilespmem:v12+s18+$0x0], $0xffff  }
0xf0: {  	v12 =	vor.u32 v20, v9;
	_ =	sdelay $0x3  }
0xf1: {  	[tilespmem:v11+s24+$0x0] =	vst.idx.msk $0xffff, v10  }
0xf2: {  	v11 =	vadd.s32 v21, v0;
	v10 =	vld.idx.msk [tilespmem:v12+s18+$0x0], $0xffff  }
0xf3: {  	v12 =	vor.u32 v22, v9;
	_ =	sdelay $0x3  }
0xf4: {  	[tilespmem:v11+s24+$0x0] =	vst.idx.msk $0xffff, v10  }
0xf5: {  	v11 =	vadd.s32 v23, v0;
	v10 =	vld.idx.msk [tilespmem:v12+s18+$0x0], $0xffff  }
0xf6: {  	v12 =	vor.u32 v24, v9;
	_ =	sdelay $0x3  }
0xf7: {  	[tilespmem:v11+s24+$0x0] =	vst.idx.msk $0xffff, v10  }
0xf8: {  	v11 =	vadd.s32 v25, v0;
	v10 =	vld.idx.msk [tilespmem:v12+s18+$0x0], $0xffff  }
0xf9: {  	v12 =	vor.u32 v26, v9;
	_ =	sdelay $0x3  }
0xfa: {  	[tilespmem:v11+s24+$0x0] =	vst.idx.msk $0xffff, v10  }
0xfb: {  	v11 =	vadd.s32 v27, v0;
	v10 =	vld.idx.msk [tilespmem:v12+s18+$0x0], $0xffff  }
0xfc: {  	v12 =	vor.u32 v28, v9;
	_ =	sdelay $0x3  }
0xfd: {  	[tilespmem:v11+s24+$0x0] =	vst.idx.msk $0xffff, v10  }
0xfe: {  	v11 =	vadd.s32 v29, v0;
	v10 =	vld.idx.msk [tilespmem:v12+s18+$0x0], $0xffff  }
0xff: {  	v12 =	vor.u32 v30, v9;
	_ =	sdelay $0x3  }
0x100: {  	[tilespmem:v11+s24+$0x0] =	vst.idx.msk $0xffff, v10  }
0x101: {  	v11 =	vadd.s32 v31, v0;
	v10 =	vld.idx.msk [tilespmem:v12+s18+$0x0], $0xffff  }
0x102: {  	v12 =	vor.u32 v32, v9;
	_ =	sdelay $0x3  }
0x103: {  	[tilespmem:v11+s24+$0x0] =	vst.idx.msk $0xffff, v10  }
0x104: {  	v11 =	vadd.s32 v33, v0;
	v10 =	vld.idx.msk [tilespmem:v12+s18+$0x0], $0xffff  }
0x105: {  	v12 =	vor.u32 v34, v9;
	_ =	sdelay $0x3  }
0x106: {  	[tilespmem:v11+s24+$0x0] =	vst.idx.msk $0xffff, v10  }
0x107: {  	v11 =	vadd.s32 v35, v0;
	v10 =	vld.idx.msk [tilespmem:v12+s18+$0x0], $0xffff  }
0x108: {  	v12 =	vor.u32 v36, v9;
	_ =	sdelay $0x3  }
0x109: {  	[tilespmem:v11+s24+$0x0] =	vst.idx.msk $0xffff, v10  }
0x10a: {  	v11 =	vadd.s32 v37, v0;
	v10 =	vld.idx.msk [tilespmem:v12+s18+$0x0], $0xffff  }
0x10b: {  	v12 =	vor.u32 v38, v9;
	_ =	sdelay $0x3  }
0x10c: {  	[tilespmem:v11+s24+$0x0] =	vst.idx.msk $0xffff, v10  }
0x10d: {  	v11 =	vadd.s32 v39, v0;
	v10 =	vld.idx.msk [tilespmem:v12+s18+$0x0], $0xffff  }
0x10e: {  	v12 =	vor.u32 v40, v9;
	_ =	sdelay $0x3  }
0x10f: {  	[tilespmem:v11+s24+$0x0] =	vst.idx.msk $0xffff, v10  }
0x110: {  	v11 =	vadd.s32 v41, v0;
	v10 =	vld.idx.msk [tilespmem:v12+s18+$0x0], $0xffff  }
0x111: {  	v12 =	vor.u32 v42, v9;
	_ =	sdelay $0x3  }
0x112: {  	[tilespmem:v11+s24+$0x0] =	vst.idx.msk $0xffff, v10  }
0x113: {  	v11 =	vadd.s32 v43, v0;
	v10 =	vld.idx.msk [tilespmem:v12+s18+$0x0], $0xffff  }
0x114: {  	v12 =	vor.u32 v44, v9;
	_ =	sdelay $0x3  }
0x115: {  	[tilespmem:v11+s24+$0x0] =	vst.idx.msk $0xffff, v10  }
0x116: {  	v11 =	vadd.s32 v45, v0;
	v10 =	vld.idx.msk [tilespmem:v12+s18+$0x0], $0xffff  }
0x117: {  	v12 =	vor.u32 v46, v9;
	_ =	sdelay $0x3  }
0x118: {  	[tilespmem:v11+s24+$0x0] =	vst.idx.msk $0xffff, v10  }
0x119: {  	v11 =	vadd.s32 v47, v0;
	v10 =	vld.idx.msk [tilespmem:v12+s18+$0x0], $0xffff  }
0x11a: {  	v12 =	vor.u32 v48, v9;
	_ =	sdelay $0x3  }
0x11b: {  	[tilespmem:v11+s24+$0x0] =	vst.idx.msk $0xffff, v10  }
0x11c: {  	v11 =	vadd.s32 v49, v0;
	v10 =	vld.idx.msk [tilespmem:v12+s18+$0x0], $0xffff  }
0x11d: {  	v12 =	vor.u32 v50, v9;
	_ =	sdelay $0x3  }
0x11e: {  	[tilespmem:v11+s24+$0x0] =	vst.idx.msk $0xffff, v10  }
0x11f: {  	v11 =	vadd.s32 v51, v0;
	v10 =	vld.idx.msk [tilespmem:v12+s18+$0x0], $0xffff  }
0x120: {  	v12 =	vor.u32 v52, v9;
	_ =	sdelay $0x3  }
0x121: {  	[tilespmem:v11+s24+$0x0] =	vst.idx.msk $0xffff, v10  }
0x122: {  	v11 =	vadd.s32 v54, v0;
	v10 =	vld.idx.msk [tilespmem:v12+s18+$0x0], $0xffff  }
0x123: {  	v12 =	vor.u32 v53, v9;
	_ =	sdelay $0x3  }
0x124: {  	[tilespmem:v11+s24+$0x0] =	vst.idx.msk $0xffff, v10  }
0x125: {  	v11 =	vadd.s32 v55, v0;
	v10 =	vld.idx.msk [tilespmem:v12+s18+$0x0], $0xffff  }
0x126: {  	v12 =	vor.u32 v56, v9;
	_ =	sdelay $0x3  }
0x127: {  	[tilespmem:v11+s24+$0x0] =	vst.idx.msk $0xffff, v10  }
0x128: {  	v11 =	vadd.s32 v57, v0;
	v10 =	vld.idx.msk [tilespmem:v12+s18+$0x0], $0xffff  }
0x129: {  	v12 =	vor.u32 v58, v9;
	_ =	sdelay $0x3  }
0x12a: {  	[tilespmem:v11+s24+$0x0] =	vst.idx.msk $0xffff, v10  }
0x12b: {  	v11 =	vadd.s32 v59, v0;
	v10 =	vld.idx.msk [tilespmem:v12+s18+$0x0], $0xffff  }
0x12c: {  	v12 =	vor.u32 v60, v9;
	_ =	sdelay $0x3  }
0x12d: {  	[tilespmem:v11+s24+$0x0] =	vst.idx.msk $0xffff, v10  }
0x12e: {  	v11 =	vadd.s32 v61, v0;
	v10 =	vld.idx.msk [tilespmem:v12+s18+$0x0], $0xffff  }
0x12f: {  	v12 =	vor.u32 v62, v9;
	_ =	sdelay $0x3  }
0x130: {  	[tilespmem:v11+s24+$0x0] =	vst.idx.msk $0xffff, v10  }
0x131: {  	v11 =	vadd.s32 v63, v0;
	v10 =	vld.idx.msk [tilespmem:v12+s18+$0x0], $0xffff  }
0x132: {  	v12 =	vor.u32 v2, v9;
	_ =	sdelay $0x3  }
0x133: {  	[tilespmem:v11+s24+$0x0] =	vst.idx.msk $0xffff, v10  }
0x134: {  	v11 =	vadd.s32 v3, v0;
	v10 =	vld.idx.msk [tilespmem:v12+s18+$0x0], $0xffff  }
0x135: {  	v12 =	vor.u32 v4, v9;
	_ =	sdelay $0x3  }
0x136: {  	[tilespmem:v11+s24+$0x0] =	vst.idx.msk $0xffff, v10  }
0x137: {  	v11 =	vadd.s32 v5, v0;
	v10 =	vld.idx.msk [tilespmem:v12+s18+$0x0], $0xffff  }
0x138: {  	v12 =	vor.u32 v6, v9;
	_ =	sdelay $0x3  }
0x139: {  	[tilespmem:v11+s24+$0x0] =	vst.idx.msk $0xffff, v10  }
0x13a: {  	v11 =	vadd.s32 v7, v0;
	v10 =	vld.idx.msk [tilespmem:v12+s18+$0x0], $0xffff;
	_ =	sdelay $0x2  }
0x13b: {  	v12 =	vor.u32 v8, v9;
	_ =	sdelay $0x1  }
0x13c: {  	[tilespmem:v11+s24+$0x0] =	vst.idx.msk $0xffff, v10;
	v11 =	vld [tilespmem:$0x1FBC0];
	_ =	sdelay $0x2  }
0x13d: {  	v10 =	vld.idx.msk [tilespmem:v12+s18+$0x0], $0xffff  }
0x13e: {  	v12 =	vld [tilespmem:$0x1FBD0]  }
0x13f: {  	v11 =	vadd.s32 v11, v0;
	_ =	sdelay $0x3  }
0x140: {  	v12 =	vor.u32 v12, v9  }
0x141: {  	[tilespmem:v11+s24+$0x0] =	vst.idx.msk $0xffff, v10;
	v11 =	vld [tilespmem:$0x1FBE0];
	_ =	sdelay $0x3  }
0x142: {  	v10 =	vld.idx.msk [tilespmem:v12+s18+$0x0], $0xffff  }
0x143: {  	v12 =	vld [tilespmem:$0x1FBF0];
	v11 =	vadd.s32 v11, v0;
	_ =	sdelay $0x4  }
0x144: {  	v12 =	vor.u32 v12, v9;
	[tilespmem:v11+s24+$0x0] =	vst.idx.msk $0xffff, v10;
	v10 =	vld [tilespmem:$0x1FC00];
	_ =	sdelay $0x4  }
0x145: {  	p1 =	sne.s32 s9, $0xF;
	v11 =	vld.idx.msk [tilespmem:v12+s18+$0x0], $0xffff;
	v12 =	vadd.s32 v10, v0  }
.Ltmp2:
0x146: {  	_ = 	snop;
	(pc) =	sbr.rel @p1 .LBB2_3-.Ltmp2, $2  }
0x147: {  	_ =	sdelay $0x2  }
0x148: {  	v9 =	vor.u32 v15, v9;
	v10 =	vadd.s32 s9, v14;
	s9 =	sadd.s32 $0x1, s9;
	[tilespmem:v12+s24+$0x0] =	vst.idx.msk $0xffff, v11;
	v12 =	vld [tilespmem:$0x1FFF0]  }
0x149: {  	_ =	sdelay $0x2  }
0x14a: {  	v11 =	vand.u32 $0xF, v10  }
0x14b: {  	v9 =	vld.idx.msk [tilespmem:v9+s18+$0x0], $0xffff;
	v0 =	vadd.s32 v1, v0;
	v10 =	vshll.u32 v11, $0x7  }
0x14c: {  	v14 =	vor.u32 v14, v10;
	_ =	sdelay $0x3  }
0x14d: {  	[tilespmem:v0+s24+$0x0] =	vst.idx.msk $0xffff, v9  }
0x14e: {  	v9 =	vadd.s32 v13, v11;
	v0 =	vld.idx.msk [tilespmem:v14+s18+$0x0], $0xffff  }
0x14f: {  	v14 =	vmov v11;
	v11 =	vor.u32 v16, v10;
	_ =	sdelay $0x3  }
0x150: {  	[tilespmem:v9+s24+$0x0] =	vst.idx.msk $0xffff, v0  }
0x151: {  	v9 =	vadd.s32 v17, v14;
	v0 =	vld.idx.msk [tilespmem:v11+s18+$0x0], $0xffff  }
0x152: {  	v11 =	vor.u32 v18, v10;
	_ =	sdelay $0x3  }
0x153: {  	[tilespmem:v9+s24+$0x0] =	vst.idx.msk $0xffff, v0  }
0x154: {  	v9 =	vadd.s32 v19, v14;
	v0 =	vld.idx.msk [tilespmem:v11+s18+$0x0], $0xffff  }
0x155: {  	v11 =	vor.u32 v20, v10;
	_ =	sdelay $0x3  }
0x156: {  	[tilespmem:v9+s24+$0x0] =	vst.idx.msk $0xffff, v0  }
0x157: {  	v9 =	vadd.s32 v21, v14;
	v0 =	vld.idx.msk [tilespmem:v11+s18+$0x0], $0xffff  }
0x158: {  	v11 =	vor.u32 v22, v10;
	_ =	sdelay $0x3  }
0x159: {  	[tilespmem:v9+s24+$0x0] =	vst.idx.msk $0xffff, v0  }
0x15a: {  	v9 =	vadd.s32 v23, v14;
	v0 =	vld.idx.msk [tilespmem:v11+s18+$0x0], $0xffff  }
0x15b: {  	v11 =	vor.u32 v24, v10;
	_ =	sdelay $0x3  }
0x15c: {  	[tilespmem:v9+s24+$0x0] =	vst.idx.msk $0xffff, v0  }
0x15d: {  	v9 =	vadd.s32 v25, v14;
	v0 =	vld.idx.msk [tilespmem:v11+s18+$0x0], $0xffff  }
0x15e: {  	v11 =	vor.u32 v26, v10;
	_ =	sdelay $0x3  }
0x15f: {  	[tilespmem:v9+s24+$0x0] =	vst.idx.msk $0xffff, v0  }
0x160: {  	v9 =	vadd.s32 v27, v14;
	v0 =	vld.idx.msk [tilespmem:v11+s18+$0x0], $0xffff  }
0x161: {  	v11 =	vor.u32 v28, v10;
	_ =	sdelay $0x3  }
0x162: {  	[tilespmem:v9+s24+$0x0] =	vst.idx.msk $0xffff, v0  }
0x163: {  	v9 =	vadd.s32 v29, v14;
	v0 =	vld.idx.msk [tilespmem:v11+s18+$0x0], $0xffff  }
0x164: {  	v11 =	vor.u32 v30, v10;
	_ =	sdelay $0x3  }
0x165: {  	[tilespmem:v9+s24+$0x0] =	vst.idx.msk $0xffff, v0  }
0x166: {  	v9 =	vadd.s32 v31, v14;
	v0 =	vld.idx.msk [tilespmem:v11+s18+$0x0], $0xffff  }
0x167: {  	v11 =	vor.u32 v32, v10;
	_ =	sdelay $0x3  }
0x168: {  	[tilespmem:v9+s24+$0x0] =	vst.idx.msk $0xffff, v0  }
0x169: {  	v9 =	vadd.s32 v33, v14;
	v0 =	vld.idx.msk [tilespmem:v11+s18+$0x0], $0xffff  }
0x16a: {  	v11 =	vor.u32 v34, v10;
	_ =	sdelay $0x3  }
0x16b: {  	[tilespmem:v9+s24+$0x0] =	vst.idx.msk $0xffff, v0  }
0x16c: {  	v9 =	vadd.s32 v35, v14;
	v0 =	vld.idx.msk [tilespmem:v11+s18+$0x0], $0xffff  }
0x16d: {  	v11 =	vor.u32 v36, v10;
	_ =	sdelay $0x3  }
0x16e: {  	[tilespmem:v9+s24+$0x0] =	vst.idx.msk $0xffff, v0  }
0x16f: {  	v9 =	vadd.s32 v37, v14;
	v0 =	vld.idx.msk [tilespmem:v11+s18+$0x0], $0xffff  }
0x170: {  	v11 =	vor.u32 v38, v10;
	_ =	sdelay $0x3  }
0x171: {  	[tilespmem:v9+s24+$0x0] =	vst.idx.msk $0xffff, v0  }
0x172: {  	v9 =	vadd.s32 v39, v14;
	v0 =	vld.idx.msk [tilespmem:v11+s18+$0x0], $0xffff  }
0x173: {  	v11 =	vor.u32 v40, v10;
	_ =	sdelay $0x3  }
0x174: {  	[tilespmem:v9+s24+$0x0] =	vst.idx.msk $0xffff, v0  }
0x175: {  	v9 =	vadd.s32 v41, v14;
	v0 =	vld.idx.msk [tilespmem:v11+s18+$0x0], $0xffff  }
0x176: {  	v11 =	vor.u32 v42, v10;
	_ =	sdelay $0x3  }
0x177: {  	[tilespmem:v9+s24+$0x0] =	vst.idx.msk $0xffff, v0  }
0x178: {  	v9 =	vadd.s32 v43, v14;
	v0 =	vld.idx.msk [tilespmem:v11+s18+$0x0], $0xffff  }
0x179: {  	v11 =	vor.u32 v44, v10;
	_ =	sdelay $0x3  }
0x17a: {  	[tilespmem:v9+s24+$0x0] =	vst.idx.msk $0xffff, v0  }
0x17b: {  	v9 =	vadd.s32 v45, v14;
	v0 =	vld.idx.msk [tilespmem:v11+s18+$0x0], $0xffff  }
0x17c: {  	v11 =	vor.u32 v46, v10;
	_ =	sdelay $0x3  }
0x17d: {  	[tilespmem:v9+s24+$0x0] =	vst.idx.msk $0xffff, v0  }
0x17e: {  	v9 =	vadd.s32 v47, v14;
	v0 =	vld.idx.msk [tilespmem:v11+s18+$0x0], $0xffff  }
0x17f: {  	v11 =	vor.u32 v48, v10;
	_ =	sdelay $0x3  }
0x180: {  	[tilespmem:v9+s24+$0x0] =	vst.idx.msk $0xffff, v0  }
0x181: {  	v9 =	vadd.s32 v49, v14;
	v0 =	vld.idx.msk [tilespmem:v11+s18+$0x0], $0xffff  }
0x182: {  	v11 =	vor.u32 v50, v10;
	_ =	sdelay $0x3  }
0x183: {  	[tilespmem:v9+s24+$0x0] =	vst.idx.msk $0xffff, v0  }
0x184: {  	v9 =	vadd.s32 v51, v14;
	v0 =	vld.idx.msk [tilespmem:v11+s18+$0x0], $0xffff  }
0x185: {  	v11 =	vor.u32 v52, v10;
	_ =	sdelay $0x3  }
0x186: {  	[tilespmem:v9+s24+$0x0] =	vst.idx.msk $0xffff, v0  }
0x187: {  	v9 =	vadd.s32 v54, v14;
	v0 =	vld.idx.msk [tilespmem:v11+s18+$0x0], $0xffff  }
0x188: {  	v11 =	vor.u32 v53, v10;
	_ =	sdelay $0x3  }
0x189: {  	[tilespmem:v9+s24+$0x0] =	vst.idx.msk $0xffff, v0  }
0x18a: {  	v9 =	vadd.s32 v55, v14;
	v0 =	vld.idx.msk [tilespmem:v11+s18+$0x0], $0xffff  }
0x18b: {  	v11 =	vor.u32 v56, v10;
	_ =	sdelay $0x3  }
0x18c: {  	[tilespmem:v9+s24+$0x0] =	vst.idx.msk $0xffff, v0  }
0x18d: {  	v9 =	vadd.s32 v57, v14;
	v0 =	vld.idx.msk [tilespmem:v11+s18+$0x0], $0xffff  }
0x18e: {  	v11 =	vor.u32 v58, v10;
	_ =	sdelay $0x3  }
0x18f: {  	[tilespmem:v9+s24+$0x0] =	vst.idx.msk $0xffff, v0  }
0x190: {  	v9 =	vadd.s32 v59, v14;
	v0 =	vld.idx.msk [tilespmem:v11+s18+$0x0], $0xffff  }
0x191: {  	v11 =	vor.u32 v60, v10;
	_ =	sdelay $0x3  }
0x192: {  	[tilespmem:v9+s24+$0x0] =	vst.idx.msk $0xffff, v0  }
0x193: {  	v9 =	vadd.s32 v61, v14;
	v0 =	vld.idx.msk [tilespmem:v11+s18+$0x0], $0xffff  }
0x194: {  	v11 =	vor.u32 v62, v10;
	_ =	sdelay $0x3  }
0x195: {  	[tilespmem:v9+s24+$0x0] =	vst.idx.msk $0xffff, v0  }
0x196: {  	v9 =	vadd.s32 v63, v14;
	v0 =	vld.idx.msk [tilespmem:v11+s18+$0x0], $0xffff  }
0x197: {  	v11 =	vor.u32 v2, v10;
	_ =	sdelay $0x3  }
0x198: {  	[tilespmem:v9+s24+$0x0] =	vst.idx.msk $0xffff, v0  }
0x199: {  	v9 =	vadd.s32 v3, v14;
	v0 =	vld.idx.msk [tilespmem:v11+s18+$0x0], $0xffff  }
0x19a: {  	v11 =	vor.u32 v4, v10;
	_ =	sdelay $0x3  }
0x19b: {  	[tilespmem:v9+s24+$0x0] =	vst.idx.msk $0xffff, v0  }
0x19c: {  	v9 =	vadd.s32 v5, v14;
	v0 =	vld.idx.msk [tilespmem:v11+s18+$0x0], $0xffff  }
0x19d: {  	v11 =	vor.u32 v6, v10;
	_ =	sdelay $0x3  }
0x19e: {  	[tilespmem:v9+s24+$0x0] =	vst.idx.msk $0xffff, v0  }
0x19f: {  	v9 =	vadd.s32 v7, v14;
	v0 =	vld.idx.msk [tilespmem:v11+s18+$0x0], $0xffff  }
0x1a0: {  	v2 =	vld [tilespmem:$0x1FBC0];
	v11 =	vor.u32 v8, v10  }
0x1a1: {  	v3 =	vld [tilespmem:$0x1FBD0];
	_ =	sdelay $0x2  }
0x1a2: {  	[tilespmem:v9+s24+$0x0] =	vst.idx.msk $0xffff, v0  }
0x1a3: {  	v9 =	vadd.s32 v2, v14;
	v0 =	vld.idx.msk [tilespmem:v11+s18+$0x0], $0xffff  }
0x1a4: {  	v62 =	vld [tilespmem:$0x1FBE0];
	v11 =	vor.u32 v3, v10  }
0x1a5: {  	v63 =	vld [tilespmem:$0x1FBF0];
	_ =	sdelay $0x2  }
0x1a6: {  	[tilespmem:v9+s24+$0x0] =	vst.idx.msk $0xffff, v0  }
0x1a7: {  	v9 =	vadd.s32 v62, v14;
	v0 =	vld.idx.msk [tilespmem:v11+s18+$0x0], $0xffff  }
0x1a8: {  	v35 =	vmov v14;
	v14 =	vld [tilespmem:$0x1FC00];
	v11 =	vor.u32 v63, v10;
	_ =	sdelay $0x3  }
0x1a9: {  	[tilespmem:v9+s24+$0x0] =	vst.idx.msk $0xffff, v0  }
0x1aa: {  	v9 =	vadd.s32 v14, v35;
	v0 =	vld.idx.msk [tilespmem:v11+s18+$0x0], $0xffff  }
0x1ab: {  	v10 =	vor.u32 v15, v10;
	_ =	sdelay $0x3  }
0x1ac: {  	[tilespmem:v9+s24+$0x0] =	vst.idx.msk $0xffff, v0  }
0x1ad: {  	v9 =	vadd.s32 v1, v35;
	v0 =	vld.idx.msk [tilespmem:v10+s18+$0x0], $0xffff  }
0x1ae: {  	p1 =	sne.s32 s7, $0xF  }
.Ltmp3:
0x1af: {  	_ = 	snop;
	(pc) =	sbr.rel @p1 .LBB2_6-.Ltmp3, $4  }
0x1b0: {  	_ = 	snop  }
0x1b1: {  	[tilespmem:$0x1FBB0] =	vst v15  }
0x1b2: {  	[tilespmem:v9+s24+$0x0] =	vst.idx.msk $0xffff, v0  }
0x1b3: {  	v11 =	vlaneseq.u32;
	[hbm4b:s3+s25] =	stream.indirect.scatter [tilespmem:s24], [sflag:$0x6], $0x80, s8, s25, $0xb8;
	[tilespmem:$0x1C000] =	vst v63  }
.Ltmp4:
0x1b4: {  	(pc) =	sbr.rel .LBB2_7-.Ltmp4, $4  }
0x1b5: {  	_ = 	snop  }
0x1b6: {  	_ =	swait.ge [sflag:s26], $0x2000  }
0x1b7: {  	[sflag:s26] =	ssyncset.done $0x0  }
0x1b8: {  	[sflag:s26] =	ssyncadd.s32 $0xFFFFE000  }
.LBB2_6:
.Ltmp5:
0x1b9: {  	s9 =	sadd.s32 s8, s10;
	(pc) =	sbr.rel @p0 .LBB2_8-.Ltmp5, $4  }
0x1ba: {  	[tilespmem:s18], [sflag:$0x2] =	stream.strided.gather [hbm4b:s9+s16], $0x2000, s17, s16, $0x38;
	[tilespmem:$0x1C000] =	vst v63  }
0x1bb: {  	_ =	swait.ge [sflag:s26], $0x2000  }
0x1bc: {  	[sflag:s26] =	ssyncset.done $0x0  }
0x1bd: {  	[sflag:s26] =	ssyncadd.s32 $0xFFFFE000  }
.LBB2_7:
0x1be: {  	_ =	swait.ge [sflag:s28], $0x4000  }
0x1bf: {  	[sflag:s28] =	ssyncset.done $0x0  }
0x1c0: {  	[sflag:s28] =	ssyncadd.s32 $0xFFFFC000  }
.LBB2_8:
0x1c1: {  	v0 =	vld [tilespmem:s8+$0x2080];
	_ =	sdelay $0x2  }
0x1c2: {  	v9 =	vld [tilespmem:$0x1FC10];
	_ =	sdelay $0x1  }
0x1c3: {  	[tilespmem:v12+s29+$0x0] =	vst.idx.msk $0xffff, v0  }
0x1c4: {  	v0 =	vld [tilespmem:s8+$0x2090];
	_ =	sdelay $0x4  }
0x1c5: {  	[tilespmem:v9+s29+$0x0] =	vst.idx.msk $0xffff, v0;
	v9 =	vld [tilespmem:$0x1FC20];
	_ =	sdelay $0x2  }
0x1c6: {  	v0 =	vld [tilespmem:s8+$0x20A0];
	_ =	sdelay $0x4  }
0x1c7: {  	[tilespmem:v9+s29+$0x0] =	vst.idx.msk $0xffff, v0;
	v9 =	vld [tilespmem:$0x1FC30];
	_ =	sdelay $0x2  }
0x1c8: {  	v0 =	vld [tilespmem:s8+$0x20B0];
	_ =	sdelay $0x4  }
0x1c9: {  	[tilespmem:v9+s29+$0x0] =	vst.idx.msk $0xffff, v0;
	v9 =	vld [tilespmem:$0x1FC40];
	_ =	sdelay $0x2  }
0x1ca: {  	v0 =	vld [tilespmem:s8+$0x20C0];
	_ =	sdelay $0x4  }
0x1cb: {  	[tilespmem:v9+s29+$0x0] =	vst.idx.msk $0xffff, v0;
	v9 =	vld [tilespmem:$0x1FC50];
	_ =	sdelay $0x2  }
0x1cc: {  	v0 =	vld [tilespmem:s8+$0x20D0];
	_ =	sdelay $0x2  }
0x1cd: {  	v10 =	vld [tilespmem:$0x1FC60];
	_ =	sdelay $0x1  }
0x1ce: {  	[tilespmem:v9+s29+$0x0] =	vst.idx.msk $0xffff, v0  }
0x1cf: {  	v0 =	vld [tilespmem:s8+$0x20E0];
	_ =	sdelay $0x2  }
0x1d0: {  	s9 =	simm.s32 $0x0;
	v12 =	vld [tilespmem:$0x1FC70]  }
0x1d1: {  	v9 =	vadd.s32 s9, v11  }
0x1d2: {  	v2 =	vld [tilespmem:$0x1FC80];
	[tilespmem:v10+s29+$0x0] =	vst.idx.msk $0xffff, v0;
	v0 =	vand.u32 $0xF, v9  }
0x1d3: {  	v9 =	vld [tilespmem:s8+$0x20F0];
	v10 =	vshll.u32 v0, $0x7  }
0x1d4: {  	v11 =	vor.u32 v11, v10;
	_ =	sdelay $0x3  }
0x1d5: {  	v5 =	vmov v2;
	[tilespmem:v12+s29+$0x0] =	vst.idx.msk $0xffff, v9;
	v12 =	vor.u32 v2, v10;
	v2 =	vld [tilespmem:$0x1FC90]  }
0x1d6: {  	v9 =	vld.idx.msk [tilespmem:v11+s19+$0x0], $0xffff;
	v11 =	vadd.s32 v13, v0;
	_ =	sdelay $0x4  }
0x1d7: {  	v21 =	vmov v2;
	[tilespmem:v11+s29+$0x0] =	vst.idx.msk $0xffff, v9;
	v11 =	vadd.s32 v2, v0;
	v2 =	vld [tilespmem:$0x1FCA0];
	_ =	sdelay $0x3  }
0x1d8: {  	v9 =	vld.idx.msk [tilespmem:v12+s19+$0x0], $0xffff  }
0x1d9: {  	v34 =	vmov v2;
	v12 =	vor.u32 v2, v10;
	v2 =	vld [tilespmem:$0x1FCB0];
	_ =	sdelay $0x4  }
0x1da: {  	[tilespmem:v11+s29+$0x0] =	vst.idx.msk $0xffff, v9;
	v17 =	vmov v2;
	v11 =	vadd.s32 v2, v0;
	v2 =	vld [tilespmem:$0x1FCC0];
	_ =	sdelay $0x3  }
0x1db: {  	v9 =	vld.idx.msk [tilespmem:v12+s19+$0x0], $0xffff  }
0x1dc: {  	v18 =	vmov v2;
	v12 =	vor.u32 v2, v10;
	v2 =	vld [tilespmem:$0x1FCD0];
	_ =	sdelay $0x4  }
0x1dd: {  	[tilespmem:v11+s29+$0x0] =	vst.idx.msk $0xffff, v9;
	v22 =	vmov v2;
	v11 =	vadd.s32 v2, v0;
	v2 =	vld [tilespmem:$0x1FCE0];
	_ =	sdelay $0x3  }
0x1de: {  	v9 =	vld.idx.msk [tilespmem:v12+s19+$0x0], $0xffff  }
0x1df: {  	v23 =	vmov v2;
	v12 =	vor.u32 v2, v10;
	v2 =	vld [tilespmem:$0x1FCF0];
	_ =	sdelay $0x4  }
0x1e0: {  	[tilespmem:v11+s29+$0x0] =	vst.idx.msk $0xffff, v9;
	v24 =	vmov v2;
	v11 =	vadd.s32 v2, v0;
	v2 =	vld [tilespmem:$0x1FD00];
	_ =	sdelay $0x3  }
0x1e1: {  	v9 =	vld.idx.msk [tilespmem:v12+s19+$0x0], $0xffff  }
0x1e2: {  	v25 =	vmov v2;
	v12 =	vor.u32 v2, v10;
	v2 =	vld [tilespmem:$0x1FD10];
	_ =	sdelay $0x4  }
0x1e3: {  	[tilespmem:v11+s29+$0x0] =	vst.idx.msk $0xffff, v9;
	v26 =	vmov v2;
	v11 =	vadd.s32 v2, v0;
	v2 =	vld [tilespmem:$0x1FD20];
	_ =	sdelay $0x3  }
0x1e4: {  	v9 =	vld.idx.msk [tilespmem:v12+s19+$0x0], $0xffff  }
0x1e5: {  	v27 =	vmov v2;
	v12 =	vor.u32 v2, v10;
	v2 =	vld [tilespmem:$0x1FD30];
	_ =	sdelay $0x4  }
0x1e6: {  	[tilespmem:v11+s29+$0x0] =	vst.idx.msk $0xffff, v9;
	v28 =	vmov v2;
	v11 =	vadd.s32 v2, v0;
	v2 =	vld [tilespmem:$0x1FD40];
	_ =	sdelay $0x3  }
0x1e7: {  	v9 =	vld.idx.msk [tilespmem:v12+s19+$0x0], $0xffff  }
0x1e8: {  	v29 =	vmov v2;
	v12 =	vor.u32 v2, v10;
	v2 =	vld [tilespmem:$0x1FD50];
	_ =	sdelay $0x4  }
0x1e9: {  	[tilespmem:v11+s29+$0x0] =	vst.idx.msk $0xffff, v9;
	v30 =	vmov v2;
	v11 =	vadd.s32 v2, v0;
	v2 =	vld [tilespmem:$0x1FD60];
	_ =	sdelay $0x3  }
0x1ea: {  	v9 =	vld.idx.msk [tilespmem:v12+s19+$0x0], $0xffff  }
0x1eb: {  	v31 =	vmov v2;
	v12 =	vor.u32 v2, v10;
	v2 =	vld [tilespmem:$0x1FD70];
	_ =	sdelay $0x4  }
0x1ec: {  	[tilespmem:v11+s29+$0x0] =	vst.idx.msk $0xffff, v9;
	v32 =	vmov v2;
	v11 =	vadd.s32 v2, v0;
	v2 =	vld [tilespmem:$0x1FD80];
	_ =	sdelay $0x3  }
0x1ed: {  	v9 =	vld.idx.msk [tilespmem:v12+s19+$0x0], $0xffff  }
0x1ee: {  	v33 =	vmov v2;
	v12 =	vor.u32 v2, v10;
	v2 =	vld [tilespmem:$0x1FD90];
	_ =	sdelay $0x4  }
0x1ef: {  	[tilespmem:v11+s29+$0x0] =	vst.idx.msk $0xffff, v9;
	v16 =	vmov v2;
	v11 =	vadd.s32 v2, v0;
	v2 =	vld [tilespmem:$0x1FDA0];
	_ =	sdelay $0x3  }
0x1f0: {  	v9 =	vld.idx.msk [tilespmem:v12+s19+$0x0], $0xffff  }
0x1f1: {  	v35 =	vmov v2;
	v12 =	vor.u32 v2, v10;
	v2 =	vld [tilespmem:$0x1FDB0];
	_ =	sdelay $0x4  }
0x1f2: {  	[tilespmem:v11+s29+$0x0] =	vst.idx.msk $0xffff, v9;
	v36 =	vmov v2;
	v11 =	vadd.s32 v2, v0;
	v2 =	vld [tilespmem:$0x1FDC0];
	_ =	sdelay $0x3  }
0x1f3: {  	v9 =	vld.idx.msk [tilespmem:v12+s19+$0x0], $0xffff  }
0x1f4: {  	v37 =	vmov v2;
	v12 =	vor.u32 v2, v10;
	v2 =	vld [tilespmem:$0x1FDD0];
	_ =	sdelay $0x4  }
0x1f5: {  	[tilespmem:v11+s29+$0x0] =	vst.idx.msk $0xffff, v9;
	v38 =	vmov v2;
	v11 =	vadd.s32 v2, v0;
	v2 =	vld [tilespmem:$0x1FDE0];
	_ =	sdelay $0x3  }
0x1f6: {  	v9 =	vld.idx.msk [tilespmem:v12+s19+$0x0], $0xffff  }
0x1f7: {  	v39 =	vmov v2;
	v12 =	vor.u32 v2, v10;
	v2 =	vld [tilespmem:$0x1FDF0];
	_ =	sdelay $0x4  }
0x1f8: {  	[tilespmem:v11+s29+$0x0] =	vst.idx.msk $0xffff, v9;
	v40 =	vmov v2;
	v11 =	vadd.s32 v2, v0;
	v2 =	vld [tilespmem:$0x1FE00];
	_ =	sdelay $0x3  }
0x1f9: {  	v9 =	vld.idx.msk [tilespmem:v12+s19+$0x0], $0xffff  }
0x1fa: {  	v41 =	vmov v2;
	v12 =	vor.u32 v2, v10;
	v2 =	vld [tilespmem:$0x1FE10];
	_ =	sdelay $0x4  }
0x1fb: {  	[tilespmem:v11+s29+$0x0] =	vst.idx.msk $0xffff, v9;
	v42 =	vmov v2;
	v11 =	vadd.s32 v2, v0;
	v2 =	vld [tilespmem:$0x1FE20];
	_ =	sdelay $0x3  }
0x1fc: {  	v9 =	vld.idx.msk [tilespmem:v12+s19+$0x0], $0xffff  }
0x1fd: {  	v43 =	vmov v2;
	v12 =	vor.u32 v2, v10;
	v2 =	vld [tilespmem:$0x1FE30];
	_ =	sdelay $0x4  }
0x1fe: {  	[tilespmem:v11+s29+$0x0] =	vst.idx.msk $0xffff, v9;
	v44 =	vmov v2;
	v11 =	vadd.s32 v2, v0;
	v2 =	vld [tilespmem:$0x1FE40];
	_ =	sdelay $0x3  }
0x1ff: {  	v9 =	vld.idx.msk [tilespmem:v12+s19+$0x0], $0xffff  }
0x200: {  	v45 =	vmov v2;
	v12 =	vor.u32 v2, v10;
	v2 =	vld [tilespmem:$0x1FE50];
	_ =	sdelay $0x4  }
0x201: {  	[tilespmem:v11+s29+$0x0] =	vst.idx.msk $0xffff, v9;
	v46 =	vmov v2;
	v11 =	vadd.s32 v2, v0;
	v2 =	vld [tilespmem:$0x1FE60];
	_ =	sdelay $0x3  }
0x202: {  	v9 =	vld.idx.msk [tilespmem:v12+s19+$0x0], $0xffff  }
0x203: {  	v47 =	vmov v2;
	v12 =	vor.u32 v2, v10;
	v2 =	vld [tilespmem:$0x1FE70];
	_ =	sdelay $0x4  }
0x204: {  	[tilespmem:v11+s29+$0x0] =	vst.idx.msk $0xffff, v9;
	v48 =	vmov v2;
	v11 =	vadd.s32 v2, v0;
	v2 =	vld [tilespmem:$0x1FE80];
	_ =	sdelay $0x3  }
0x205: {  	v9 =	vld.idx.msk [tilespmem:v12+s19+$0x0], $0xffff  }
0x206: {  	v49 =	vmov v2;
	v12 =	vor.u32 v2, v10;
	v2 =	vld [tilespmem:$0x1FE90];
	_ =	sdelay $0x4  }
0x207: {  	[tilespmem:v11+s29+$0x0] =	vst.idx.msk $0xffff, v9;
	v50 =	vmov v2;
	v11 =	vadd.s32 v2, v0;
	v2 =	vld [tilespmem:$0x1FEA0];
	_ =	sdelay $0x3  }
0x208: {  	v9 =	vld.idx.msk [tilespmem:v12+s19+$0x0], $0xffff  }
0x209: {  	v51 =	vmov v2;
	v12 =	vor.u32 v2, v10;
	v2 =	vld [tilespmem:$0x1FEB0];
	_ =	sdelay $0x4  }
0x20a: {  	[tilespmem:v11+s29+$0x0] =	vst.idx.msk $0xffff, v9;
	v52 =	vmov v2;
	v11 =	vadd.s32 v2, v0;
	v2 =	vld [tilespmem:$0x1FEC0];
	_ =	sdelay $0x3  }
0x20b: {  	v9 =	vld.idx.msk [tilespmem:v12+s19+$0x0], $0xffff  }
0x20c: {  	v53 =	vmov v2;
	v12 =	vor.u32 v2, v10;
	v2 =	vld [tilespmem:$0x1FEE0];
	_ =	sdelay $0x4  }
0x20d: {  	[tilespmem:v11+s29+$0x0] =	vst.idx.msk $0xffff, v9;
	v55 =	vmov v2;
	v11 =	vadd.s32 v2, v0;
	v2 =	vld [tilespmem:$0x1FED0];
	_ =	sdelay $0x3  }
0x20e: {  	v9 =	vld.idx.msk [tilespmem:v12+s19+$0x0], $0xffff  }
0x20f: {  	v54 =	vmov v2;
	v12 =	vor.u32 v2, v10;
	v2 =	vld [tilespmem:$0x1FEF0];
	_ =	sdelay $0x4  }
0x210: {  	[tilespmem:v11+s29+$0x0] =	vst.idx.msk $0xffff, v9;
	v56 =	vmov v2;
	v11 =	vadd.s32 v2, v0;
	v2 =	vld [tilespmem:$0x1FF00];
	_ =	sdelay $0x3  }
0x211: {  	v9 =	vld.idx.msk [tilespmem:v12+s19+$0x0], $0xffff  }
0x212: {  	v57 =	vmov v2;
	v12 =	vor.u32 v2, v10;
	v2 =	vld [tilespmem:$0x1FF10];
	_ =	sdelay $0x4  }
0x213: {  	[tilespmem:v11+s29+$0x0] =	vst.idx.msk $0xffff, v9;
	v58 =	vmov v2;
	v11 =	vadd.s32 v2, v0;
	v2 =	vld [tilespmem:$0x1FF20];
	_ =	sdelay $0x3  }
0x214: {  	v9 =	vld.idx.msk [tilespmem:v12+s19+$0x0], $0xffff  }
0x215: {  	v59 =	vmov v2;
	v12 =	vor.u32 v2, v10;
	v2 =	vld [tilespmem:$0x1FF30];
	_ =	sdelay $0x4  }
0x216: {  	[tilespmem:v11+s29+$0x0] =	vst.idx.msk $0xffff, v9;
	v8 =	vmov v2;
	v11 =	vadd.s32 v2, v0;
	v2 =	vld [tilespmem:$0x1FF40];
	_ =	sdelay $0x3  }
0x217: {  	v9 =	vld.idx.msk [tilespmem:v12+s19+$0x0], $0xffff  }
0x218: {  	v7 =	vmov v2;
	v12 =	vor.u32 v2, v10;
	v2 =	vld [tilespmem:$0x1FF50];
	_ =	sdelay $0x3  }
0x219: {  	v3 =	vld [tilespmem:$0x1FF70]  }
0x21a: {  	[tilespmem:v11+s29+$0x0] =	vst.idx.msk $0xffff, v9;
	v62 =	vmov v2;
	v11 =	vadd.s32 v2, v0;
	v2 =	vld [tilespmem:$0x1FF60]  }
0x21b: {  	v9 =	vld.idx.msk [tilespmem:v12+s19+$0x0], $0xffff;
	_ =	sdelay $0x3  }
0x21c: {  	v12 =	vor.u32 v2, v10  }
0x21d: {  	v6 =	vmov v2;
	[tilespmem:v11+s29+$0x0] =	vst.idx.msk $0xffff, v9;
	v2 =	vmov v3;
	v11 =	vadd.s32 v3, v0;
	v3 =	vld [tilespmem:$0x1FF80];
	_ =	sdelay $0x3  }
0x21e: {  	v9 =	vld.idx.msk [tilespmem:v12+s19+$0x0], $0xffff  }
0x21f: {  	v4 =	vmov v3;
	v12 =	vor.u32 v3, v10;
	v3 =	vld [tilespmem:$0x1FF90];
	_ =	sdelay $0x4  }
0x220: {  	[tilespmem:v11+s29+$0x0] =	vst.idx.msk $0xffff, v9;
	v20 =	vmov v3;
	v11 =	vadd.s32 v3, v0;
	v3 =	vld [tilespmem:$0x1FFA0];
	_ =	sdelay $0x3  }
0x221: {  	v9 =	vld.idx.msk [tilespmem:v12+s19+$0x0], $0xffff  }
0x222: {  	v12 =	vor.u32 v3, v10;
	_ =	sdelay $0x3  }
0x223: {  	v15 =	vmov v13;
	v13 =	vmov v3;
	v3 =	vld [tilespmem:$0x1FFB0];
	[tilespmem:v11+s29+$0x0] =	vst.idx.msk $0xffff, v9  }
0x224: {  	v9 =	vld.idx.msk [tilespmem:v12+s19+$0x0], $0xffff  }
0x225: {  	v12 =	vld [tilespmem:$0x1FFC0];
	_ =	sdelay $0x2  }
0x226: {  	v11 =	vadd.s32 v3, v0;
	_ =	sdelay $0x1  }
0x227: {  	v14 =	vmov v12;
	v12 =	vor.u32 v12, v10;
	_ =	sdelay $0x2  }
0x228: {  	[tilespmem:v11+s29+$0x0] =	vst.idx.msk $0xffff, v9;
	v11 =	vld [tilespmem:$0x1FFD0];
	_ =	sdelay $0x1  }
0x229: {  	v9 =	vld.idx.msk [tilespmem:v12+s19+$0x0], $0xffff  }
0x22a: {  	v12 =	vld [tilespmem:$0x1FFE0];
	_ =	sdelay $0x1  }
0x22b: {  	v61 =	vmov v11;
	v11 =	vadd.s32 v11, v0;
	_ =	sdelay $0x2  }
0x22c: {  	v60 =	vmov v12;
	v12 =	vor.u32 v12, v10;
	_ =	sdelay $0x1  }
0x22d: {  	[tilespmem:v11+s29+$0x0] =	vst.idx.msk $0xffff, v9;
	v11 =	vld [tilespmem:$0x1FBC0];
	_ =	sdelay $0x2  }
0x22e: {  	v9 =	vld.idx.msk [tilespmem:v12+s19+$0x0], $0xffff  }
0x22f: {  	v12 =	vld [tilespmem:$0x1FBD0]  }
0x230: {  	v11 =	vadd.s32 v11, v0;
	_ =	sdelay $0x3  }
0x231: {  	v12 =	vor.u32 v12, v10  }
0x232: {  	[tilespmem:v11+s29+$0x0] =	vst.idx.msk $0xffff, v9;
	v11 =	vld [tilespmem:$0x1FBE0];
	_ =	sdelay $0x3  }
0x233: {  	v9 =	vld.idx.msk [tilespmem:v12+s19+$0x0], $0xffff  }
0x234: {  	v11 =	vadd.s32 v11, v0;
	v12 =	vld [tilespmem:$0x1FBF0];
	_ =	sdelay $0x4  }
0x235: {  	v12 =	vor.u32 v12, v10;
	[tilespmem:v11+s29+$0x0] =	vst.idx.msk $0xffff, v9;
	v11 =	vld [tilespmem:$0x1FC00];
	_ =	sdelay $0x3  }
0x236: {  	v63 =	vmov v3;
	v3 =	vld [tilespmem:$0x1FBB0]  }
0x237: {  	v9 =	vld.idx.msk [tilespmem:v12+s19+$0x0], $0xffff;
	v11 =	vadd.s32 v11, v0;
	_ =	sdelay $0x3  }
0x238: {  	v19 =	vlaneseq.u32;
	s14 =	simm.s32 $0x1  }
0x239: {  	s9 =	sor.u32 $0x80, s8;
	[tilespmem:v11+s29+$0x0] =	vst.idx.msk $0xffff, v9;
	v9 =	vor.u32 v3, v10;
	v10 =	vadd.s32 s14, v19;
	s14 =	simm.s32 $0x2  }
.LBB2_9:
0x23a: {  	_ =	sdelay $0x2  }
0x23b: {  	v10 =	vand.u32 $0xF, v10  }
0x23c: {  	v11 =	vld.idx.msk [tilespmem:v9+s19+$0x0], $0xffff;
	v12 =	vadd.s32 v1, v0;
	v19 =	vlaneseq.u32;
	v9 =	vshll.u32 v10, $0x7  }
0x23d: {  	v0 =	vmov v10;
	v10 =	vor.u32 v19, v9;
	_ =	sdelay $0x3  }
0x23e: {  	[tilespmem:v12+s29+$0x0] =	vst.idx.msk $0xffff, v11  }
0x23f: {  	v11 =	vadd.s32 v15, v0;
	v10 =	vld.idx.msk [tilespmem:v10+s19+$0x0], $0xffff  }
0x240: {  	v12 =	vor.u32 v5, v9;
	_ =	sdelay $0x3  }
0x241: {  	[tilespmem:v11+s29+$0x0] =	vst.idx.msk $0xffff, v10  }
0x242: {  	v11 =	vadd.s32 v21, v0;
	v10 =	vld.idx.msk [tilespmem:v12+s19+$0x0], $0xffff  }
0x243: {  	v12 =	vor.u32 v34, v9;
	_ =	sdelay $0x3  }
0x244: {  	[tilespmem:v11+s29+$0x0] =	vst.idx.msk $0xffff, v10  }
0x245: {  	v11 =	vadd.s32 v17, v0;
	v10 =	vld.idx.msk [tilespmem:v12+s19+$0x0], $0xffff  }
0x246: {  	v12 =	vor.u32 v18, v9;
	_ =	sdelay $0x3  }
0x247: {  	[tilespmem:v11+s29+$0x0] =	vst.idx.msk $0xffff, v10  }
0x248: {  	v11 =	vadd.s32 v22, v0;
	v10 =	vld.idx.msk [tilespmem:v12+s19+$0x0], $0xffff  }
0x249: {  	v12 =	vor.u32 v23, v9;
	_ =	sdelay $0x3  }
0x24a: {  	[tilespmem:v11+s29+$0x0] =	vst.idx.msk $0xffff, v10  }
0x24b: {  	v11 =	vadd.s32 v24, v0;
	v10 =	vld.idx.msk [tilespmem:v12+s19+$0x0], $0xffff  }
0x24c: {  	v12 =	vor.u32 v25, v9;
	_ =	sdelay $0x3  }
0x24d: {  	[tilespmem:v11+s29+$0x0] =	vst.idx.msk $0xffff, v10  }
0x24e: {  	v11 =	vadd.s32 v26, v0;
	v10 =	vld.idx.msk [tilespmem:v12+s19+$0x0], $0xffff  }
0x24f: {  	v12 =	vor.u32 v27, v9;
	_ =	sdelay $0x3  }
0x250: {  	[tilespmem:v11+s29+$0x0] =	vst.idx.msk $0xffff, v10  }
0x251: {  	v11 =	vadd.s32 v28, v0;
	v10 =	vld.idx.msk [tilespmem:v12+s19+$0x0], $0xffff  }
0x252: {  	v12 =	vor.u32 v29, v9;
	_ =	sdelay $0x3  }
0x253: {  	[tilespmem:v11+s29+$0x0] =	vst.idx.msk $0xffff, v10  }
0x254: {  	v11 =	vadd.s32 v30, v0;
	v10 =	vld.idx.msk [tilespmem:v12+s19+$0x0], $0xffff  }
0x255: {  	v12 =	vor.u32 v31, v9;
	_ =	sdelay $0x3  }
0x256: {  	[tilespmem:v11+s29+$0x0] =	vst.idx.msk $0xffff, v10  }
0x257: {  	v11 =	vadd.s32 v32, v0;
	v10 =	vld.idx.msk [tilespmem:v12+s19+$0x0], $0xffff  }
0x258: {  	v12 =	vor.u32 v33, v9;
	_ =	sdelay $0x3  }
0x259: {  	[tilespmem:v11+s29+$0x0] =	vst.idx.msk $0xffff, v10  }
0x25a: {  	v11 =	vadd.s32 v16, v0;
	v10 =	vld.idx.msk [tilespmem:v12+s19+$0x0], $0xffff  }
0x25b: {  	v12 =	vor.u32 v35, v9;
	_ =	sdelay $0x3  }
0x25c: {  	[tilespmem:v11+s29+$0x0] =	vst.idx.msk $0xffff, v10  }
0x25d: {  	v11 =	vadd.s32 v36, v0;
	v10 =	vld.idx.msk [tilespmem:v12+s19+$0x0], $0xffff  }
0x25e: {  	v12 =	vor.u32 v37, v9;
	_ =	sdelay $0x3  }
0x25f: {  	[tilespmem:v11+s29+$0x0] =	vst.idx.msk $0xffff, v10  }
0x260: {  	v11 =	vadd.s32 v38, v0;
	v10 =	vld.idx.msk [tilespmem:v12+s19+$0x0], $0xffff  }
0x261: {  	v12 =	vor.u32 v39, v9;
	_ =	sdelay $0x3  }
0x262: {  	[tilespmem:v11+s29+$0x0] =	vst.idx.msk $0xffff, v10  }
0x263: {  	v11 =	vadd.s32 v40, v0;
	v10 =	vld.idx.msk [tilespmem:v12+s19+$0x0], $0xffff  }
0x264: {  	v12 =	vor.u32 v41, v9;
	_ =	sdelay $0x3  }
0x265: {  	[tilespmem:v11+s29+$0x0] =	vst.idx.msk $0xffff, v10  }
0x266: {  	v11 =	vadd.s32 v42, v0;
	v10 =	vld.idx.msk [tilespmem:v12+s19+$0x0], $0xffff  }
0x267: {  	v12 =	vor.u32 v43, v9;
	_ =	sdelay $0x3  }
0x268: {  	[tilespmem:v11+s29+$0x0] =	vst.idx.msk $0xffff, v10  }
0x269: {  	v11 =	vadd.s32 v44, v0;
	v10 =	vld.idx.msk [tilespmem:v12+s19+$0x0], $0xffff  }
0x26a: {  	v12 =	vor.u32 v45, v9;
	_ =	sdelay $0x3  }
0x26b: {  	[tilespmem:v11+s29+$0x0] =	vst.idx.msk $0xffff, v10  }
0x26c: {  	v11 =	vadd.s32 v46, v0;
	v10 =	vld.idx.msk [tilespmem:v12+s19+$0x0], $0xffff  }
0x26d: {  	v12 =	vor.u32 v47, v9;
	_ =	sdelay $0x3  }
0x26e: {  	[tilespmem:v11+s29+$0x0] =	vst.idx.msk $0xffff, v10  }
0x26f: {  	v11 =	vadd.s32 v48, v0;
	v10 =	vld.idx.msk [tilespmem:v12+s19+$0x0], $0xffff  }
0x270: {  	v12 =	vor.u32 v49, v9;
	_ =	sdelay $0x3  }
0x271: {  	[tilespmem:v11+s29+$0x0] =	vst.idx.msk $0xffff, v10  }
0x272: {  	v11 =	vadd.s32 v50, v0;
	v10 =	vld.idx.msk [tilespmem:v12+s19+$0x0], $0xffff  }
0x273: {  	v12 =	vor.u32 v51, v9;
	_ =	sdelay $0x3  }
0x274: {  	[tilespmem:v11+s29+$0x0] =	vst.idx.msk $0xffff, v10  }
0x275: {  	v11 =	vadd.s32 v52, v0;
	v10 =	vld.idx.msk [tilespmem:v12+s19+$0x0], $0xffff  }
0x276: {  	v12 =	vor.u32 v53, v9;
	_ =	sdelay $0x3  }
0x277: {  	[tilespmem:v11+s29+$0x0] =	vst.idx.msk $0xffff, v10  }
0x278: {  	v11 =	vadd.s32 v55, v0;
	v10 =	vld.idx.msk [tilespmem:v12+s19+$0x0], $0xffff  }
0x279: {  	v12 =	vor.u32 v54, v9;
	_ =	sdelay $0x3  }
0x27a: {  	[tilespmem:v11+s29+$0x0] =	vst.idx.msk $0xffff, v10  }
0x27b: {  	v11 =	vadd.s32 v56, v0;
	v10 =	vld.idx.msk [tilespmem:v12+s19+$0x0], $0xffff  }
0x27c: {  	v12 =	vor.u32 v57, v9;
	_ =	sdelay $0x3  }
0x27d: {  	[tilespmem:v11+s29+$0x0] =	vst.idx.msk $0xffff, v10  }
0x27e: {  	v11 =	vadd.s32 v58, v0;
	v10 =	vld.idx.msk [tilespmem:v12+s19+$0x0], $0xffff  }
0x27f: {  	v12 =	vor.u32 v59, v9;
	_ =	sdelay $0x3  }
0x280: {  	[tilespmem:v11+s29+$0x0] =	vst.idx.msk $0xffff, v10  }
0x281: {  	v11 =	vadd.s32 v8, v0;
	v10 =	vld.idx.msk [tilespmem:v12+s19+$0x0], $0xffff  }
0x282: {  	v12 =	vor.u32 v7, v9;
	_ =	sdelay $0x3  }
0x283: {  	[tilespmem:v11+s29+$0x0] =	vst.idx.msk $0xffff, v10  }
0x284: {  	v11 =	vadd.s32 v62, v0;
	v10 =	vld.idx.msk [tilespmem:v12+s19+$0x0], $0xffff  }
0x285: {  	v12 =	vor.u32 v6, v9;
	_ =	sdelay $0x3  }
0x286: {  	[tilespmem:v11+s29+$0x0] =	vst.idx.msk $0xffff, v10  }
0x287: {  	v11 =	vadd.s32 v2, v0;
	v10 =	vld.idx.msk [tilespmem:v12+s19+$0x0], $0xffff  }
0x288: {  	v12 =	vor.u32 v4, v9;
	_ =	sdelay $0x3  }
0x289: {  	[tilespmem:v11+s29+$0x0] =	vst.idx.msk $0xffff, v10  }
0x28a: {  	v11 =	vadd.s32 v20, v0;
	v10 =	vld.idx.msk [tilespmem:v12+s19+$0x0], $0xffff  }
0x28b: {  	v12 =	vor.u32 v13, v9;
	_ =	sdelay $0x3  }
0x28c: {  	[tilespmem:v11+s29+$0x0] =	vst.idx.msk $0xffff, v10  }
0x28d: {  	v11 =	vadd.s32 v63, v0;
	v10 =	vld.idx.msk [tilespmem:v12+s19+$0x0], $0xffff  }
0x28e: {  	v12 =	vor.u32 v14, v9;
	_ =	sdelay $0x3  }
0x28f: {  	v3 =	vld [tilespmem:$0x1FBC0];
	[tilespmem:v11+s29+$0x0] =	vst.idx.msk $0xffff, v10  }
0x290: {  	v11 =	vadd.s32 v61, v0;
	v10 =	vld.idx.msk [tilespmem:v12+s19+$0x0], $0xffff  }
0x291: {  	v12 =	vor.u32 v60, v9;
	_ =	sdelay $0x3  }
0x292: {  	[tilespmem:v11+s29+$0x0] =	vst.idx.msk $0xffff, v10;
	v11 =	vadd.s32 v3, v0;
	v3 =	vld [tilespmem:$0x1FBD0]  }
0x293: {  	v10 =	vld.idx.msk [tilespmem:v12+s19+$0x0], $0xffff;
	_ =	sdelay $0x3  }
0x294: {  	v12 =	vor.u32 v3, v9  }
0x295: {  	[tilespmem:v11+s29+$0x0] =	vst.idx.msk $0xffff, v10;
	v11 =	vld [tilespmem:$0x1FBE0];
	_ =	sdelay $0x3  }
0x296: {  	v10 =	vld.idx.msk [tilespmem:v12+s19+$0x0], $0xffff  }
0x297: {  	v12 =	vld [tilespmem:$0x1FBF0];
	v11 =	vadd.s32 v11, v0;
	_ =	sdelay $0x4  }
0x298: {  	v12 =	vor.u32 v12, v9;
	[tilespmem:v11+s29+$0x0] =	vst.idx.msk $0xffff, v10;
	v10 =	vld [tilespmem:$0x1FC00];
	_ =	sdelay $0x3  }
0x299: {  	v3 =	vld [tilespmem:$0x1FBB0]  }
0x29a: {  	p2 =	sne.s32 s14, $0xF;
	v11 =	vld.idx.msk [tilespmem:v12+s19+$0x0], $0xffff;
	v12 =	vadd.s32 v10, v0  }
.Ltmp6:
0x29b: {  	_ = 	snop;
	(pc) =	sbr.rel @p2 .LBB2_9-.Ltmp6, $2  }
0x29c: {  	_ =	sdelay $0x2  }
0x29d: {  	v9 =	vor.u32 v3, v9;
	v3 =	vlaneseq.u32;
	v10 =	vadd.s32 s14, v19;
	s14 =	sadd.s32 $0x1, s14;
	[tilespmem:v12+s29+$0x0] =	vst.idx.msk $0xffff, v11  }
0x29e: {  	_ =	sdelay $0x2  }
0x29f: {  	v12 =	vand.u32 $0xF, v10  }
0x2a0: {  	v9 =	vld.idx.msk [tilespmem:v9+s19+$0x0], $0xffff;
	v0 =	vadd.s32 v1, v0;
	v10 =	vshll.u32 v12, $0x7  }
0x2a1: {  	v11 =	vor.u32 v3, v10;
	_ =	sdelay $0x3  }
0x2a2: {  	[tilespmem:v0+s29+$0x0] =	vst.idx.msk $0xffff, v9  }
0x2a3: {  	v9 =	vadd.s32 v15, v12;
	v0 =	vld.idx.msk [tilespmem:v11+s19+$0x0], $0xffff  }
0x2a4: {  	v11 =	vor.u32 v5, v10;
	_ =	sdelay $0x3  }
0x2a5: {  	[tilespmem:v9+s29+$0x0] =	vst.idx.msk $0xffff, v0  }
0x2a6: {  	v9 =	vadd.s32 v21, v12;
	v0 =	vld.idx.msk [tilespmem:v11+s19+$0x0], $0xffff  }
0x2a7: {  	v11 =	vor.u32 v34, v10;
	_ =	sdelay $0x3  }
0x2a8: {  	[tilespmem:v9+s29+$0x0] =	vst.idx.msk $0xffff, v0  }
0x2a9: {  	v9 =	vadd.s32 v17, v12;
	v0 =	vld.idx.msk [tilespmem:v11+s19+$0x0], $0xffff  }
0x2aa: {  	v11 =	vor.u32 v18, v10;
	_ =	sdelay $0x3  }
0x2ab: {  	[tilespmem:v9+s29+$0x0] =	vst.idx.msk $0xffff, v0  }
0x2ac: {  	v9 =	vadd.s32 v22, v12;
	v0 =	vld.idx.msk [tilespmem:v11+s19+$0x0], $0xffff  }
0x2ad: {  	v11 =	vor.u32 v23, v10;
	_ =	sdelay $0x3  }
0x2ae: {  	[tilespmem:v9+s29+$0x0] =	vst.idx.msk $0xffff, v0  }
0x2af: {  	v9 =	vadd.s32 v24, v12;
	v0 =	vld.idx.msk [tilespmem:v11+s19+$0x0], $0xffff  }
0x2b0: {  	v11 =	vor.u32 v25, v10;
	_ =	sdelay $0x3  }
0x2b1: {  	[tilespmem:v9+s29+$0x0] =	vst.idx.msk $0xffff, v0  }
0x2b2: {  	v9 =	vadd.s32 v26, v12;
	v0 =	vld.idx.msk [tilespmem:v11+s19+$0x0], $0xffff  }
0x2b3: {  	v11 =	vor.u32 v27, v10;
	_ =	sdelay $0x3  }
0x2b4: {  	[tilespmem:v9+s29+$0x0] =	vst.idx.msk $0xffff, v0  }
0x2b5: {  	v9 =	vadd.s32 v28, v12;
	v0 =	vld.idx.msk [tilespmem:v11+s19+$0x0], $0xffff  }
0x2b6: {  	v11 =	vor.u32 v29, v10;
	_ =	sdelay $0x3  }
0x2b7: {  	[tilespmem:v9+s29+$0x0] =	vst.idx.msk $0xffff, v0  }
0x2b8: {  	v9 =	vadd.s32 v30, v12;
	v0 =	vld.idx.msk [tilespmem:v11+s19+$0x0], $0xffff  }
0x2b9: {  	v11 =	vor.u32 v31, v10;
	_ =	sdelay $0x3  }
0x2ba: {  	[tilespmem:v9+s29+$0x0] =	vst.idx.msk $0xffff, v0  }
0x2bb: {  	v9 =	vadd.s32 v32, v12;
	v0 =	vld.idx.msk [tilespmem:v11+s19+$0x0], $0xffff  }
0x2bc: {  	v11 =	vor.u32 v33, v10;
	_ =	sdelay $0x3  }
0x2bd: {  	[tilespmem:v9+s29+$0x0] =	vst.idx.msk $0xffff, v0  }
0x2be: {  	v9 =	vadd.s32 v16, v12;
	v0 =	vld.idx.msk [tilespmem:v11+s19+$0x0], $0xffff  }
0x2bf: {  	v11 =	vor.u32 v35, v10;
	_ =	sdelay $0x3  }
0x2c0: {  	[tilespmem:v9+s29+$0x0] =	vst.idx.msk $0xffff, v0  }
0x2c1: {  	v9 =	vadd.s32 v36, v12;
	v0 =	vld.idx.msk [tilespmem:v11+s19+$0x0], $0xffff  }
0x2c2: {  	v11 =	vor.u32 v37, v10;
	_ =	sdelay $0x3  }
0x2c3: {  	[tilespmem:v9+s29+$0x0] =	vst.idx.msk $0xffff, v0  }
0x2c4: {  	v9 =	vadd.s32 v38, v12;
	v0 =	vld.idx.msk [tilespmem:v11+s19+$0x0], $0xffff  }
0x2c5: {  	v11 =	vor.u32 v39, v10;
	_ =	sdelay $0x3  }
0x2c6: {  	[tilespmem:v9+s29+$0x0] =	vst.idx.msk $0xffff, v0  }
0x2c7: {  	v9 =	vadd.s32 v40, v12;
	v0 =	vld.idx.msk [tilespmem:v11+s19+$0x0], $0xffff  }
0x2c8: {  	v11 =	vor.u32 v41, v10;
	_ =	sdelay $0x3  }
0x2c9: {  	[tilespmem:v9+s29+$0x0] =	vst.idx.msk $0xffff, v0  }
0x2ca: {  	v9 =	vadd.s32 v42, v12;
	v0 =	vld.idx.msk [tilespmem:v11+s19+$0x0], $0xffff  }
0x2cb: {  	v11 =	vor.u32 v43, v10;
	_ =	sdelay $0x3  }
0x2cc: {  	[tilespmem:v9+s29+$0x0] =	vst.idx.msk $0xffff, v0  }
0x2cd: {  	v9 =	vadd.s32 v44, v12;
	v0 =	vld.idx.msk [tilespmem:v11+s19+$0x0], $0xffff  }
0x2ce: {  	v11 =	vor.u32 v45, v10;
	_ =	sdelay $0x3  }
0x2cf: {  	[tilespmem:v9+s29+$0x0] =	vst.idx.msk $0xffff, v0  }
0x2d0: {  	v9 =	vadd.s32 v46, v12;
	v0 =	vld.idx.msk [tilespmem:v11+s19+$0x0], $0xffff  }
0x2d1: {  	v11 =	vor.u32 v47, v10;
	_ =	sdelay $0x3  }
0x2d2: {  	[tilespmem:v9+s29+$0x0] =	vst.idx.msk $0xffff, v0  }
0x2d3: {  	v9 =	vadd.s32 v48, v12;
	v0 =	vld.idx.msk [tilespmem:v11+s19+$0x0], $0xffff  }
0x2d4: {  	v11 =	vor.u32 v49, v10;
	_ =	sdelay $0x3  }
0x2d5: {  	[tilespmem:v9+s29+$0x0] =	vst.idx.msk $0xffff, v0  }
0x2d6: {  	v9 =	vadd.s32 v50, v12;
	v0 =	vld.idx.msk [tilespmem:v11+s19+$0x0], $0xffff  }
0x2d7: {  	v11 =	vor.u32 v51, v10;
	_ =	sdelay $0x3  }
0x2d8: {  	[tilespmem:v9+s29+$0x0] =	vst.idx.msk $0xffff, v0  }
0x2d9: {  	v9 =	vadd.s32 v52, v12;
	v0 =	vld.idx.msk [tilespmem:v11+s19+$0x0], $0xffff  }
0x2da: {  	v11 =	vor.u32 v53, v10;
	_ =	sdelay $0x3  }
0x2db: {  	[tilespmem:v9+s29+$0x0] =	vst.idx.msk $0xffff, v0  }
0x2dc: {  	v9 =	vadd.s32 v55, v12;
	v0 =	vld.idx.msk [tilespmem:v11+s19+$0x0], $0xffff  }
0x2dd: {  	v11 =	vor.u32 v54, v10;
	_ =	sdelay $0x3  }
0x2de: {  	[tilespmem:v9+s29+$0x0] =	vst.idx.msk $0xffff, v0  }
0x2df: {  	v9 =	vadd.s32 v56, v12;
	v0 =	vld.idx.msk [tilespmem:v11+s19+$0x0], $0xffff  }
0x2e0: {  	v11 =	vor.u32 v57, v10;
	_ =	sdelay $0x3  }
0x2e1: {  	[tilespmem:v9+s29+$0x0] =	vst.idx.msk $0xffff, v0  }
0x2e2: {  	v9 =	vadd.s32 v58, v12;
	v0 =	vld.idx.msk [tilespmem:v11+s19+$0x0], $0xffff  }
0x2e3: {  	v11 =	vor.u32 v59, v10;
	_ =	sdelay $0x3  }
0x2e4: {  	[tilespmem:v9+s29+$0x0] =	vst.idx.msk $0xffff, v0  }
0x2e5: {  	v9 =	vadd.s32 v8, v12;
	v0 =	vld.idx.msk [tilespmem:v11+s19+$0x0], $0xffff  }
0x2e6: {  	v11 =	vor.u32 v7, v10;
	_ =	sdelay $0x3  }
0x2e7: {  	[tilespmem:v9+s29+$0x0] =	vst.idx.msk $0xffff, v0  }
0x2e8: {  	v9 =	vadd.s32 v62, v12;
	v0 =	vld.idx.msk [tilespmem:v11+s19+$0x0], $0xffff  }
0x2e9: {  	v11 =	vor.u32 v6, v10;
	_ =	sdelay $0x3  }
0x2ea: {  	[tilespmem:v9+s29+$0x0] =	vst.idx.msk $0xffff, v0  }
0x2eb: {  	v9 =	vadd.s32 v2, v12;
	v0 =	vld.idx.msk [tilespmem:v11+s19+$0x0], $0xffff  }
0x2ec: {  	v11 =	vor.u32 v4, v10;
	_ =	sdelay $0x3  }
0x2ed: {  	[tilespmem:v9+s29+$0x0] =	vst.idx.msk $0xffff, v0  }
0x2ee: {  	v9 =	vadd.s32 v20, v12;
	v0 =	vld.idx.msk [tilespmem:v11+s19+$0x0], $0xffff  }
0x2ef: {  	v11 =	vor.u32 v13, v10;
	_ =	sdelay $0x3  }
0x2f0: {  	[tilespmem:v9+s29+$0x0] =	vst.idx.msk $0xffff, v0  }
0x2f1: {  	v9 =	vadd.s32 v63, v12;
	v0 =	vld.idx.msk [tilespmem:v11+s19+$0x0], $0xffff  }
0x2f2: {  	v11 =	vor.u32 v14, v10;
	_ =	sdelay $0x3  }
0x2f3: {  	v2 =	vld [tilespmem:$0x1FBC0];
	[tilespmem:v9+s29+$0x0] =	vst.idx.msk $0xffff, v0  }
0x2f4: {  	v9 =	vadd.s32 v61, v12;
	v0 =	vld.idx.msk [tilespmem:v11+s19+$0x0], $0xffff;
	_ =	sdelay $0x3  }
0x2f5: {  	v11 =	vor.u32 v60, v10  }
0x2f6: {  	[tilespmem:v9+s29+$0x0] =	vst.idx.msk $0xffff, v0;
	v9 =	vadd.s32 v2, v12;
	v2 =	vld [tilespmem:$0x1FBD0];
	_ =	sdelay $0x3  }
0x2f7: {  	v0 =	vld.idx.msk [tilespmem:v11+s19+$0x0], $0xffff  }
0x2f8: {  	v11 =	vor.u32 v2, v10;
	v2 =	vld [tilespmem:$0x1FBE0];
	_ =	sdelay $0x4  }
0x2f9: {  	[tilespmem:v9+s29+$0x0] =	vst.idx.msk $0xffff, v0;
	v9 =	vadd.s32 v2, v12;
	v2 =	vld [tilespmem:$0x1FBF0];
	_ =	sdelay $0x3  }
0x2fa: {  	v0 =	vld.idx.msk [tilespmem:v11+s19+$0x0], $0xffff  }
0x2fb: {  	v11 =	vor.u32 v2, v10;
	v2 =	vld [tilespmem:$0x1FC00];
	_ =	sdelay $0x4  }
0x2fc: {  	[tilespmem:v9+s29+$0x0] =	vst.idx.msk $0xffff, v0;
	v9 =	vadd.s32 v2, v12;
	v2 =	vld [tilespmem:$0x1FBB0];
	_ =	sdelay $0x3  }
0x2fd: {  	v0 =	vld.idx.msk [tilespmem:v11+s19+$0x0], $0xffff  }
0x2fe: {  	v10 =	vor.u32 v2, v10;
	_ =	sdelay $0x3  }
0x2ff: {  	[tilespmem:v9+s29+$0x0] =	vst.idx.msk $0xffff, v0  }
0x300: {  	v9 =	vadd.s32 v1, v12;
	v0 =	vld.idx.msk [tilespmem:v10+s19+$0x0], $0xffff;
	_ =	sdelay $0x1  }
.Ltmp7:
0x301: {  	_ = 	snop;
	(pc) =	sbr.rel @p1 .LBB2_12-.Ltmp7, $3  }
0x302: {  	_ =	sdelay $0x1  }
0x303: {  	[tilespmem:v9+s29+$0x0] =	vst.idx.msk $0xffff, v0  }
0x304: {  	v11 =	vlaneseq.u32;
	[hbm4b:s3+s25] =	stream.indirect.scatter [tilespmem:s29], [sflag:$0x7], $0x80, s9, s25, $0xb8;
	[tilespmem:$0x1C000] =	vst v63  }
.Ltmp8:
0x305: {  	(pc) =	sbr.rel .LBB2_13-.Ltmp8, $4  }
0x306: {  	_ = 	snop  }
0x307: {  	_ =	swait.ge [sflag:s30], $0x2000  }
0x308: {  	[sflag:s30] =	ssyncset.done $0x0  }
0x309: {  	v9 =	vld [tilespmem:$0x1FFF0];
	[sflag:s30] =	ssyncadd.s32 $0xFFFFE000  }
.LBB2_12:
.Ltmp9:
0x30a: {  	s9 =	sadd.s32 s8, s11;
	(pc) =	sbr.rel @p0 .LBB2_14-.Ltmp9, $4  }
0x30b: {  	[tilespmem:s19], [sflag:$0x3] =	stream.strided.gather [hbm4b:s9+s16], $0x2000, s17, s16, $0x38;
	[tilespmem:$0x1C000] =	vst v63  }
0x30c: {  	_ =	swait.ge [sflag:s30], $0x2000  }
0x30d: {  	[sflag:s30] =	ssyncset.done $0x0  }
0x30e: {  	v9 =	vld [tilespmem:$0x1FFF0];
	[sflag:s30] =	ssyncadd.s32 $0xFFFFE000  }
.LBB2_13:
0x30f: {  	_ =	swait.ge [sflag:s31], $0x4000  }
0x310: {  	[sflag:s31] =	ssyncset.done $0x0  }
0x311: {  	[sflag:s31] =	ssyncadd.s32 $0xFFFFC000  }
.LBB2_14:
0x312: {  	_ =	sdelay $0x2  }
0x313: {  	v0 =	vld [tilespmem:s8+$0x2100];
	_ =	sdelay $0x4  }
0x314: {  	[tilespmem:v9+s0+$0x0] =	vst.idx.msk $0xffff, v0;
	v9 =	vld [tilespmem:$0x1FC10];
	_ =	sdelay $0x2  }
0x315: {  	v0 =	vld [tilespmem:s8+$0x2110];
	_ =	sdelay $0x4  }
0x316: {  	[tilespmem:v9+s0+$0x0] =	vst.idx.msk $0xffff, v0;
	v9 =	vld [tilespmem:$0x1FC20];
	_ =	sdelay $0x2  }
0x317: {  	v0 =	vld [tilespmem:s8+$0x2120];
	_ =	sdelay $0x4  }
0x318: {  	[tilespmem:v9+s0+$0x0] =	vst.idx.msk $0xffff, v0;
	v9 =	vld [tilespmem:$0x1FC30];
	_ =	sdelay $0x2  }
0x319: {  	v0 =	vld [tilespmem:s8+$0x2130];
	_ =	sdelay $0x4  }
0x31a: {  	[tilespmem:v9+s0+$0x0] =	vst.idx.msk $0xffff, v0;
	v9 =	vld [tilespmem:$0x1FC40];
	_ =	sdelay $0x2  }
0x31b: {  	v0 =	vld [tilespmem:s8+$0x2140];
	_ =	sdelay $0x4  }
0x31c: {  	[tilespmem:v9+s0+$0x0] =	vst.idx.msk $0xffff, v0;
	v9 =	vld [tilespmem:$0x1FC50];
	_ =	sdelay $0x2  }
0x31d: {  	v0 =	vld [tilespmem:s8+$0x2150];
	_ =	sdelay $0x2  }
0x31e: {  	v10 =	vld [tilespmem:$0x1FC60];
	_ =	sdelay $0x1  }
0x31f: {  	[tilespmem:v9+s0+$0x0] =	vst.idx.msk $0xffff, v0  }
0x320: {  	v0 =	vld [tilespmem:s8+$0x2160];
	_ =	sdelay $0x2  }
0x321: {  	s9 =	simm.s32 $0x0;
	v12 =	vld [tilespmem:$0x1FC70]  }
0x322: {  	v9 =	vadd.s32 s9, v11  }
0x323: {  	v2 =	vld [tilespmem:$0x1FC80];
	[tilespmem:v10+s0+$0x0] =	vst.idx.msk $0xffff, v0;
	v0 =	vand.u32 $0xF, v9  }
0x324: {  	v9 =	vld [tilespmem:s8+$0x2170];
	v10 =	vshll.u32 v0, $0x7  }
0x325: {  	v11 =	vor.u32 v11, v10;
	_ =	sdelay $0x3  }
0x326: {  	v20 =	vmov v2;
	[tilespmem:v12+s0+$0x0] =	vst.idx.msk $0xffff, v9;
	v12 =	vor.u32 v2, v10;
	v2 =	vld [tilespmem:$0x1FC90]  }
0x327: {  	v9 =	vld.idx.msk [tilespmem:v11+s20+$0x0], $0xffff;
	v11 =	vadd.s32 v15, v0;
	_ =	sdelay $0x4  }
0x328: {  	v21 =	vmov v2;
	[tilespmem:v11+s0+$0x0] =	vst.idx.msk $0xffff, v9;
	v11 =	vadd.s32 v2, v0;
	v2 =	vld [tilespmem:$0x1FCA0];
	_ =	sdelay $0x3  }
0x329: {  	v9 =	vld.idx.msk [tilespmem:v12+s20+$0x0], $0xffff  }
0x32a: {  	v34 =	vmov v2;
	v12 =	vor.u32 v2, v10;
	v2 =	vld [tilespmem:$0x1FCB0];
	_ =	sdelay $0x4  }
0x32b: {  	[tilespmem:v11+s0+$0x0] =	vst.idx.msk $0xffff, v9;
	v3 =	vmov v2;
	v11 =	vadd.s32 v2, v0;
	v2 =	vld [tilespmem:$0x1FCC0];
	_ =	sdelay $0x3  }
0x32c: {  	v9 =	vld.idx.msk [tilespmem:v12+s20+$0x0], $0xffff  }
0x32d: {  	v18 =	vmov v2;
	v12 =	vor.u32 v2, v10;
	v2 =	vld [tilespmem:$0x1FCD0];
	_ =	sdelay $0x4  }
0x32e: {  	[tilespmem:v11+s0+$0x0] =	vst.idx.msk $0xffff, v9;
	v22 =	vmov v2;
	v11 =	vadd.s32 v2, v0;
	v2 =	vld [tilespmem:$0x1FCE0];
	_ =	sdelay $0x3  }
0x32f: {  	v9 =	vld.idx.msk [tilespmem:v12+s20+$0x0], $0xffff  }
0x330: {  	v23 =	vmov v2;
	v12 =	vor.u32 v2, v10;
	v2 =	vld [tilespmem:$0x1FCF0];
	_ =	sdelay $0x4  }
0x331: {  	[tilespmem:v11+s0+$0x0] =	vst.idx.msk $0xffff, v9;
	v24 =	vmov v2;
	v11 =	vadd.s32 v2, v0;
	v2 =	vld [tilespmem:$0x1FD00];
	_ =	sdelay $0x3  }
0x332: {  	v9 =	vld.idx.msk [tilespmem:v12+s20+$0x0], $0xffff  }
0x333: {  	v25 =	vmov v2;
	v12 =	vor.u32 v2, v10;
	v2 =	vld [tilespmem:$0x1FD10];
	_ =	sdelay $0x4  }
0x334: {  	[tilespmem:v11+s0+$0x0] =	vst.idx.msk $0xffff, v9;
	v26 =	vmov v2;
	v11 =	vadd.s32 v2, v0;
	v2 =	vld [tilespmem:$0x1FD20];
	_ =	sdelay $0x3  }
0x335: {  	v9 =	vld.idx.msk [tilespmem:v12+s20+$0x0], $0xffff  }
0x336: {  	v27 =	vmov v2;
	v12 =	vor.u32 v2, v10;
	v2 =	vld [tilespmem:$0x1FD30];
	_ =	sdelay $0x4  }
0x337: {  	[tilespmem:v11+s0+$0x0] =	vst.idx.msk $0xffff, v9;
	v28 =	vmov v2;
	v11 =	vadd.s32 v2, v0;
	v2 =	vld [tilespmem:$0x1FD40];
	_ =	sdelay $0x3  }
0x338: {  	v9 =	vld.idx.msk [tilespmem:v12+s20+$0x0], $0xffff  }
0x339: {  	v29 =	vmov v2;
	v12 =	vor.u32 v2, v10;
	v2 =	vld [tilespmem:$0x1FD50];
	_ =	sdelay $0x4  }
0x33a: {  	[tilespmem:v11+s0+$0x0] =	vst.idx.msk $0xffff, v9;
	v30 =	vmov v2;
	v11 =	vadd.s32 v2, v0;
	v2 =	vld [tilespmem:$0x1FD60];
	_ =	sdelay $0x3  }
0x33b: {  	v9 =	vld.idx.msk [tilespmem:v12+s20+$0x0], $0xffff  }
0x33c: {  	v31 =	vmov v2;
	v12 =	vor.u32 v2, v10;
	v2 =	vld [tilespmem:$0x1FD70];
	_ =	sdelay $0x4  }
0x33d: {  	[tilespmem:v11+s0+$0x0] =	vst.idx.msk $0xffff, v9;
	v32 =	vmov v2;
	v11 =	vadd.s32 v2, v0;
	v2 =	vld [tilespmem:$0x1FD80];
	_ =	sdelay $0x3  }
0x33e: {  	v9 =	vld.idx.msk [tilespmem:v12+s20+$0x0], $0xffff  }
0x33f: {  	v33 =	vmov v2;
	v12 =	vor.u32 v2, v10;
	v2 =	vld [tilespmem:$0x1FD90];
	_ =	sdelay $0x4  }
0x340: {  	[tilespmem:v11+s0+$0x0] =	vst.idx.msk $0xffff, v9;
	v16 =	vmov v2;
	v11 =	vadd.s32 v2, v0;
	v2 =	vld [tilespmem:$0x1FDA0];
	_ =	sdelay $0x3  }
0x341: {  	v9 =	vld.idx.msk [tilespmem:v12+s20+$0x0], $0xffff  }
0x342: {  	v35 =	vmov v2;
	v12 =	vor.u32 v2, v10;
	v2 =	vld [tilespmem:$0x1FDB0];
	_ =	sdelay $0x4  }
0x343: {  	[tilespmem:v11+s0+$0x0] =	vst.idx.msk $0xffff, v9;
	v36 =	vmov v2;
	v11 =	vadd.s32 v2, v0;
	v2 =	vld [tilespmem:$0x1FDC0];
	_ =	sdelay $0x3  }
0x344: {  	v9 =	vld.idx.msk [tilespmem:v12+s20+$0x0], $0xffff  }
0x345: {  	v37 =	vmov v2;
	v12 =	vor.u32 v2, v10;
	v2 =	vld [tilespmem:$0x1FDD0];
	_ =	sdelay $0x4  }
0x346: {  	[tilespmem:v11+s0+$0x0] =	vst.idx.msk $0xffff, v9;
	v38 =	vmov v2;
	v11 =	vadd.s32 v2, v0;
	v2 =	vld [tilespmem:$0x1FDE0];
	_ =	sdelay $0x3  }
0x347: {  	v9 =	vld.idx.msk [tilespmem:v12+s20+$0x0], $0xffff  }
0x348: {  	v39 =	vmov v2;
	v12 =	vor.u32 v2, v10;
	v2 =	vld [tilespmem:$0x1FDF0];
	_ =	sdelay $0x4  }
0x349: {  	[tilespmem:v11+s0+$0x0] =	vst.idx.msk $0xffff, v9;
	v40 =	vmov v2;
	v11 =	vadd.s32 v2, v0;
	v2 =	vld [tilespmem:$0x1FE00];
	_ =	sdelay $0x3  }
0x34a: {  	v9 =	vld.idx.msk [tilespmem:v12+s20+$0x0], $0xffff  }
0x34b: {  	v41 =	vmov v2;
	v12 =	vor.u32 v2, v10;
	v2 =	vld [tilespmem:$0x1FE10];
	_ =	sdelay $0x4  }
0x34c: {  	[tilespmem:v11+s0+$0x0] =	vst.idx.msk $0xffff, v9;
	v42 =	vmov v2;
	v11 =	vadd.s32 v2, v0;
	v2 =	vld [tilespmem:$0x1FE20];
	_ =	sdelay $0x3  }
0x34d: {  	v9 =	vld.idx.msk [tilespmem:v12+s20+$0x0], $0xffff  }
0x34e: {  	v43 =	vmov v2;
	v12 =	vor.u32 v2, v10;
	v2 =	vld [tilespmem:$0x1FE30];
	_ =	sdelay $0x4  }
0x34f: {  	[tilespmem:v11+s0+$0x0] =	vst.idx.msk $0xffff, v9;
	v44 =	vmov v2;
	v11 =	vadd.s32 v2, v0;
	v2 =	vld [tilespmem:$0x1FE40];
	_ =	sdelay $0x3  }
0x350: {  	v9 =	vld.idx.msk [tilespmem:v12+s20+$0x0], $0xffff  }
0x351: {  	v45 =	vmov v2;
	v12 =	vor.u32 v2, v10;
	v2 =	vld [tilespmem:$0x1FE50];
	_ =	sdelay $0x4  }
0x352: {  	[tilespmem:v11+s0+$0x0] =	vst.idx.msk $0xffff, v9;
	v46 =	vmov v2;
	v11 =	vadd.s32 v2, v0;
	v2 =	vld [tilespmem:$0x1FE60];
	_ =	sdelay $0x3  }
0x353: {  	v9 =	vld.idx.msk [tilespmem:v12+s20+$0x0], $0xffff  }
0x354: {  	v47 =	vmov v2;
	v12 =	vor.u32 v2, v10;
	v2 =	vld [tilespmem:$0x1FE70];
	_ =	sdelay $0x4  }
0x355: {  	[tilespmem:v11+s0+$0x0] =	vst.idx.msk $0xffff, v9;
	v48 =	vmov v2;
	v11 =	vadd.s32 v2, v0;
	v2 =	vld [tilespmem:$0x1FE80];
	_ =	sdelay $0x3  }
0x356: {  	v9 =	vld.idx.msk [tilespmem:v12+s20+$0x0], $0xffff  }
0x357: {  	v49 =	vmov v2;
	v12 =	vor.u32 v2, v10;
	v2 =	vld [tilespmem:$0x1FE90];
	_ =	sdelay $0x4  }
0x358: {  	[tilespmem:v11+s0+$0x0] =	vst.idx.msk $0xffff, v9;
	v50 =	vmov v2;
	v11 =	vadd.s32 v2, v0;
	v2 =	vld [tilespmem:$0x1FEA0];
	_ =	sdelay $0x3  }
0x359: {  	v9 =	vld.idx.msk [tilespmem:v12+s20+$0x0], $0xffff  }
0x35a: {  	v51 =	vmov v2;
	v12 =	vor.u32 v2, v10;
	v2 =	vld [tilespmem:$0x1FEB0];
	_ =	sdelay $0x4  }
0x35b: {  	[tilespmem:v11+s0+$0x0] =	vst.idx.msk $0xffff, v9;
	v52 =	vmov v2;
	v11 =	vadd.s32 v2, v0;
	v2 =	vld [tilespmem:$0x1FEC0];
	_ =	sdelay $0x3  }
0x35c: {  	v9 =	vld.idx.msk [tilespmem:v12+s20+$0x0], $0xffff  }
0x35d: {  	v53 =	vmov v2;
	v12 =	vor.u32 v2, v10;
	v2 =	vld [tilespmem:$0x1FEE0];
	_ =	sdelay $0x4  }
0x35e: {  	[tilespmem:v11+s0+$0x0] =	vst.idx.msk $0xffff, v9;
	v55 =	vmov v2;
	v11 =	vadd.s32 v2, v0;
	v2 =	vld [tilespmem:$0x1FED0];
	_ =	sdelay $0x3  }
0x35f: {  	v9 =	vld.idx.msk [tilespmem:v12+s20+$0x0], $0xffff  }
0x360: {  	v54 =	vmov v2;
	v12 =	vor.u32 v2, v10;
	v2 =	vld [tilespmem:$0x1FEF0];
	_ =	sdelay $0x4  }
0x361: {  	[tilespmem:v11+s0+$0x0] =	vst.idx.msk $0xffff, v9;
	v56 =	vmov v2;
	v11 =	vadd.s32 v2, v0;
	v2 =	vld [tilespmem:$0x1FF00];
	_ =	sdelay $0x3  }
0x362: {  	v9 =	vld.idx.msk [tilespmem:v12+s20+$0x0], $0xffff  }
0x363: {  	v57 =	vmov v2;
	v12 =	vor.u32 v2, v10;
	v2 =	vld [tilespmem:$0x1FF10];
	_ =	sdelay $0x4  }
0x364: {  	[tilespmem:v11+s0+$0x0] =	vst.idx.msk $0xffff, v9;
	v58 =	vmov v2;
	v11 =	vadd.s32 v2, v0;
	v2 =	vld [tilespmem:$0x1FF20];
	_ =	sdelay $0x3  }
0x365: {  	v9 =	vld.idx.msk [tilespmem:v12+s20+$0x0], $0xffff  }
0x366: {  	v59 =	vmov v2;
	v12 =	vor.u32 v2, v10;
	v2 =	vld [tilespmem:$0x1FF30];
	_ =	sdelay $0x4  }
0x367: {  	[tilespmem:v11+s0+$0x0] =	vst.idx.msk $0xffff, v9;
	v8 =	vmov v2;
	v11 =	vadd.s32 v2, v0;
	v2 =	vld [tilespmem:$0x1FF40];
	_ =	sdelay $0x3  }
0x368: {  	v9 =	vld.idx.msk [tilespmem:v12+s20+$0x0], $0xffff  }
0x369: {  	v7 =	vmov v2;
	v12 =	vor.u32 v2, v10;
	v2 =	vld [tilespmem:$0x1FF50];
	_ =	sdelay $0x4  }
0x36a: {  	[tilespmem:v11+s0+$0x0] =	vst.idx.msk $0xffff, v9;
	v62 =	vmov v2;
	v11 =	vadd.s32 v2, v0;
	v2 =	vld [tilespmem:$0x1FF60];
	_ =	sdelay $0x3  }
0x36b: {  	v9 =	vld.idx.msk [tilespmem:v12+s20+$0x0], $0xffff  }
0x36c: {  	v4 =	vld [tilespmem:$0x1FF70];
	v12 =	vor.u32 v2, v10  }
0x36d: {  	v5 =	vld [tilespmem:$0x1FF80];
	_ =	sdelay $0x2  }
0x36e: {  	[tilespmem:v11+s0+$0x0] =	vst.idx.msk $0xffff, v9  }
0x36f: {  	v9 =	vld.idx.msk [tilespmem:v12+s20+$0x0], $0xffff  }
0x370: {  	v6 =	vmovc v2;
	v2 =	vmovc v4;
	v11 =	vadd.s32 v4, v0;
	v4 =	vmov v5;
	v12 =	vor.u32 v5, v10;
	v5 =	vld [tilespmem:$0x1FF90];
	_ =	sdelay $0x4  }
0x371: {  	[tilespmem:v11+s0+$0x0] =	vst.idx.msk $0xffff, v9;
	v17 =	vmov v5;
	v11 =	vadd.s32 v5, v0;
	v5 =	vld [tilespmem:$0x1FFA0];
	_ =	sdelay $0x3  }
0x372: {  	v9 =	vld.idx.msk [tilespmem:v12+s20+$0x0], $0xffff  }
0x373: {  	v12 =	vor.u32 v5, v10;
	_ =	sdelay $0x3  }
0x374: {  	v13 =	vmov v5;
	v5 =	vld [tilespmem:$0x1FFB0];
	[tilespmem:v11+s0+$0x0] =	vst.idx.msk $0xffff, v9  }
0x375: {  	v9 =	vld.idx.msk [tilespmem:v12+s20+$0x0], $0xffff  }
0x376: {  	v12 =	vld [tilespmem:$0x1FFC0];
	_ =	sdelay $0x2  }
0x377: {  	v11 =	vadd.s32 v5, v0;
	_ =	sdelay $0x1  }
0x378: {  	v14 =	vmov v12;
	v12 =	vor.u32 v12, v10;
	_ =	sdelay $0x2  }
0x379: {  	[tilespmem:v11+s0+$0x0] =	vst.idx.msk $0xffff, v9;
	v11 =	vld [tilespmem:$0x1FFD0];
	_ =	sdelay $0x1  }
0x37a: {  	v9 =	vld.idx.msk [tilespmem:v12+s20+$0x0], $0xffff  }
0x37b: {  	v12 =	vld [tilespmem:$0x1FFE0];
	_ =	sdelay $0x1  }
0x37c: {  	v61 =	vmov v11;
	v11 =	vadd.s32 v11, v0;
	_ =	sdelay $0x2  }
0x37d: {  	v60 =	vmov v12;
	v12 =	vor.u32 v12, v10;
	_ =	sdelay $0x1  }
0x37e: {  	[tilespmem:v11+s0+$0x0] =	vst.idx.msk $0xffff, v9;
	v11 =	vld [tilespmem:$0x1FBC0];
	_ =	sdelay $0x2  }
0x37f: {  	v9 =	vld.idx.msk [tilespmem:v12+s20+$0x0], $0xffff  }
0x380: {  	v12 =	vld [tilespmem:$0x1FBD0]  }
0x381: {  	v11 =	vadd.s32 v11, v0;
	_ =	sdelay $0x3  }
0x382: {  	v12 =	vor.u32 v12, v10  }
0x383: {  	[tilespmem:v11+s0+$0x0] =	vst.idx.msk $0xffff, v9;
	v11 =	vld [tilespmem:$0x1FBE0];
	_ =	sdelay $0x3  }
0x384: {  	v9 =	vld.idx.msk [tilespmem:v12+s20+$0x0], $0xffff  }
0x385: {  	v11 =	vadd.s32 v11, v0;
	v12 =	vld [tilespmem:$0x1FBF0];
	_ =	sdelay $0x4  }
0x386: {  	v12 =	vor.u32 v12, v10;
	[tilespmem:v11+s0+$0x0] =	vst.idx.msk $0xffff, v9;
	v11 =	vld [tilespmem:$0x1FC00];
	_ =	sdelay $0x3  }
0x387: {  	v63 =	vmov v5;
	v5 =	vld [tilespmem:$0x1FBB0]  }
0x388: {  	v9 =	vld.idx.msk [tilespmem:v12+s20+$0x0], $0xffff;
	v11 =	vadd.s32 v11, v0;
	_ =	sdelay $0x3  }
0x389: {  	v19 =	vlaneseq.u32;
	s14 =	simm.s32 $0x1  }
0x38a: {  	s9 =	sor.u32 $0x100, s8;
	[tilespmem:v11+s0+$0x0] =	vst.idx.msk $0xffff, v9;
	v9 =	vor.u32 v5, v10;
	v10 =	vadd.s32 s14, v19;
	s14 =	simm.s32 $0x2  }
.LBB2_15:
0x38b: {  	_ =	sdelay $0x2  }
0x38c: {  	v10 =	vand.u32 $0xF, v10  }
0x38d: {  	v11 =	vld.idx.msk [tilespmem:v9+s20+$0x0], $0xffff;
	v12 =	vadd.s32 v1, v0;
	v19 =	vlaneseq.u32;
	v9 =	vshll.u32 v10, $0x7  }
0x38e: {  	v0 =	vmov v10;
	v10 =	vor.u32 v19, v9;
	_ =	sdelay $0x3  }
0x38f: {  	[tilespmem:v12+s0+$0x0] =	vst.idx.msk $0xffff, v11  }
0x390: {  	v11 =	vadd.s32 v15, v0;
	v10 =	vld.idx.msk [tilespmem:v10+s20+$0x0], $0xffff  }
0x391: {  	v12 =	vor.u32 v20, v9;
	_ =	sdelay $0x3  }
0x392: {  	[tilespmem:v11+s0+$0x0] =	vst.idx.msk $0xffff, v10  }
0x393: {  	v11 =	vadd.s32 v21, v0;
	v10 =	vld.idx.msk [tilespmem:v12+s20+$0x0], $0xffff  }
0x394: {  	v12 =	vor.u32 v34, v9;
	_ =	sdelay $0x3  }
0x395: {  	[tilespmem:v11+s0+$0x0] =	vst.idx.msk $0xffff, v10  }
0x396: {  	v11 =	vadd.s32 v3, v0;
	v10 =	vld.idx.msk [tilespmem:v12+s20+$0x0], $0xffff  }
0x397: {  	v12 =	vor.u32 v18, v9;
	_ =	sdelay $0x3  }
0x398: {  	[tilespmem:v11+s0+$0x0] =	vst.idx.msk $0xffff, v10  }
0x399: {  	v11 =	vadd.s32 v22, v0;
	v10 =	vld.idx.msk [tilespmem:v12+s20+$0x0], $0xffff  }
0x39a: {  	v12 =	vor.u32 v23, v9;
	_ =	sdelay $0x3  }
0x39b: {  	[tilespmem:v11+s0+$0x0] =	vst.idx.msk $0xffff, v10  }
0x39c: {  	v11 =	vadd.s32 v24, v0;
	v10 =	vld.idx.msk [tilespmem:v12+s20+$0x0], $0xffff  }
0x39d: {  	v12 =	vor.u32 v25, v9;
	_ =	sdelay $0x3  }
0x39e: {  	[tilespmem:v11+s0+$0x0] =	vst.idx.msk $0xffff, v10  }
0x39f: {  	v11 =	vadd.s32 v26, v0;
	v10 =	vld.idx.msk [tilespmem:v12+s20+$0x0], $0xffff  }
0x3a0: {  	v12 =	vor.u32 v27, v9;
	_ =	sdelay $0x3  }
0x3a1: {  	[tilespmem:v11+s0+$0x0] =	vst.idx.msk $0xffff, v10  }
0x3a2: {  	v11 =	vadd.s32 v28, v0;
	v10 =	vld.idx.msk [tilespmem:v12+s20+$0x0], $0xffff  }
0x3a3: {  	v12 =	vor.u32 v29, v9;
	_ =	sdelay $0x3  }
0x3a4: {  	[tilespmem:v11+s0+$0x0] =	vst.idx.msk $0xffff, v10  }
0x3a5: {  	v11 =	vadd.s32 v30, v0;
	v10 =	vld.idx.msk [tilespmem:v12+s20+$0x0], $0xffff  }
0x3a6: {  	v12 =	vor.u32 v31, v9;
	_ =	sdelay $0x3  }
0x3a7: {  	[tilespmem:v11+s0+$0x0] =	vst.idx.msk $0xffff, v10  }
0x3a8: {  	v11 =	vadd.s32 v32, v0;
	v10 =	vld.idx.msk [tilespmem:v12+s20+$0x0], $0xffff  }
0x3a9: {  	v12 =	vor.u32 v33, v9;
	_ =	sdelay $0x3  }
0x3aa: {  	[tilespmem:v11+s0+$0x0] =	vst.idx.msk $0xffff, v10  }
0x3ab: {  	v11 =	vadd.s32 v16, v0;
	v10 =	vld.idx.msk [tilespmem:v12+s20+$0x0], $0xffff  }
0x3ac: {  	v12 =	vor.u32 v35, v9;
	_ =	sdelay $0x3  }
0x3ad: {  	[tilespmem:v11+s0+$0x0] =	vst.idx.msk $0xffff, v10  }
0x3ae: {  	v11 =	vadd.s32 v36, v0;
	v10 =	vld.idx.msk [tilespmem:v12+s20+$0x0], $0xffff  }
0x3af: {  	v12 =	vor.u32 v37, v9;
	_ =	sdelay $0x3  }
0x3b0: {  	[tilespmem:v11+s0+$0x0] =	vst.idx.msk $0xffff, v10  }
0x3b1: {  	v11 =	vadd.s32 v38, v0;
	v10 =	vld.idx.msk [tilespmem:v12+s20+$0x0], $0xffff  }
0x3b2: {  	v12 =	vor.u32 v39, v9;
	_ =	sdelay $0x3  }
0x3b3: {  	[tilespmem:v11+s0+$0x0] =	vst.idx.msk $0xffff, v10  }
0x3b4: {  	v11 =	vadd.s32 v40, v0;
	v10 =	vld.idx.msk [tilespmem:v12+s20+$0x0], $0xffff  }
0x3b5: {  	v12 =	vor.u32 v41, v9;
	_ =	sdelay $0x3  }
0x3b6: {  	[tilespmem:v11+s0+$0x0] =	vst.idx.msk $0xffff, v10  }
0x3b7: {  	v11 =	vadd.s32 v42, v0;
	v10 =	vld.idx.msk [tilespmem:v12+s20+$0x0], $0xffff  }
0x3b8: {  	v12 =	vor.u32 v43, v9;
	_ =	sdelay $0x3  }
0x3b9: {  	[tilespmem:v11+s0+$0x0] =	vst.idx.msk $0xffff, v10  }
0x3ba: {  	v11 =	vadd.s32 v44, v0;
	v10 =	vld.idx.msk [tilespmem:v12+s20+$0x0], $0xffff  }
0x3bb: {  	v12 =	vor.u32 v45, v9;
	_ =	sdelay $0x3  }
0x3bc: {  	[tilespmem:v11+s0+$0x0] =	vst.idx.msk $0xffff, v10  }
0x3bd: {  	v11 =	vadd.s32 v46, v0;
	v10 =	vld.idx.msk [tilespmem:v12+s20+$0x0], $0xffff  }
0x3be: {  	v12 =	vor.u32 v47, v9;
	_ =	sdelay $0x3  }
0x3bf: {  	[tilespmem:v11+s0+$0x0] =	vst.idx.msk $0xffff, v10  }
0x3c0: {  	v11 =	vadd.s32 v48, v0;
	v10 =	vld.idx.msk [tilespmem:v12+s20+$0x0], $0xffff  }
0x3c1: {  	v12 =	vor.u32 v49, v9;
	_ =	sdelay $0x3  }
0x3c2: {  	[tilespmem:v11+s0+$0x0] =	vst.idx.msk $0xffff, v10  }
0x3c3: {  	v11 =	vadd.s32 v50, v0;
	v10 =	vld.idx.msk [tilespmem:v12+s20+$0x0], $0xffff  }
0x3c4: {  	v12 =	vor.u32 v51, v9;
	_ =	sdelay $0x3  }
0x3c5: {  	[tilespmem:v11+s0+$0x0] =	vst.idx.msk $0xffff, v10  }
0x3c6: {  	v11 =	vadd.s32 v52, v0;
	v10 =	vld.idx.msk [tilespmem:v12+s20+$0x0], $0xffff  }
0x3c7: {  	v12 =	vor.u32 v53, v9;
	_ =	sdelay $0x3  }
0x3c8: {  	[tilespmem:v11+s0+$0x0] =	vst.idx.msk $0xffff, v10  }
0x3c9: {  	v11 =	vadd.s32 v55, v0;
	v10 =	vld.idx.msk [tilespmem:v12+s20+$0x0], $0xffff  }
0x3ca: {  	v12 =	vor.u32 v54, v9;
	_ =	sdelay $0x3  }
0x3cb: {  	[tilespmem:v11+s0+$0x0] =	vst.idx.msk $0xffff, v10  }
0x3cc: {  	v11 =	vadd.s32 v56, v0;
	v10 =	vld.idx.msk [tilespmem:v12+s20+$0x0], $0xffff  }
0x3cd: {  	v12 =	vor.u32 v57, v9;
	_ =	sdelay $0x3  }
0x3ce: {  	[tilespmem:v11+s0+$0x0] =	vst.idx.msk $0xffff, v10  }
0x3cf: {  	v11 =	vadd.s32 v58, v0;
	v10 =	vld.idx.msk [tilespmem:v12+s20+$0x0], $0xffff  }
0x3d0: {  	v12 =	vor.u32 v59, v9;
	_ =	sdelay $0x3  }
0x3d1: {  	[tilespmem:v11+s0+$0x0] =	vst.idx.msk $0xffff, v10  }
0x3d2: {  	v11 =	vadd.s32 v8, v0;
	v10 =	vld.idx.msk [tilespmem:v12+s20+$0x0], $0xffff  }
0x3d3: {  	v12 =	vor.u32 v7, v9;
	_ =	sdelay $0x3  }
0x3d4: {  	[tilespmem:v11+s0+$0x0] =	vst.idx.msk $0xffff, v10  }
0x3d5: {  	v11 =	vadd.s32 v62, v0;
	v10 =	vld.idx.msk [tilespmem:v12+s20+$0x0], $0xffff  }
0x3d6: {  	v12 =	vor.u32 v6, v9;
	_ =	sdelay $0x3  }
0x3d7: {  	[tilespmem:v11+s0+$0x0] =	vst.idx.msk $0xffff, v10  }
0x3d8: {  	v11 =	vadd.s32 v2, v0;
	v10 =	vld.idx.msk [tilespmem:v12+s20+$0x0], $0xffff  }
0x3d9: {  	v12 =	vor.u32 v4, v9;
	_ =	sdelay $0x3  }
0x3da: {  	[tilespmem:v11+s0+$0x0] =	vst.idx.msk $0xffff, v10  }
0x3db: {  	v11 =	vadd.s32 v17, v0;
	v10 =	vld.idx.msk [tilespmem:v12+s20+$0x0], $0xffff  }
0x3dc: {  	v12 =	vor.u32 v13, v9;
	_ =	sdelay $0x3  }
0x3dd: {  	[tilespmem:v11+s0+$0x0] =	vst.idx.msk $0xffff, v10  }
0x3de: {  	v11 =	vadd.s32 v63, v0;
	v10 =	vld.idx.msk [tilespmem:v12+s20+$0x0], $0xffff  }
0x3df: {  	v12 =	vor.u32 v14, v9;
	_ =	sdelay $0x3  }
0x3e0: {  	v5 =	vld [tilespmem:$0x1FBC0];
	[tilespmem:v11+s0+$0x0] =	vst.idx.msk $0xffff, v10  }
0x3e1: {  	v11 =	vadd.s32 v61, v0;
	v10 =	vld.idx.msk [tilespmem:v12+s20+$0x0], $0xffff  }
0x3e2: {  	v12 =	vor.u32 v60, v9;
	_ =	sdelay $0x3  }
0x3e3: {  	[tilespmem:v11+s0+$0x0] =	vst.idx.msk $0xffff, v10;
	v11 =	vadd.s32 v5, v0;
	v5 =	vld [tilespmem:$0x1FBD0]  }
0x3e4: {  	v10 =	vld.idx.msk [tilespmem:v12+s20+$0x0], $0xffff;
	_ =	sdelay $0x3  }
0x3e5: {  	v12 =	vor.u32 v5, v9  }
0x3e6: {  	[tilespmem:v11+s0+$0x0] =	vst.idx.msk $0xffff, v10;
	v11 =	vld [tilespmem:$0x1FBE0];
	_ =	sdelay $0x3  }
0x3e7: {  	v10 =	vld.idx.msk [tilespmem:v12+s20+$0x0], $0xffff  }
0x3e8: {  	v12 =	vld [tilespmem:$0x1FBF0];
	v11 =	vadd.s32 v11, v0;
	_ =	sdelay $0x4  }
0x3e9: {  	v12 =	vor.u32 v12, v9;
	[tilespmem:v11+s0+$0x0] =	vst.idx.msk $0xffff, v10;
	v10 =	vld [tilespmem:$0x1FC00];
	_ =	sdelay $0x3  }
0x3ea: {  	v5 =	vld [tilespmem:$0x1FBB0]  }
0x3eb: {  	p2 =	sne.s32 s14, $0xF;
	v11 =	vld.idx.msk [tilespmem:v12+s20+$0x0], $0xffff;
	v12 =	vadd.s32 v10, v0  }
.Ltmp10:
0x3ec: {  	_ = 	snop;
	(pc) =	sbr.rel @p2 .LBB2_15-.Ltmp10, $2  }
0x3ed: {  	_ =	sdelay $0x2  }
0x3ee: {  	v9 =	vor.u32 v5, v9;
	v5 =	vlaneseq.u32;
	v10 =	vadd.s32 s14, v19;
	s14 =	sadd.s32 $0x1, s14;
	[tilespmem:v12+s0+$0x0] =	vst.idx.msk $0xffff, v11  }
0x3ef: {  	_ =	sdelay $0x2  }
0x3f0: {  	v12 =	vand.u32 $0xF, v10  }
0x3f1: {  	v9 =	vld.idx.msk [tilespmem:v9+s20+$0x0], $0xffff;
	v0 =	vadd.s32 v1, v0;
	v10 =	vshll.u32 v12, $0x7  }
0x3f2: {  	v11 =	vor.u32 v5, v10;
	_ =	sdelay $0x3  }
0x3f3: {  	[tilespmem:v0+s0+$0x0] =	vst.idx.msk $0xffff, v9  }
0x3f4: {  	v9 =	vadd.s32 v15, v12;
	v0 =	vld.idx.msk [tilespmem:v11+s20+$0x0], $0xffff  }
0x3f5: {  	v11 =	vor.u32 v20, v10;
	_ =	sdelay $0x3  }
0x3f6: {  	[tilespmem:v9+s0+$0x0] =	vst.idx.msk $0xffff, v0  }
0x3f7: {  	v9 =	vadd.s32 v21, v12;
	v0 =	vld.idx.msk [tilespmem:v11+s20+$0x0], $0xffff  }
0x3f8: {  	v11 =	vor.u32 v34, v10;
	_ =	sdelay $0x3  }
0x3f9: {  	[tilespmem:v9+s0+$0x0] =	vst.idx.msk $0xffff, v0  }
0x3fa: {  	v9 =	vadd.s32 v3, v12;
	v0 =	vld.idx.msk [tilespmem:v11+s20+$0x0], $0xffff  }
0x3fb: {  	v11 =	vor.u32 v18, v10;
	_ =	sdelay $0x3  }
0x3fc: {  	[tilespmem:v9+s0+$0x0] =	vst.idx.msk $0xffff, v0  }
0x3fd: {  	v9 =	vadd.s32 v22, v12;
	v0 =	vld.idx.msk [tilespmem:v11+s20+$0x0], $0xffff  }
0x3fe: {  	v11 =	vor.u32 v23, v10;
	_ =	sdelay $0x3  }
0x3ff: {  	[tilespmem:v9+s0+$0x0] =	vst.idx.msk $0xffff, v0  }
0x400: {  	v9 =	vadd.s32 v24, v12;
	v0 =	vld.idx.msk [tilespmem:v11+s20+$0x0], $0xffff  }
0x401: {  	v11 =	vor.u32 v25, v10;
	_ =	sdelay $0x3  }
0x402: {  	[tilespmem:v9+s0+$0x0] =	vst.idx.msk $0xffff, v0  }
0x403: {  	v9 =	vadd.s32 v26, v12;
	v0 =	vld.idx.msk [tilespmem:v11+s20+$0x0], $0xffff  }
0x404: {  	v11 =	vor.u32 v27, v10;
	_ =	sdelay $0x3  }
0x405: {  	[tilespmem:v9+s0+$0x0] =	vst.idx.msk $0xffff, v0  }
0x406: {  	v9 =	vadd.s32 v28, v12;
	v0 =	vld.idx.msk [tilespmem:v11+s20+$0x0], $0xffff  }
0x407: {  	v11 =	vor.u32 v29, v10;
	_ =	sdelay $0x3  }
0x408: {  	[tilespmem:v9+s0+$0x0] =	vst.idx.msk $0xffff, v0  }
0x409: {  	v9 =	vadd.s32 v30, v12;
	v0 =	vld.idx.msk [tilespmem:v11+s20+$0x0], $0xffff  }
0x40a: {  	v11 =	vor.u32 v31, v10;
	_ =	sdelay $0x3  }
0x40b: {  	[tilespmem:v9+s0+$0x0] =	vst.idx.msk $0xffff, v0  }
0x40c: {  	v9 =	vadd.s32 v32, v12;
	v0 =	vld.idx.msk [tilespmem:v11+s20+$0x0], $0xffff  }
0x40d: {  	v11 =	vor.u32 v33, v10;
	_ =	sdelay $0x3  }
0x40e: {  	[tilespmem:v9+s0+$0x0] =	vst.idx.msk $0xffff, v0  }
0x40f: {  	v9 =	vadd.s32 v16, v12;
	v0 =	vld.idx.msk [tilespmem:v11+s20+$0x0], $0xffff  }
0x410: {  	v11 =	vor.u32 v35, v10;
	_ =	sdelay $0x3  }
0x411: {  	[tilespmem:v9+s0+$0x0] =	vst.idx.msk $0xffff, v0  }
0x412: {  	v9 =	vadd.s32 v36, v12;
	v0 =	vld.idx.msk [tilespmem:v11+s20+$0x0], $0xffff  }
0x413: {  	v11 =	vor.u32 v37, v10;
	_ =	sdelay $0x3  }
0x414: {  	[tilespmem:v9+s0+$0x0] =	vst.idx.msk $0xffff, v0  }
0x415: {  	v9 =	vadd.s32 v38, v12;
	v0 =	vld.idx.msk [tilespmem:v11+s20+$0x0], $0xffff  }
0x416: {  	v11 =	vor.u32 v39, v10;
	_ =	sdelay $0x3  }
0x417: {  	[tilespmem:v9+s0+$0x0] =	vst.idx.msk $0xffff, v0  }
0x418: {  	v9 =	vadd.s32 v40, v12;
	v0 =	vld.idx.msk [tilespmem:v11+s20+$0x0], $0xffff  }
0x419: {  	v11 =	vor.u32 v41, v10;
	_ =	sdelay $0x3  }
0x41a: {  	[tilespmem:v9+s0+$0x0] =	vst.idx.msk $0xffff, v0  }
0x41b: {  	v9 =	vadd.s32 v42, v12;
	v0 =	vld.idx.msk [tilespmem:v11+s20+$0x0], $0xffff  }
0x41c: {  	v11 =	vor.u32 v43, v10;
	_ =	sdelay $0x3  }
0x41d: {  	[tilespmem:v9+s0+$0x0] =	vst.idx.msk $0xffff, v0  }
0x41e: {  	v9 =	vadd.s32 v44, v12;
	v0 =	vld.idx.msk [tilespmem:v11+s20+$0x0], $0xffff  }
0x41f: {  	v11 =	vor.u32 v45, v10;
	_ =	sdelay $0x3  }
0x420: {  	[tilespmem:v9+s0+$0x0] =	vst.idx.msk $0xffff, v0  }
0x421: {  	v9 =	vadd.s32 v46, v12;
	v0 =	vld.idx.msk [tilespmem:v11+s20+$0x0], $0xffff  }
0x422: {  	v11 =	vor.u32 v47, v10;
	_ =	sdelay $0x3  }
0x423: {  	[tilespmem:v9+s0+$0x0] =	vst.idx.msk $0xffff, v0  }
0x424: {  	v9 =	vadd.s32 v48, v12;
	v0 =	vld.idx.msk [tilespmem:v11+s20+$0x0], $0xffff  }
0x425: {  	v11 =	vor.u32 v49, v10;
	_ =	sdelay $0x3  }
0x426: {  	[tilespmem:v9+s0+$0x0] =	vst.idx.msk $0xffff, v0  }
0x427: {  	v9 =	vadd.s32 v50, v12;
	v0 =	vld.idx.msk [tilespmem:v11+s20+$0x0], $0xffff  }
0x428: {  	v11 =	vor.u32 v51, v10;
	_ =	sdelay $0x3  }
0x429: {  	[tilespmem:v9+s0+$0x0] =	vst.idx.msk $0xffff, v0  }
0x42a: {  	v9 =	vadd.s32 v52, v12;
	v0 =	vld.idx.msk [tilespmem:v11+s20+$0x0], $0xffff  }
0x42b: {  	v11 =	vor.u32 v53, v10;
	_ =	sdelay $0x3  }
0x42c: {  	[tilespmem:v9+s0+$0x0] =	vst.idx.msk $0xffff, v0  }
0x42d: {  	v9 =	vadd.s32 v55, v12;
	v0 =	vld.idx.msk [tilespmem:v11+s20+$0x0], $0xffff  }
0x42e: {  	v11 =	vor.u32 v54, v10;
	_ =	sdelay $0x3  }
0x42f: {  	[tilespmem:v9+s0+$0x0] =	vst.idx.msk $0xffff, v0  }
0x430: {  	v9 =	vadd.s32 v56, v12;
	v0 =	vld.idx.msk [tilespmem:v11+s20+$0x0], $0xffff  }
0x431: {  	v11 =	vor.u32 v57, v10;
	_ =	sdelay $0x3  }
0x432: {  	[tilespmem:v9+s0+$0x0] =	vst.idx.msk $0xffff, v0  }
0x433: {  	v9 =	vadd.s32 v58, v12;
	v0 =	vld.idx.msk [tilespmem:v11+s20+$0x0], $0xffff  }
0x434: {  	v11 =	vor.u32 v59, v10;
	_ =	sdelay $0x3  }
0x435: {  	[tilespmem:v9+s0+$0x0] =	vst.idx.msk $0xffff, v0  }
0x436: {  	v9 =	vadd.s32 v8, v12;
	v0 =	vld.idx.msk [tilespmem:v11+s20+$0x0], $0xffff  }
0x437: {  	v11 =	vor.u32 v7, v10;
	_ =	sdelay $0x3  }
0x438: {  	[tilespmem:v9+s0+$0x0] =	vst.idx.msk $0xffff, v0  }
0x439: {  	v9 =	vadd.s32 v62, v12;
	v0 =	vld.idx.msk [tilespmem:v11+s20+$0x0], $0xffff  }
0x43a: {  	v11 =	vor.u32 v6, v10;
	_ =	sdelay $0x3  }
0x43b: {  	[tilespmem:v9+s0+$0x0] =	vst.idx.msk $0xffff, v0  }
0x43c: {  	v9 =	vadd.s32 v2, v12;
	v0 =	vld.idx.msk [tilespmem:v11+s20+$0x0], $0xffff  }
0x43d: {  	v11 =	vor.u32 v4, v10;
	_ =	sdelay $0x3  }
0x43e: {  	[tilespmem:v9+s0+$0x0] =	vst.idx.msk $0xffff, v0  }
0x43f: {  	v9 =	vadd.s32 v17, v12;
	v0 =	vld.idx.msk [tilespmem:v11+s20+$0x0], $0xffff  }
0x440: {  	v11 =	vor.u32 v13, v10;
	_ =	sdelay $0x3  }
0x441: {  	[tilespmem:v9+s0+$0x0] =	vst.idx.msk $0xffff, v0  }
0x442: {  	v9 =	vadd.s32 v63, v12;
	v0 =	vld.idx.msk [tilespmem:v11+s20+$0x0], $0xffff  }
0x443: {  	v11 =	vor.u32 v14, v10;
	_ =	sdelay $0x3  }
0x444: {  	v2 =	vld [tilespmem:$0x1FBC0];
	[tilespmem:v9+s0+$0x0] =	vst.idx.msk $0xffff, v0  }
0x445: {  	v9 =	vadd.s32 v61, v12;
	v0 =	vld.idx.msk [tilespmem:v11+s20+$0x0], $0xffff;
	_ =	sdelay $0x3  }
0x446: {  	v11 =	vor.u32 v60, v10  }
0x447: {  	[tilespmem:v9+s0+$0x0] =	vst.idx.msk $0xffff, v0;
	v9 =	vadd.s32 v2, v12;
	v2 =	vld [tilespmem:$0x1FBD0];
	_ =	sdelay $0x3  }
0x448: {  	v0 =	vld.idx.msk [tilespmem:v11+s20+$0x0], $0xffff  }
0x449: {  	v11 =	vor.u32 v2, v10;
	v2 =	vld [tilespmem:$0x1FBE0];
	_ =	sdelay $0x4  }
0x44a: {  	[tilespmem:v9+s0+$0x0] =	vst.idx.msk $0xffff, v0;
	v9 =	vadd.s32 v2, v12;
	v2 =	vld [tilespmem:$0x1FBF0];
	_ =	sdelay $0x3  }
0x44b: {  	v0 =	vld.idx.msk [tilespmem:v11+s20+$0x0], $0xffff  }
0x44c: {  	v11 =	vor.u32 v2, v10;
	v2 =	vld [tilespmem:$0x1FC00];
	_ =	sdelay $0x4  }
0x44d: {  	[tilespmem:v9+s0+$0x0] =	vst.idx.msk $0xffff, v0;
	v9 =	vadd.s32 v2, v12;
	v2 =	vld [tilespmem:$0x1FBB0];
	_ =	sdelay $0x3  }
0x44e: {  	v0 =	vld.idx.msk [tilespmem:v11+s20+$0x0], $0xffff  }
0x44f: {  	v10 =	vor.u32 v2, v10;
	_ =	sdelay $0x3  }
0x450: {  	[tilespmem:v9+s0+$0x0] =	vst.idx.msk $0xffff, v0  }
0x451: {  	v9 =	vadd.s32 v1, v12;
	v0 =	vld.idx.msk [tilespmem:v10+s20+$0x0], $0xffff;
	_ =	sdelay $0x1  }
.Ltmp11:
0x452: {  	_ = 	snop;
	(pc) =	sbr.rel @p1 .LBB2_18-.Ltmp11, $3  }
0x453: {  	_ =	sdelay $0x1  }
0x454: {  	[tilespmem:v9+s0+$0x0] =	vst.idx.msk $0xffff, v0  }
0x455: {  	v11 =	vlaneseq.u32;
	[hbm4b:s3+s25] =	stream.indirect.scatter [tilespmem:s0], [sflag:$0x8], $0x80, s9, s25, $0xb8;
	[tilespmem:$0x1C000] =	vst v63  }
.Ltmp12:
0x456: {  	(pc) =	sbr.rel .LBB2_19-.Ltmp12, $4  }
0x457: {  	_ = 	snop  }
0x458: {  	_ =	swait.ge [sflag:s2], $0x2000  }
0x459: {  	[sflag:s2] =	ssyncset.done $0x0  }
0x45a: {  	v9 =	vld [tilespmem:$0x1FFF0];
	[sflag:s2] =	ssyncadd.s32 $0xFFFFE000  }
.LBB2_18:
.Ltmp13:
0x45b: {  	s9 =	sadd.s32 s8, s12;
	(pc) =	sbr.rel @p0 .LBB2_20-.Ltmp13, $4  }
0x45c: {  	[tilespmem:s20], [sflag:$0x4] =	stream.strided.gather [hbm4b:s9+s16], $0x2000, s17, s16, $0x38;
	[tilespmem:$0x1C000] =	vst v63  }
0x45d: {  	_ =	swait.ge [sflag:s2], $0x2000  }
0x45e: {  	[sflag:s2] =	ssyncset.done $0x0  }
0x45f: {  	v9 =	vld [tilespmem:$0x1FFF0];
	[sflag:s2] =	ssyncadd.s32 $0xFFFFE000  }
.LBB2_19:
0x460: {  	_ =	swait.ge [sflag:s15], $0x4000  }
0x461: {  	[sflag:s15] =	ssyncset.done $0x0  }
0x462: {  	[sflag:s15] =	ssyncadd.s32 $0xFFFFC000  }
.LBB2_20:
0x463: {  	_ =	sdelay $0x2  }
0x464: {  	v0 =	vld [tilespmem:s8+$0x2180];
	_ =	sdelay $0x4  }
0x465: {  	[tilespmem:v9+s1+$0x0] =	vst.idx.msk $0xffff, v0;
	v9 =	vld [tilespmem:$0x1FC10];
	_ =	sdelay $0x2  }
0x466: {  	v0 =	vld [tilespmem:s8+$0x2190];
	_ =	sdelay $0x4  }
0x467: {  	[tilespmem:v9+s1+$0x0] =	vst.idx.msk $0xffff, v0;
	v9 =	vld [tilespmem:$0x1FC20];
	_ =	sdelay $0x2  }
0x468: {  	v0 =	vld [tilespmem:s8+$0x21A0];
	_ =	sdelay $0x4  }
0x469: {  	[tilespmem:v9+s1+$0x0] =	vst.idx.msk $0xffff, v0;
	v9 =	vld [tilespmem:$0x1FC30];
	_ =	sdelay $0x2  }
0x46a: {  	v0 =	vld [tilespmem:s8+$0x21B0];
	_ =	sdelay $0x4  }
0x46b: {  	[tilespmem:v9+s1+$0x0] =	vst.idx.msk $0xffff, v0;
	v9 =	vld [tilespmem:$0x1FC40];
	_ =	sdelay $0x2  }
0x46c: {  	v0 =	vld [tilespmem:s8+$0x21C0];
	_ =	sdelay $0x4  }
0x46d: {  	[tilespmem:v9+s1+$0x0] =	vst.idx.msk $0xffff, v0;
	v9 =	vld [tilespmem:$0x1FC50];
	_ =	sdelay $0x2  }
0x46e: {  	v0 =	vld [tilespmem:s8+$0x21D0];
	_ =	sdelay $0x2  }
0x46f: {  	v10 =	vld [tilespmem:$0x1FC60];
	_ =	sdelay $0x1  }
0x470: {  	[tilespmem:v9+s1+$0x0] =	vst.idx.msk $0xffff, v0  }
0x471: {  	v0 =	vld [tilespmem:s8+$0x21E0];
	_ =	sdelay $0x2  }
0x472: {  	s9 =	simm.s32 $0x0;
	v12 =	vld [tilespmem:$0x1FC70]  }
0x473: {  	v9 =	vadd.s32 s9, v11  }
0x474: {  	v2 =	vld [tilespmem:$0x1FC80];
	[tilespmem:v10+s1+$0x0] =	vst.idx.msk $0xffff, v0;
	v0 =	vand.u32 $0xF, v9  }
0x475: {  	v9 =	vld [tilespmem:s8+$0x21F0];
	v10 =	vshll.u32 v0, $0x7  }
0x476: {  	v11 =	vor.u32 v11, v10;
	_ =	sdelay $0x3  }
0x477: {  	v21 =	vmov v2;
	[tilespmem:v12+s1+$0x0] =	vst.idx.msk $0xffff, v9;
	v12 =	vor.u32 v2, v10;
	v2 =	vld [tilespmem:$0x1FC90]  }
0x478: {  	v9 =	vld.idx.msk [tilespmem:v11+s21+$0x0], $0xffff;
	v11 =	vadd.s32 v15, v0;
	_ =	sdelay $0x4  }
0x479: {  	v13 =	vmov v2;
	[tilespmem:v11+s1+$0x0] =	vst.idx.msk $0xffff, v9;
	v11 =	vadd.s32 v2, v0;
	v2 =	vld [tilespmem:$0x1FCA0];
	_ =	sdelay $0x3  }
0x47a: {  	v9 =	vld.idx.msk [tilespmem:v12+s21+$0x0], $0xffff  }
0x47b: {  	v23 =	vmov v2;
	v12 =	vor.u32 v2, v10;
	v2 =	vld [tilespmem:$0x1FCB0];
	_ =	sdelay $0x4  }
0x47c: {  	[tilespmem:v11+s1+$0x0] =	vst.idx.msk $0xffff, v9;
	v22 =	vmov v2;
	v11 =	vadd.s32 v2, v0;
	v2 =	vld [tilespmem:$0x1FCC0];
	_ =	sdelay $0x3  }
0x47d: {  	v9 =	vld.idx.msk [tilespmem:v12+s21+$0x0], $0xffff  }
0x47e: {  	v25 =	vmov v2;
	v12 =	vor.u32 v2, v10;
	v2 =	vld [tilespmem:$0x1FCD0];
	_ =	sdelay $0x4  }
0x47f: {  	[tilespmem:v11+s1+$0x0] =	vst.idx.msk $0xffff, v9;
	v24 =	vmov v2;
	v11 =	vadd.s32 v2, v0;
	v2 =	vld [tilespmem:$0x1FCE0];
	_ =	sdelay $0x3  }
0x480: {  	v9 =	vld.idx.msk [tilespmem:v12+s21+$0x0], $0xffff  }
0x481: {  	v27 =	vmov v2;
	v12 =	vor.u32 v2, v10;
	v2 =	vld [tilespmem:$0x1FCF0];
	_ =	sdelay $0x4  }
0x482: {  	[tilespmem:v11+s1+$0x0] =	vst.idx.msk $0xffff, v9;
	v26 =	vmov v2;
	v11 =	vadd.s32 v2, v0;
	v2 =	vld [tilespmem:$0x1FD00];
	_ =	sdelay $0x3  }
0x483: {  	v9 =	vld.idx.msk [tilespmem:v12+s21+$0x0], $0xffff  }
0x484: {  	v29 =	vmov v2;
	v12 =	vor.u32 v2, v10;
	v2 =	vld [tilespmem:$0x1FD10];
	_ =	sdelay $0x4  }
0x485: {  	[tilespmem:v11+s1+$0x0] =	vst.idx.msk $0xffff, v9;
	v28 =	vmov v2;
	v11 =	vadd.s32 v2, v0;
	v2 =	vld [tilespmem:$0x1FD20];
	_ =	sdelay $0x3  }
0x486: {  	v9 =	vld.idx.msk [tilespmem:v12+s21+$0x0], $0xffff  }
0x487: {  	v31 =	vmov v2;
	v12 =	vor.u32 v2, v10;
	v2 =	vld [tilespmem:$0x1FD30];
	_ =	sdelay $0x4  }
0x488: {  	[tilespmem:v11+s1+$0x0] =	vst.idx.msk $0xffff, v9;
	v30 =	vmov v2;
	v11 =	vadd.s32 v2, v0;
	v2 =	vld [tilespmem:$0x1FD40];
	_ =	sdelay $0x3  }
0x489: {  	v9 =	vld.idx.msk [tilespmem:v12+s21+$0x0], $0xffff  }
0x48a: {  	v33 =	vmov v2;
	v12 =	vor.u32 v2, v10;
	v2 =	vld [tilespmem:$0x1FD50];
	_ =	sdelay $0x4  }
0x48b: {  	[tilespmem:v11+s1+$0x0] =	vst.idx.msk $0xffff, v9;
	v32 =	vmov v2;
	v11 =	vadd.s32 v2, v0;
	v2 =	vld [tilespmem:$0x1FD60];
	_ =	sdelay $0x3  }
0x48c: {  	v9 =	vld.idx.msk [tilespmem:v12+s21+$0x0], $0xffff  }
0x48d: {  	v35 =	vmov v2;
	v12 =	vor.u32 v2, v10;
	v2 =	vld [tilespmem:$0x1FD70];
	_ =	sdelay $0x4  }
0x48e: {  	[tilespmem:v11+s1+$0x0] =	vst.idx.msk $0xffff, v9;
	v34 =	vmov v2;
	v11 =	vadd.s32 v2, v0;
	v2 =	vld [tilespmem:$0x1FD80];
	_ =	sdelay $0x3  }
0x48f: {  	v9 =	vld.idx.msk [tilespmem:v12+s21+$0x0], $0xffff  }
0x490: {  	v37 =	vmov v2;
	v12 =	vor.u32 v2, v10;
	v2 =	vld [tilespmem:$0x1FD90];
	_ =	sdelay $0x4  }
0x491: {  	[tilespmem:v11+s1+$0x0] =	vst.idx.msk $0xffff, v9;
	v36 =	vmov v2;
	v11 =	vadd.s32 v2, v0;
	v2 =	vld [tilespmem:$0x1FDA0];
	_ =	sdelay $0x3  }
0x492: {  	v9 =	vld.idx.msk [tilespmem:v12+s21+$0x0], $0xffff  }
0x493: {  	v39 =	vmov v2;
	v12 =	vor.u32 v2, v10;
	v2 =	vld [tilespmem:$0x1FDB0];
	_ =	sdelay $0x4  }
0x494: {  	[tilespmem:v11+s1+$0x0] =	vst.idx.msk $0xffff, v9;
	v38 =	vmov v2;
	v11 =	vadd.s32 v2, v0;
	v2 =	vld [tilespmem:$0x1FDC0];
	_ =	sdelay $0x3  }
0x495: {  	v9 =	vld.idx.msk [tilespmem:v12+s21+$0x0], $0xffff  }
0x496: {  	v41 =	vmov v2;
	v12 =	vor.u32 v2, v10;
	v2 =	vld [tilespmem:$0x1FDD0];
	_ =	sdelay $0x4  }
0x497: {  	[tilespmem:v11+s1+$0x0] =	vst.idx.msk $0xffff, v9;
	v40 =	vmov v2;
	v11 =	vadd.s32 v2, v0;
	v2 =	vld [tilespmem:$0x1FDE0];
	_ =	sdelay $0x3  }
0x498: {  	v9 =	vld.idx.msk [tilespmem:v12+s21+$0x0], $0xffff  }
0x499: {  	v43 =	vmov v2;
	v12 =	vor.u32 v2, v10;
	v2 =	vld [tilespmem:$0x1FDF0];
	_ =	sdelay $0x4  }
0x49a: {  	[tilespmem:v11+s1+$0x0] =	vst.idx.msk $0xffff, v9;
	v42 =	vmov v2;
	v11 =	vadd.s32 v2, v0;
	v2 =	vld [tilespmem:$0x1FE00];
	_ =	sdelay $0x3  }
0x49b: {  	v9 =	vld.idx.msk [tilespmem:v12+s21+$0x0], $0xffff  }
0x49c: {  	v45 =	vmov v2;
	v12 =	vor.u32 v2, v10;
	v2 =	vld [tilespmem:$0x1FE10];
	_ =	sdelay $0x4  }
0x49d: {  	[tilespmem:v11+s1+$0x0] =	vst.idx.msk $0xffff, v9;
	v44 =	vmov v2;
	v11 =	vadd.s32 v2, v0;
	v2 =	vld [tilespmem:$0x1FE20];
	_ =	sdelay $0x3  }
0x49e: {  	v9 =	vld.idx.msk [tilespmem:v12+s21+$0x0], $0xffff  }
0x49f: {  	v47 =	vmov v2;
	v12 =	vor.u32 v2, v10;
	v2 =	vld [tilespmem:$0x1FE30];
	_ =	sdelay $0x4  }
0x4a0: {  	[tilespmem:v11+s1+$0x0] =	vst.idx.msk $0xffff, v9;
	v46 =	vmov v2;
	v11 =	vadd.s32 v2, v0;
	v2 =	vld [tilespmem:$0x1FE40];
	_ =	sdelay $0x3  }
0x4a1: {  	v9 =	vld.idx.msk [tilespmem:v12+s21+$0x0], $0xffff  }
0x4a2: {  	v49 =	vmov v2;
	v12 =	vor.u32 v2, v10;
	v2 =	vld [tilespmem:$0x1FE50];
	_ =	sdelay $0x4  }
0x4a3: {  	[tilespmem:v11+s1+$0x0] =	vst.idx.msk $0xffff, v9;
	v48 =	vmov v2;
	v11 =	vadd.s32 v2, v0;
	v2 =	vld [tilespmem:$0x1FE60];
	_ =	sdelay $0x3  }
0x4a4: {  	v9 =	vld.idx.msk [tilespmem:v12+s21+$0x0], $0xffff  }
0x4a5: {  	v51 =	vmov v2;
	v12 =	vor.u32 v2, v10;
	v2 =	vld [tilespmem:$0x1FE70];
	_ =	sdelay $0x4  }
0x4a6: {  	[tilespmem:v11+s1+$0x0] =	vst.idx.msk $0xffff, v9;
	v50 =	vmov v2;
	v11 =	vadd.s32 v2, v0;
	v2 =	vld [tilespmem:$0x1FE80];
	_ =	sdelay $0x3  }
0x4a7: {  	v9 =	vld.idx.msk [tilespmem:v12+s21+$0x0], $0xffff  }
0x4a8: {  	v53 =	vmov v2;
	v12 =	vor.u32 v2, v10;
	v2 =	vld [tilespmem:$0x1FE90];
	_ =	sdelay $0x4  }
0x4a9: {  	[tilespmem:v11+s1+$0x0] =	vst.idx.msk $0xffff, v9;
	v52 =	vmov v2;
	v11 =	vadd.s32 v2, v0;
	v2 =	vld [tilespmem:$0x1FEA0];
	_ =	sdelay $0x3  }
0x4aa: {  	v9 =	vld.idx.msk [tilespmem:v12+s21+$0x0], $0xffff  }
0x4ab: {  	v55 =	vmov v2;
	v12 =	vor.u32 v2, v10;
	v2 =	vld [tilespmem:$0x1FEB0];
	_ =	sdelay $0x4  }
0x4ac: {  	[tilespmem:v11+s1+$0x0] =	vst.idx.msk $0xffff, v9;
	v54 =	vmov v2;
	v11 =	vadd.s32 v2, v0;
	v2 =	vld [tilespmem:$0x1FEC0];
	_ =	sdelay $0x3  }
0x4ad: {  	v9 =	vld.idx.msk [tilespmem:v12+s21+$0x0], $0xffff  }
0x4ae: {  	v57 =	vmov v2;
	v12 =	vor.u32 v2, v10;
	v2 =	vld [tilespmem:$0x1FEE0];
	_ =	sdelay $0x4  }
0x4af: {  	[tilespmem:v11+s1+$0x0] =	vst.idx.msk $0xffff, v9;
	v56 =	vmov v2;
	v11 =	vadd.s32 v2, v0;
	v2 =	vld [tilespmem:$0x1FED0];
	_ =	sdelay $0x3  }
0x4b0: {  	v9 =	vld.idx.msk [tilespmem:v12+s21+$0x0], $0xffff  }
0x4b1: {  	v59 =	vmov v2;
	v12 =	vor.u32 v2, v10;
	v2 =	vld [tilespmem:$0x1FEF0];
	_ =	sdelay $0x4  }
0x4b2: {  	[tilespmem:v11+s1+$0x0] =	vst.idx.msk $0xffff, v9;
	v58 =	vmov v2;
	v11 =	vadd.s32 v2, v0;
	v2 =	vld [tilespmem:$0x1FF00];
	_ =	sdelay $0x3  }
0x4b3: {  	v9 =	vld.idx.msk [tilespmem:v12+s21+$0x0], $0xffff  }
0x4b4: {  	v61 =	vmov v2;
	v12 =	vor.u32 v2, v10;
	v2 =	vld [tilespmem:$0x1FF10];
	_ =	sdelay $0x4  }
0x4b5: {  	[tilespmem:v11+s1+$0x0] =	vst.idx.msk $0xffff, v9;
	v60 =	vmov v2;
	v11 =	vadd.s32 v2, v0;
	v2 =	vld [tilespmem:$0x1FF20];
	_ =	sdelay $0x3  }
0x4b6: {  	v9 =	vld.idx.msk [tilespmem:v12+s21+$0x0], $0xffff  }
0x4b7: {  	v63 =	vmov v2;
	v12 =	vor.u32 v2, v10;
	v2 =	vld [tilespmem:$0x1FF30];
	_ =	sdelay $0x3  }
0x4b8: {  	v4 =	vld [tilespmem:$0x1FF50]  }
0x4b9: {  	[tilespmem:v11+s1+$0x0] =	vst.idx.msk $0xffff, v9;
	v62 =	vmov v2;
	v11 =	vadd.s32 v2, v0;
	v2 =	vld [tilespmem:$0x1FF40]  }
0x4ba: {  	v9 =	vld.idx.msk [tilespmem:v12+s21+$0x0], $0xffff;
	_ =	sdelay $0x3  }
0x4bb: {  	v12 =	vor.u32 v2, v10  }
0x4bc: {  	v3 =	vmov v2;
	[tilespmem:v11+s1+$0x0] =	vst.idx.msk $0xffff, v9;
	v2 =	vmov v4;
	v11 =	vadd.s32 v4, v0;
	v4 =	vld [tilespmem:$0x1FF60];
	_ =	sdelay $0x3  }
0x4bd: {  	v9 =	vld.idx.msk [tilespmem:v12+s21+$0x0], $0xffff  }
0x4be: {  	v8 =	vmov v4;
	v12 =	vor.u32 v4, v10;
	v4 =	vld [tilespmem:$0x1FF70];
	_ =	sdelay $0x4  }
0x4bf: {  	[tilespmem:v11+s1+$0x0] =	vst.idx.msk $0xffff, v9;
	v7 =	vmov v4;
	v11 =	vadd.s32 v4, v0;
	v4 =	vld [tilespmem:$0x1FF80];
	_ =	sdelay $0x3  }
0x4c0: {  	v9 =	vld.idx.msk [tilespmem:v12+s21+$0x0], $0xffff  }
0x4c1: {  	v6 =	vmov v4;
	v12 =	vor.u32 v4, v10;
	v4 =	vld [tilespmem:$0x1FF90];
	_ =	sdelay $0x4  }
0x4c2: {  	[tilespmem:v11+s1+$0x0] =	vst.idx.msk $0xffff, v9;
	v14 =	vmov v4;
	v11 =	vadd.s32 v4, v0;
	v4 =	vld [tilespmem:$0x1FFA0];
	_ =	sdelay $0x3  }
0x4c3: {  	v9 =	vld.idx.msk [tilespmem:v12+s21+$0x0], $0xffff  }
0x4c4: {  	v19 =	vmov v4;
	v12 =	vor.u32 v4, v10;
	v4 =	vld [tilespmem:$0x1FFB0];
	_ =	sdelay $0x4  }
0x4c5: {  	[tilespmem:v11+s1+$0x0] =	vst.idx.msk $0xffff, v9;
	v17 =	vmov v4;
	v11 =	vadd.s32 v4, v0;
	v4 =	vld [tilespmem:$0x1FFC0];
	_ =	sdelay $0x1  }
0x4c6: {  	v5 =	vld [tilespmem:$0x1FFD0]  }
0x4c7: {  	v9 =	vld.idx.msk [tilespmem:v12+s21+$0x0], $0xffff;
	_ =	sdelay $0x1  }
0x4c8: {  	v12 =	vor.u32 v4, v10;
	_ =	sdelay $0x2  }
0x4c9: {  	v18 =	vmov v4;
	[tilespmem:v11+s1+$0x0] =	vst.idx.msk $0xffff, v9;
	v4 =	vmov v5;
	v11 =	vadd.s32 v5, v0;
	v5 =	vld [tilespmem:$0x1FFE0];
	_ =	sdelay $0x1  }
0x4ca: {  	v9 =	vld.idx.msk [tilespmem:v12+s21+$0x0], $0xffff;
	_ =	sdelay $0x2  }
0x4cb: {  	v12 =	vor.u32 v5, v10;
	_ =	sdelay $0x1  }
0x4cc: {  	[tilespmem:v11+s1+$0x0] =	vst.idx.msk $0xffff, v9;
	v11 =	vld [tilespmem:$0x1FBC0];
	_ =	sdelay $0x2  }
0x4cd: {  	v9 =	vld.idx.msk [tilespmem:v12+s21+$0x0], $0xffff  }
0x4ce: {  	v12 =	vld [tilespmem:$0x1FBD0]  }
0x4cf: {  	v11 =	vadd.s32 v11, v0;
	_ =	sdelay $0x3  }
0x4d0: {  	v12 =	vor.u32 v12, v10  }
0x4d1: {  	[tilespmem:v11+s1+$0x0] =	vst.idx.msk $0xffff, v9;
	v11 =	vld [tilespmem:$0x1FBE0];
	_ =	sdelay $0x3  }
0x4d2: {  	v9 =	vld.idx.msk [tilespmem:v12+s21+$0x0], $0xffff  }
0x4d3: {  	v12 =	vld [tilespmem:$0x1FBF0];
	v11 =	vadd.s32 v11, v0;
	_ =	sdelay $0x4  }
0x4d4: {  	v12 =	vor.u32 v12, v10;
	[tilespmem:v11+s1+$0x0] =	vst.idx.msk $0xffff, v9;
	v11 =	vld [tilespmem:$0x1FC00];
	_ =	sdelay $0x4  }
0x4d5: {  	v9 =	vld.idx.msk [tilespmem:v12+s21+$0x0], $0xffff;
	v11 =	vadd.s32 v11, v0;
	_ =	sdelay $0x4  }
0x4d6: {  	[tilespmem:v11+s1+$0x0] =	vst.idx.msk $0xffff, v9;
	v9 =	vld [tilespmem:$0x1FBB0];
	_ =	sdelay $0x3  }
0x4d7: {  	v20 =	vlaneseq.u32;
	s14 =	simm.s32 $0x1  }
0x4d8: {  	s9 =	sor.u32 $0x180, s8;
	v16 =	vmov v5;
	v9 =	vor.u32 v9, v10;
	v10 =	vadd.s32 s14, v20;
	s14 =	simm.s32 $0x2  }
.LBB2_21:
0x4d9: {  	_ =	sdelay $0x2  }
0x4da: {  	v10 =	vand.u32 $0xF, v10  }
0x4db: {  	v11 =	vld.idx.msk [tilespmem:v9+s21+$0x0], $0xffff;
	v12 =	vadd.s32 v1, v0;
	v5 =	vlaneseq.u32;
	v9 =	vshll.u32 v10, $0x7  }
0x4dc: {  	v0 =	vmov v10;
	v10 =	vor.u32 v5, v9;
	_ =	sdelay $0x3  }
0x4dd: {  	[tilespmem:v12+s1+$0x0] =	vst.idx.msk $0xffff, v11  }
0x4de: {  	v11 =	vadd.s32 v15, v0;
	v10 =	vld.idx.msk [tilespmem:v10+s21+$0x0], $0xffff  }
0x4df: {  	v12 =	vor.u32 v21, v9;
	_ =	sdelay $0x3  }
0x4e0: {  	[tilespmem:v11+s1+$0x0] =	vst.idx.msk $0xffff, v10  }
0x4e1: {  	v11 =	vadd.s32 v13, v0;
	v10 =	vld.idx.msk [tilespmem:v12+s21+$0x0], $0xffff  }
0x4e2: {  	v12 =	vor.u32 v23, v9;
	_ =	sdelay $0x3  }
0x4e3: {  	[tilespmem:v11+s1+$0x0] =	vst.idx.msk $0xffff, v10  }
0x4e4: {  	v11 =	vadd.s32 v22, v0;
	v10 =	vld.idx.msk [tilespmem:v12+s21+$0x0], $0xffff  }
0x4e5: {  	v12 =	vor.u32 v25, v9;
	_ =	sdelay $0x3  }
0x4e6: {  	[tilespmem:v11+s1+$0x0] =	vst.idx.msk $0xffff, v10  }
0x4e7: {  	v11 =	vadd.s32 v24, v0;
	v10 =	vld.idx.msk [tilespmem:v12+s21+$0x0], $0xffff  }
0x4e8: {  	v12 =	vor.u32 v27, v9;
	_ =	sdelay $0x3  }
0x4e9: {  	[tilespmem:v11+s1+$0x0] =	vst.idx.msk $0xffff, v10  }
0x4ea: {  	v11 =	vadd.s32 v26, v0;
	v10 =	vld.idx.msk [tilespmem:v12+s21+$0x0], $0xffff  }
0x4eb: {  	v12 =	vor.u32 v29, v9;
	_ =	sdelay $0x3  }
0x4ec: {  	[tilespmem:v11+s1+$0x0] =	vst.idx.msk $0xffff, v10  }
0x4ed: {  	v11 =	vadd.s32 v28, v0;
	v10 =	vld.idx.msk [tilespmem:v12+s21+$0x0], $0xffff  }
0x4ee: {  	v12 =	vor.u32 v31, v9;
	_ =	sdelay $0x3  }
0x4ef: {  	[tilespmem:v11+s1+$0x0] =	vst.idx.msk $0xffff, v10  }
0x4f0: {  	v11 =	vadd.s32 v30, v0;
	v10 =	vld.idx.msk [tilespmem:v12+s21+$0x0], $0xffff  }
0x4f1: {  	v12 =	vor.u32 v33, v9;
	_ =	sdelay $0x3  }
0x4f2: {  	[tilespmem:v11+s1+$0x0] =	vst.idx.msk $0xffff, v10  }
0x4f3: {  	v11 =	vadd.s32 v32, v0;
	v10 =	vld.idx.msk [tilespmem:v12+s21+$0x0], $0xffff  }
0x4f4: {  	v12 =	vor.u32 v35, v9;
	_ =	sdelay $0x3  }
0x4f5: {  	[tilespmem:v11+s1+$0x0] =	vst.idx.msk $0xffff, v10  }
0x4f6: {  	v11 =	vadd.s32 v34, v0;
	v10 =	vld.idx.msk [tilespmem:v12+s21+$0x0], $0xffff  }
0x4f7: {  	v12 =	vor.u32 v37, v9;
	_ =	sdelay $0x3  }
0x4f8: {  	[tilespmem:v11+s1+$0x0] =	vst.idx.msk $0xffff, v10  }
0x4f9: {  	v11 =	vadd.s32 v36, v0;
	v10 =	vld.idx.msk [tilespmem:v12+s21+$0x0], $0xffff  }
0x4fa: {  	v12 =	vor.u32 v39, v9;
	_ =	sdelay $0x3  }
0x4fb: {  	[tilespmem:v11+s1+$0x0] =	vst.idx.msk $0xffff, v10  }
0x4fc: {  	v11 =	vadd.s32 v38, v0;
	v10 =	vld.idx.msk [tilespmem:v12+s21+$0x0], $0xffff  }
0x4fd: {  	v12 =	vor.u32 v41, v9;
	_ =	sdelay $0x3  }
0x4fe: {  	[tilespmem:v11+s1+$0x0] =	vst.idx.msk $0xffff, v10  }
0x4ff: {  	v11 =	vadd.s32 v40, v0;
	v10 =	vld.idx.msk [tilespmem:v12+s21+$0x0], $0xffff  }
0x500: {  	v12 =	vor.u32 v43, v9;
	_ =	sdelay $0x3  }
0x501: {  	[tilespmem:v11+s1+$0x0] =	vst.idx.msk $0xffff, v10  }
0x502: {  	v11 =	vadd.s32 v42, v0;
	v10 =	vld.idx.msk [tilespmem:v12+s21+$0x0], $0xffff  }
0x503: {  	v12 =	vor.u32 v45, v9;
	_ =	sdelay $0x3  }
0x504: {  	[tilespmem:v11+s1+$0x0] =	vst.idx.msk $0xffff, v10  }
0x505: {  	v11 =	vadd.s32 v44, v0;
	v10 =	vld.idx.msk [tilespmem:v12+s21+$0x0], $0xffff  }
0x506: {  	v12 =	vor.u32 v47, v9;
	_ =	sdelay $0x3  }
0x507: {  	[tilespmem:v11+s1+$0x0] =	vst.idx.msk $0xffff, v10  }
0x508: {  	v11 =	vadd.s32 v46, v0;
	v10 =	vld.idx.msk [tilespmem:v12+s21+$0x0], $0xffff  }
0x509: {  	v12 =	vor.u32 v49, v9;
	_ =	sdelay $0x3  }
0x50a: {  	[tilespmem:v11+s1+$0x0] =	vst.idx.msk $0xffff, v10  }
0x50b: {  	v11 =	vadd.s32 v48, v0;
	v10 =	vld.idx.msk [tilespmem:v12+s21+$0x0], $0xffff  }
0x50c: {  	v12 =	vor.u32 v51, v9;
	_ =	sdelay $0x3  }
0x50d: {  	[tilespmem:v11+s1+$0x0] =	vst.idx.msk $0xffff, v10  }
0x50e: {  	v11 =	vadd.s32 v50, v0;
	v10 =	vld.idx.msk [tilespmem:v12+s21+$0x0], $0xffff  }
0x50f: {  	v12 =	vor.u32 v53, v9;
	_ =	sdelay $0x3  }
0x510: {  	[tilespmem:v11+s1+$0x0] =	vst.idx.msk $0xffff, v10  }
0x511: {  	v11 =	vadd.s32 v52, v0;
	v10 =	vld.idx.msk [tilespmem:v12+s21+$0x0], $0xffff  }
0x512: {  	v12 =	vor.u32 v55, v9;
	_ =	sdelay $0x3  }
0x513: {  	[tilespmem:v11+s1+$0x0] =	vst.idx.msk $0xffff, v10  }
0x514: {  	v11 =	vadd.s32 v54, v0;
	v10 =	vld.idx.msk [tilespmem:v12+s21+$0x0], $0xffff  }
0x515: {  	v12 =	vor.u32 v57, v9;
	_ =	sdelay $0x3  }
0x516: {  	[tilespmem:v11+s1+$0x0] =	vst.idx.msk $0xffff, v10  }
0x517: {  	v11 =	vadd.s32 v56, v0;
	v10 =	vld.idx.msk [tilespmem:v12+s21+$0x0], $0xffff  }
0x518: {  	v12 =	vor.u32 v59, v9;
	_ =	sdelay $0x3  }
0x519: {  	[tilespmem:v11+s1+$0x0] =	vst.idx.msk $0xffff, v10  }
0x51a: {  	v11 =	vadd.s32 v58, v0;
	v10 =	vld.idx.msk [tilespmem:v12+s21+$0x0], $0xffff  }
0x51b: {  	v12 =	vor.u32 v61, v9;
	_ =	sdelay $0x3  }
0x51c: {  	[tilespmem:v11+s1+$0x0] =	vst.idx.msk $0xffff, v10  }
0x51d: {  	v11 =	vadd.s32 v60, v0;
	v10 =	vld.idx.msk [tilespmem:v12+s21+$0x0], $0xffff  }
0x51e: {  	v12 =	vor.u32 v63, v9;
	_ =	sdelay $0x3  }
0x51f: {  	[tilespmem:v11+s1+$0x0] =	vst.idx.msk $0xffff, v10  }
0x520: {  	v11 =	vadd.s32 v62, v0;
	v10 =	vld.idx.msk [tilespmem:v12+s21+$0x0], $0xffff  }
0x521: {  	v12 =	vor.u32 v3, v9;
	_ =	sdelay $0x3  }
0x522: {  	[tilespmem:v11+s1+$0x0] =	vst.idx.msk $0xffff, v10  }
0x523: {  	v11 =	vadd.s32 v2, v0;
	v10 =	vld.idx.msk [tilespmem:v12+s21+$0x0], $0xffff  }
0x524: {  	v12 =	vor.u32 v8, v9;
	_ =	sdelay $0x3  }
0x525: {  	[tilespmem:v11+s1+$0x0] =	vst.idx.msk $0xffff, v10  }
0x526: {  	v11 =	vadd.s32 v7, v0;
	v10 =	vld.idx.msk [tilespmem:v12+s21+$0x0], $0xffff  }
0x527: {  	v12 =	vor.u32 v6, v9;
	_ =	sdelay $0x3  }
0x528: {  	[tilespmem:v11+s1+$0x0] =	vst.idx.msk $0xffff, v10  }
0x529: {  	v11 =	vadd.s32 v14, v0;
	v10 =	vld.idx.msk [tilespmem:v12+s21+$0x0], $0xffff  }
0x52a: {  	v12 =	vor.u32 v19, v9;
	_ =	sdelay $0x3  }
0x52b: {  	[tilespmem:v11+s1+$0x0] =	vst.idx.msk $0xffff, v10  }
0x52c: {  	v11 =	vadd.s32 v17, v0;
	v10 =	vld.idx.msk [tilespmem:v12+s21+$0x0], $0xffff  }
0x52d: {  	v12 =	vor.u32 v18, v9;
	_ =	sdelay $0x3  }
0x52e: {  	[tilespmem:v11+s1+$0x0] =	vst.idx.msk $0xffff, v10  }
0x52f: {  	v11 =	vadd.s32 v4, v0;
	v10 =	vld.idx.msk [tilespmem:v12+s21+$0x0], $0xffff;
	_ =	sdelay $0x1  }
0x530: {  	v12 =	vor.u32 v16, v9;
	_ =	sdelay $0x2  }
0x531: {  	[tilespmem:v11+s1+$0x0] =	vst.idx.msk $0xffff, v10;
	v11 =	vld [tilespmem:$0x1FBC0];
	_ =	sdelay $0x1  }
0x532: {  	v10 =	vld.idx.msk [tilespmem:v12+s21+$0x0], $0xffff  }
0x533: {  	v12 =	vld [tilespmem:$0x1FBD0];
	_ =	sdelay $0x1  }
0x534: {  	v11 =	vadd.s32 v11, v0;
	_ =	sdelay $0x2  }
0x535: {  	v12 =	vor.u32 v12, v9;
	_ =	sdelay $0x1  }
0x536: {  	[tilespmem:v11+s1+$0x0] =	vst.idx.msk $0xffff, v10;
	v11 =	vld [tilespmem:$0x1FBE0];
	_ =	sdelay $0x2  }
0x537: {  	v10 =	vld.idx.msk [tilespmem:v12+s21+$0x0], $0xffff  }
0x538: {  	v12 =	vld [tilespmem:$0x1FBF0]  }
0x539: {  	v11 =	vadd.s32 v11, v0;
	_ =	sdelay $0x3  }
0x53a: {  	v12 =	vor.u32 v12, v9  }
0x53b: {  	[tilespmem:v11+s1+$0x0] =	vst.idx.msk $0xffff, v10;
	v10 =	vld [tilespmem:$0x1FC00];
	_ =	sdelay $0x3  }
0x53c: {  	v11 =	vld.idx.msk [tilespmem:v12+s21+$0x0], $0xffff  }
0x53d: {  	p0 =	sne.s32 s14, $0xF;
	v12 =	vadd.s32 v10, v0;
	v10 =	vld [tilespmem:$0x1FBB0]  }
.Ltmp14:
0x53e: {  	_ = 	snop;
	(pc) =	sbr.rel @p0 .LBB2_21-.Ltmp14, $2  }
0x53f: {  	_ =	sdelay $0x2  }
0x540: {  	v20 =	vlaneseq.u32;
	v9 =	vor.u32 v10, v9;
	v10 =	vadd.s32 s14, v5;
	s14 =	sadd.s32 $0x1, s14;
	[tilespmem:v12+s1+$0x0] =	vst.idx.msk $0xffff, v11  }
0x541: {  	_ =	sdelay $0x2  }
0x542: {  	v5 =	vand.u32 $0xF, v10  }
0x543: {  	v9 =	vld.idx.msk [tilespmem:v9+s21+$0x0], $0xffff;
	v0 =	vadd.s32 v1, v0;
	v10 =	vshll.u32 v5, $0x7  }
0x544: {  	v11 =	vor.u32 v20, v10;
	_ =	sdelay $0x3  }
0x545: {  	[tilespmem:v0+s1+$0x0] =	vst.idx.msk $0xffff, v9  }
0x546: {  	v9 =	vadd.s32 v15, v5;
	v0 =	vld.idx.msk [tilespmem:v11+s21+$0x0], $0xffff  }
0x547: {  	v11 =	vor.u32 v21, v10;
	_ =	sdelay $0x3  }
0x548: {  	[tilespmem:v9+s1+$0x0] =	vst.idx.msk $0xffff, v0  }
0x549: {  	v9 =	vadd.s32 v13, v5;
	v0 =	vld.idx.msk [tilespmem:v11+s21+$0x0], $0xffff  }
0x54a: {  	v11 =	vor.u32 v23, v10;
	_ =	sdelay $0x3  }
0x54b: {  	[tilespmem:v9+s1+$0x0] =	vst.idx.msk $0xffff, v0  }
0x54c: {  	v9 =	vadd.s32 v22, v5;
	v0 =	vld.idx.msk [tilespmem:v11+s21+$0x0], $0xffff  }
0x54d: {  	v11 =	vor.u32 v25, v10;
	_ =	sdelay $0x3  }
0x54e: {  	[tilespmem:v9+s1+$0x0] =	vst.idx.msk $0xffff, v0  }
0x54f: {  	v9 =	vadd.s32 v24, v5;
	v0 =	vld.idx.msk [tilespmem:v11+s21+$0x0], $0xffff  }
0x550: {  	v11 =	vor.u32 v27, v10;
	_ =	sdelay $0x3  }
0x551: {  	[tilespmem:v9+s1+$0x0] =	vst.idx.msk $0xffff, v0  }
0x552: {  	v9 =	vadd.s32 v26, v5;
	v0 =	vld.idx.msk [tilespmem:v11+s21+$0x0], $0xffff  }
0x553: {  	v11 =	vor.u32 v29, v10;
	_ =	sdelay $0x3  }
0x554: {  	[tilespmem:v9+s1+$0x0] =	vst.idx.msk $0xffff, v0  }
0x555: {  	v9 =	vadd.s32 v28, v5;
	v0 =	vld.idx.msk [tilespmem:v11+s21+$0x0], $0xffff  }
0x556: {  	v11 =	vor.u32 v31, v10;
	_ =	sdelay $0x3  }
0x557: {  	[tilespmem:v9+s1+$0x0] =	vst.idx.msk $0xffff, v0  }
0x558: {  	v9 =	vadd.s32 v30, v5;
	v0 =	vld.idx.msk [tilespmem:v11+s21+$0x0], $0xffff  }
0x559: {  	v11 =	vor.u32 v33, v10;
	_ =	sdelay $0x3  }
0x55a: {  	[tilespmem:v9+s1+$0x0] =	vst.idx.msk $0xffff, v0  }
0x55b: {  	v9 =	vadd.s32 v32, v5;
	v0 =	vld.idx.msk [tilespmem:v11+s21+$0x0], $0xffff  }
0x55c: {  	v11 =	vor.u32 v35, v10;
	_ =	sdelay $0x3  }
0x55d: {  	[tilespmem:v9+s1+$0x0] =	vst.idx.msk $0xffff, v0  }
0x55e: {  	v9 =	vadd.s32 v34, v5;
	v0 =	vld.idx.msk [tilespmem:v11+s21+$0x0], $0xffff  }
0x55f: {  	v11 =	vor.u32 v37, v10;
	_ =	sdelay $0x3  }
0x560: {  	[tilespmem:v9+s1+$0x0] =	vst.idx.msk $0xffff, v0  }
0x561: {  	v9 =	vadd.s32 v36, v5;
	v0 =	vld.idx.msk [tilespmem:v11+s21+$0x0], $0xffff  }
0x562: {  	v11 =	vor.u32 v39, v10;
	_ =	sdelay $0x3  }
0x563: {  	[tilespmem:v9+s1+$0x0] =	vst.idx.msk $0xffff, v0  }
0x564: {  	v9 =	vadd.s32 v38, v5;
	v0 =	vld.idx.msk [tilespmem:v11+s21+$0x0], $0xffff  }
0x565: {  	v11 =	vor.u32 v41, v10;
	_ =	sdelay $0x3  }
0x566: {  	[tilespmem:v9+s1+$0x0] =	vst.idx.msk $0xffff, v0  }
0x567: {  	v9 =	vadd.s32 v40, v5;
	v0 =	vld.idx.msk [tilespmem:v11+s21+$0x0], $0xffff  }
0x568: {  	v11 =	vor.u32 v43, v10;
	_ =	sdelay $0x3  }
0x569: {  	[tilespmem:v9+s1+$0x0] =	vst.idx.msk $0xffff, v0  }
0x56a: {  	v9 =	vadd.s32 v42, v5;
	v0 =	vld.idx.msk [tilespmem:v11+s21+$0x0], $0xffff  }
0x56b: {  	v11 =	vor.u32 v45, v10;
	_ =	sdelay $0x3  }
0x56c: {  	[tilespmem:v9+s1+$0x0] =	vst.idx.msk $0xffff, v0  }
0x56d: {  	v9 =	vadd.s32 v44, v5;
	v0 =	vld.idx.msk [tilespmem:v11+s21+$0x0], $0xffff  }
0x56e: {  	v11 =	vor.u32 v47, v10;
	_ =	sdelay $0x3  }
0x56f: {  	[tilespmem:v9+s1+$0x0] =	vst.idx.msk $0xffff, v0  }
0x570: {  	v9 =	vadd.s32 v46, v5;
	v0 =	vld.idx.msk [tilespmem:v11+s21+$0x0], $0xffff  }
0x571: {  	v11 =	vor.u32 v49, v10;
	_ =	sdelay $0x3  }
0x572: {  	[tilespmem:v9+s1+$0x0] =	vst.idx.msk $0xffff, v0  }
0x573: {  	v9 =	vadd.s32 v48, v5;
	v0 =	vld.idx.msk [tilespmem:v11+s21+$0x0], $0xffff  }
0x574: {  	v11 =	vor.u32 v51, v10;
	_ =	sdelay $0x3  }
0x575: {  	[tilespmem:v9+s1+$0x0] =	vst.idx.msk $0xffff, v0  }
0x576: {  	v9 =	vadd.s32 v50, v5;
	v0 =	vld.idx.msk [tilespmem:v11+s21+$0x0], $0xffff  }
0x577: {  	v11 =	vor.u32 v53, v10;
	_ =	sdelay $0x3  }
0x578: {  	[tilespmem:v9+s1+$0x0] =	vst.idx.msk $0xffff, v0  }
0x579: {  	v9 =	vadd.s32 v52, v5;
	v0 =	vld.idx.msk [tilespmem:v11+s21+$0x0], $0xffff  }
0x57a: {  	v11 =	vor.u32 v55, v10;
	_ =	sdelay $0x3  }
0x57b: {  	[tilespmem:v9+s1+$0x0] =	vst.idx.msk $0xffff, v0  }
0x57c: {  	v9 =	vadd.s32 v54, v5;
	v0 =	vld.idx.msk [tilespmem:v11+s21+$0x0], $0xffff  }
0x57d: {  	v11 =	vor.u32 v57, v10;
	_ =	sdelay $0x3  }
0x57e: {  	[tilespmem:v9+s1+$0x0] =	vst.idx.msk $0xffff, v0  }
0x57f: {  	v9 =	vadd.s32 v56, v5;
	v0 =	vld.idx.msk [tilespmem:v11+s21+$0x0], $0xffff  }
0x580: {  	v11 =	vor.u32 v59, v10;
	_ =	sdelay $0x3  }
0x581: {  	[tilespmem:v9+s1+$0x0] =	vst.idx.msk $0xffff, v0  }
0x582: {  	v9 =	vadd.s32 v58, v5;
	v0 =	vld.idx.msk [tilespmem:v11+s21+$0x0], $0xffff  }
0x583: {  	v11 =	vor.u32 v61, v10;
	_ =	sdelay $0x3  }
0x584: {  	[tilespmem:v9+s1+$0x0] =	vst.idx.msk $0xffff, v0  }
0x585: {  	v9 =	vadd.s32 v60, v5;
	v0 =	vld.idx.msk [tilespmem:v11+s21+$0x0], $0xffff  }
0x586: {  	v11 =	vor.u32 v63, v10;
	_ =	sdelay $0x3  }
0x587: {  	[tilespmem:v9+s1+$0x0] =	vst.idx.msk $0xffff, v0  }
0x588: {  	v9 =	vadd.s32 v62, v5;
	v0 =	vld.idx.msk [tilespmem:v11+s21+$0x0], $0xffff  }
0x589: {  	v11 =	vor.u32 v3, v10;
	_ =	sdelay $0x3  }
0x58a: {  	[tilespmem:v9+s1+$0x0] =	vst.idx.msk $0xffff, v0  }
0x58b: {  	v9 =	vadd.s32 v2, v5;
	v0 =	vld.idx.msk [tilespmem:v11+s21+$0x0], $0xffff  }
0x58c: {  	v11 =	vor.u32 v8, v10;
	_ =	sdelay $0x3  }
0x58d: {  	[tilespmem:v9+s1+$0x0] =	vst.idx.msk $0xffff, v0  }
0x58e: {  	v9 =	vadd.s32 v7, v5;
	v0 =	vld.idx.msk [tilespmem:v11+s21+$0x0], $0xffff  }
0x58f: {  	v11 =	vor.u32 v6, v10;
	_ =	sdelay $0x3  }
0x590: {  	[tilespmem:v9+s1+$0x0] =	vst.idx.msk $0xffff, v0  }
0x591: {  	v9 =	vadd.s32 v14, v5;
	v0 =	vld.idx.msk [tilespmem:v11+s21+$0x0], $0xffff  }
0x592: {  	v11 =	vor.u32 v19, v10;
	_ =	sdelay $0x3  }
0x593: {  	[tilespmem:v9+s1+$0x0] =	vst.idx.msk $0xffff, v0  }
0x594: {  	v9 =	vadd.s32 v17, v5;
	v0 =	vld.idx.msk [tilespmem:v11+s21+$0x0], $0xffff  }
0x595: {  	v11 =	vor.u32 v18, v10;
	_ =	sdelay $0x3  }
0x596: {  	[tilespmem:v9+s1+$0x0] =	vst.idx.msk $0xffff, v0;
	v9 =	vadd.s32 v4, v5;
	v4 =	vld [tilespmem:$0x1FBC0]  }
0x597: {  	v0 =	vld.idx.msk [tilespmem:v11+s21+$0x0], $0xffff;
	_ =	sdelay $0x3  }
0x598: {  	v11 =	vor.u32 v16, v10  }
0x599: {  	[tilespmem:v9+s1+$0x0] =	vst.idx.msk $0xffff, v0;
	v9 =	vadd.s32 v4, v5;
	v4 =	vld [tilespmem:$0x1FBD0];
	_ =	sdelay $0x3  }
0x59a: {  	v0 =	vld.idx.msk [tilespmem:v11+s21+$0x0], $0xffff  }
0x59b: {  	v4 =	vor.u32 v4, v10;
	_ =	sdelay $0x3  }
0x59c: {  	[tilespmem:v9+s1+$0x0] =	vst.idx.msk $0xffff, v0  }
0x59d: {  	v0 =	vld.idx.msk [tilespmem:v4+s21+$0x0], $0xffff  }
0x59e: {  	v4 =	vld [tilespmem:$0x1FBE0];
	_ =	sdelay $0x4  }
0x59f: {  	v11 =	vmov v5;
	v5 =	vadd.s32 v4, v5;
	v4 =	vld [tilespmem:$0x1FBF0];
	_ =	sdelay $0x4  }
0x5a0: {  	v4 =	vor.u32 v4, v10;
	_ =	sdelay $0x3  }
0x5a1: {  	[tilespmem:v5+s1+$0x0] =	vst.idx.msk $0xffff, v0  }
0x5a2: {  	v0 =	vld.idx.msk [tilespmem:v4+s21+$0x0], $0xffff  }
0x5a3: {  	v4 =	vld [tilespmem:$0x1FC00];
	_ =	sdelay $0x3  }
0x5a4: {  	v12 =	vmov v21;
	v20 =	vmov v23;
	v21 =	vmov v22  }
0x5a5: {  	v23 =	vmovc v24;
	v22 =	vmovc v25;
	v25 =	vmov v26;
	v24 =	vmov v27;
	v5 =	vadd.s32 v4, v11;
	v4 =	vld [tilespmem:$0x1FBB0]  }
0x5a6: {  	v27 =	vmovc v28;
	v26 =	vmovc v29;
	v29 =	vmov v30;
	v28 =	vmov v31;
	v31 =	vmov v32  }
0x5a7: {  	v30 =	vmovc v33;
	v33 =	vmovc v34;
	v34 =	vmov v39;
	v39 =	vmov v40;
	v40 =	vmov v43  }
0x5a8: {  	v43 =	vmovc v45;
	v45 =	vmovc v47;
	v47 =	vmov v49;
	v49 =	vmov v51;
	v51 =	vmov v53  }
0x5a9: {  	v32 =	vmovc v35;
	v53 =	vmovc v55;
	v55 =	vmov v57;
	v57 =	vmov v59;
	v59 =	vmov v61  }
0x5aa: {  	v35 =	vmovc v36;
	v61 =	vmovc v63;
	v63 =	vmov v2;
	v2 =	vmov v8;
	v4 =	vor.u32 v4, v10  }
0x5ab: {  	v36 =	vmovc v40;
	v40 =	vmovc v45;
	v45 =	vmov v48;
	v48 =	vmov v51;
	v51 =	vmov v54  }
0x5ac: {  	v54 =	vmovc v56;
	v56 =	vmovc v59;
	v59 =	vmov v62;
	v8 =	vmov v7;
	v7 =	vmov v14  }
0x5ad: {  	v62 =	vmovc v2;
	v2 =	vmovc v6;
	v14 =	vmov v15;
	v15 =	vmov v13;
	v13 =	vmov v7  }
0x5ae: {  	v19 =	vmovc v23;
	v23 =	vmovc v27;
	v27 =	vmov v31;
	v31 =	vmov v35;
	v35 =	vmov v39;
	[tilespmem:v5+s1+$0x0] =	vst.idx.msk $0xffff, v0  }
0x5af: {  	v39 =	vmovc v44;
	v17 =	vmovc v21;
	v21 =	vmov v25;
	v25 =	vmov v29;
	v0 =	vadd.s32 v1, v11;
	v1 =	vld.idx.msk [tilespmem:v4+s21+$0x0], $0xffff  }
0x5b0: {  	p0 =	seq.s32 s7, $0xF;
	v29 =	vmovc v33;
	v33 =	vmovc v38;
	v38 =	vmov v43;
	v43 =	vmov v46;
	v46 =	vmov v49  }
.Ltmp15:
0x5b1: {  	v49 =	vmovc v52;
	v52 =	vmovc v55;
	v55 =	vmov v58;
	v58 =	vmov v61;
	v61 =	vmov v63;
	(pc) =	sbr.rel @p0 .LBB2_24-.Ltmp15, $4  }
0x5b2: {  	v63 =	vmovc v8;
	v18 =	vmovc v22;
	v22 =	vmov v26;
	v26 =	vmov v30;
	v30 =	vmov v37  }
0x5b3: {  	v37 =	vmovc v42;
	v42 =	vmovc v47;
	v47 =	vmov v50;
	v50 =	vmov v53;
	v53 =	vmov v57  }
0x5b4: {  	v57 =	vmovc v60;
	v60 =	vmovc v3;
	v16 =	vmov v20;
	v20 =	vmov v24;
	v24 =	vmov v28;
	[tilespmem:v0+s1+$0x0] =	vst.idx.msk $0xffff, v1  }
0x5b5: {  	v28 =	vmovc v32;
	v32 =	vmovc v34;
	v34 =	vmov v41;
	v11 =	vmov v12;
	v4 =	vlaneseq.u32;
	[hbm4b:s3+s25] =	stream.indirect.scatter [tilespmem:s1], [sflag:$0x9], $0x80, s9, s25, $0xb8;
	[tilespmem:$0x1C000] =	vst v63  }
0x5b6: {  	v12 =	vld [tilespmem:$0x1FFF0]  }
.Ltmp16:
0x5b7: {  	v6 =	vld [tilespmem:$0x1FFA0];
	(pc) =	sbr.rel .LBB2_2-.Ltmp16, $4  }
0x5b8: {  	v7 =	vld [tilespmem:$0x1FFB0]  }
0x5b9: {  	v8 =	vld [tilespmem:$0x1FFC0]  }
0x5ba: {  	s8 =	sadd.s32 s8, s13;
	s7 =	sadd.s32 $0x1, s7;
	v9 =	vld [tilespmem:$0x1FFD0]  }
0x5bb: {  	v10 =	vld [tilespmem:$0x1FFE0];
	[tilespmem:s21], [sflag:$0x5] =	stream.strided.gather [hbm4b:s8+s16], $0x2000, s17, s16, $0x38  }
.LBB2_25:
0x5bc: {  	_ =	sfence.sel $0x180000  }
0x5bd: {  	[bflag:$0x0] =	sbarrier.arrive $0xFFFF  }
0x5be: {  	_ =	strace $0x90000047  }
0x5bf: {  	s0 =	stileid.u32;
	[bflag:$0x2] =	sbarrier.arrive $0xFFFF  }
0x5c0: {  	p0 =	sne.s32 s0, $0x0;
	s0 =	rddreg [dreg:$0x4]  }
0x5c1: {  	s0 =	sadd.s32 @!p0 $0x100000, s0  }
0x5c2: {  	[sflag:s0] =	ssyncadd.tile.s32 @!p0 $0x1;
	_ =	shalt  }
.Lfunc_end2:
_tile_overlayer_lowered:
.L_overlay_start_2:
0x5c3: {  	(tag) =	ssettag $0x2  }
0x5c4: {  	s0 =	rddreg [dreg:$0x0];
	s2 =	stileid.u32  }
0x5c5: {  	s1 =	rddreg [dreg:$0x1];
	p0 =	sne.s32 s2, $0x0  }
0x5c6: {  	s3 =	rddreg [dreg:$0x2];
	[bflag:$0x3] =	sbarrier.arrive $0xFFFF;
	s2 =	simm.s32 @!p0 $0x1C0A  }
0x5c7: {  	[timem:s3], [sflag:s2] =	dma.local @!p0 [hbm:s0], s1  }
0x5c8: {  	s0 =	simm.s32 @!p0 $0xA  }
0x5c9: {  	_ =	swait.ge @!p0 [sflag:s0], s1  }
0x5ca: {  	s1 =	ssub.s32 @!p0 $0x0, s1;
	[sflag:s0] =	ssyncset.done @!p0 $0x0  }
0x5cb: {  	[sflag:s0] =	ssyncadd.s32 @!p0 s1  }
0x5cc: {  	[bflag:$0x3] =	sbarrier.arrive $0xFFFF  }
0x5cd: {  	_ =	shalt  }

// kernel: sparse-core-data-format-call.cloned.1.call-start
scs
called_computation_lowered:
.L_overlay_start_0:
0x0: {  	s2 =	sld [smem:$0x3FD9]  }
0x1: {  	s3 =	sld [smem:$0x3FFE];
	_ =	sdelay $0x1  }
0x2: {  	s1 =	srdreg.scid  }
0x3: {  	s0 =	sand.u32 $0x1, s1  }
0x4: {  	s18 =	sshll.u32 s0, $0xA;
	s2 =	sadd.s32 s3, s2  }
0x5: {  	s2 =	sadd.s32 s2, s18  }
0x6: {  	[smem:$0x3FC5] =	sst s2  }
0x7: {  	_ = 	snop  }
0x8: {  	s2 =	sld [smem:$0x3FD0];
	(tm) =	ssettm $0x1  }
0x9: {  	s19 =	sld [smem:$0x3FFB];
	_ =	sdelay $0x3  }
0xa: {  	_ =	strace s19  }
0xb: {  	s3 =	sld [smem:$0x3FFC];
	_ =	sdelay $0x3  }
0xc: {  	_ =	strace s3  }
0xd: {  	s3 =	sld [smem:$0x3FFD];
	_ =	sdelay $0x3  }
0xe: {  	_ =	strace s3  }
0xf: {  	_ =	strace $0x8FFFFFFF  }
0x10: {  	s20 =	sld [smem:$0x3FDB];
	_ =	sdelay $0x1  }
0x11: {  	s4 =	simm.s32 $_scs_section_size  }
0x12: {  	s5 =	simm.s32 $_size__tile_overlayer_lowered;
	s6 =	simm.s32 $_tile_overlayer_lowered  }
0x13: {  	s23 =	simm.s32 $0x1BFF;
	s22 =	sshll.u32 s6, $0x1;
	s3 =	sadd.s32 s4, s20  }
0x14: {  	s7 =	simm.s32 $0x0;
	s21 =	sshll.u32 s5, $0x1;
	s5 =	sadd.s32 s22, s3  }
0x15: {  	[timem:s7], [sflag:s23] =	dma.local [hbm:s5], s21  }
0x16: {  	_ =	swait.ge [sflag:s23], s21  }
0x17: {  	s4 =	ssub.s32 $0x0, s21;
	[sflag:s23] =	ssyncset.done $0x0  }
0x18: {  	[sflag:s23] =	ssyncadd.s32 s4;
	_ =	sdelay $0x1  }
0x19: {  	s24 =	simm.s32 $0x1B8B  }
0x1a: {  	_ =	swait.ge [sflag:s24], $0x1  }
0x1b: {  	[sflag:s24] =	ssyncset.done $0x0  }
0x1c: {  	s26 =	simm.s32 $0x1B8E;
	s25 =	sld [smem:$0x3FFE];
	[sflag:s24] =	ssyncadd.s32 $0xFFFFFFFF  }
0x1d: {  	s27 =	simm.s32 $execute0_lowered;
	[smem:$0x3FD2] =	sst s26  }
0x1e: {  	s5 =	sshll.u32 s27, $0x1;
	_ =	strace $0x80000049;
	[dreg:$0x1] =	wrdreg $0xFFFFFFFF  }
0x1f: {  	s28 =	simm.s32 $_size_execute0_lowered;
	s3 =	sadd.s32 s3, s5;
	[dreg:$0x0] =	wrdreg $0x0  }
0x20: {  	s5 =	sshll.u32 s28, $0x1;
	[dreg:$0x2] =	wrdreg s3  }
0x21: {  	[dreg:$0x3] =	wrdreg s5  }
0x22: {  	[dreg:$0x4] =	wrdreg $0xC0  }
0x23: {  	_ =	task [dreg:s7], $0x5FFFF  }
0x24: {  	[dreg:$0x1] =	wrdreg $0xFFFFFFFF  }
0x25: {  	[dreg:$0x0] =	wrdreg $0x60  }
0x26: {  	[dreg:$0x2] =	wrdreg s25  }
0x27: {  	[dreg:$0x3] =	wrdreg s2  }
0x28: {  	[dreg:$0x4] =	wrdreg $0x9  }
0x29: {  	_ =	task.clear_ibuf [dreg:s7], $0x5FFFF;
	_ =	strace $0x90000049  }
0x2a: {  	s29 =	simm.s32 $0x9;
	_ =	strace $0x8000004B  }
0x2b: {  	_ =	swait.ge [sflag:s29], $0x1  }
0x2c: {  	[sflag:s29] =	ssyncadd.s32 $0xFFFFFFFF  }
0x2d: {  	_ =	strace $0x9000004B  }
0x2e: {  	_ =	sfence  }
0x2f: {  	s30 =	sld [smem:$0x0];
	_ =	sdelay $0x2  }
0x30: {  	s31 =	sshll.u32 s1, $0xD;
	s1 =	sshrl.u32 s1, $0x2  }
0x31: {  	s3 =	sand.u32 $0x4000, s31;
	s1 =	sadd.s32 s1, s30  }
0x32: {  	s0 =	sor.u32 s3, s0;
	s1 =	sshll.u32 s1, $0x11  }
0x33: {  	s0 =	sor.u32 s1, s0  }
0x34: {  	s0 =	sadd.s32 $0x8F2B, s0  }
0x35: {  	[sflag:s0] =	ssyncadd.remote.s32 $0x1  }
0x36: {  	_ =	sfence.sel $0xFFFF  }
0x37: {  	[dreg:$0x0] =	wrdreg $0xFFFFFFFF;
	(pc) =	sbr.abs _section_cstart, $3  }
0x38: {  	[dreg:$0x1] =	wrdreg $0xFFFFFFFF  }
0x39: {  	_ =	task.clear_ibuf [dreg:s7], $0x2FFFF;
	_ =	strace $0x9FFFFFFF  }
0x3a: {  	(tm) =	ssettm $0x7FFFFFFF  }
0x3b: {  	_ =	shalt  }
tec
execute0_lowered:
.L_overlay_start_1:
0x0: {  	(tag) =	ssettag $0x1  }
0x1: {  	s0 =	srdreg.scid  }
0x2: {  	s5 =	rddreg [dreg:$0x0];
	s1 =	sshll.u32 s0, $0x4  }
0x3: {  	s2 =	rddreg [dreg:$0x1];
	s0 =	stileid.u32;
	s1 =	sand.u32 $0x10, s1  }
0x4: {  	s4 =	simm.s32 $0x1;
	s8 =	simm.s32 $0x2;
	s1 =	sor.u32 s0, s1  }
0x5: {  	s12 =	simm.s32 $0x0;
	s9 =	simm.s32 $0x0;
	s3 =	sshll.u32 s1, $0x7  }
0x6: {  	s11 =	simm.s32 $0x0;
	s5 =	sadd.s32 $0xC00, s5;
	s6 =	ssub.s32 $0x80000, s3  }
.Ltmp0:
0x7: {  	s1 =	rddreg [dreg:$0x2];
	s7 =	sand.u32 $0xF80, s6;
	(pc) =	sbr.rel .LBB1_1-.Ltmp0, $4  }
0x8: {  	_ =	strace $0x8000004A;
	p0 =	sne.s32 s7, $0x0;
	s7 =	simm.s32 $0x1  }
0x9: {  	[sflag:s4] =	ssyncpa.u1 $0x0;
	s6 =	sshrl.u32 s6, $0xC;
	s7 =	simm.s32 @!p0 $0x0  }
0xa: {  	s10 =	smov.u32 s3;
	[sflag:s8] =	ssyncpa.u1 $0x0;
	s6 =	sadd.s32 s7, s6  }
0xb: {  	s8 =	simm.s32 $0x400000;
	p0 =	por $0x0, $0x0;
	s7 =	sadd.s32 $0x1, s6  }
.LBB1_4:
0xc: {  	v5 =	vld [tilespmem:s14+$0xFFFFFFD0];
	[tilespmem:s16+$0x2040 ss:$0x81] =	vst.msk $0xffff, v2  }
0xd: {  	v58 =	vld [tilespmem:s14+$0xFFFFFFE0];
	[tilespmem:s16+$0x2850 ss:$0x81] =	vst.msk $0xffff, v4  }
0xe: {  	s17 =	sshra.s32 s17, $0x2;
	s18 =	sshll.u32 s9, $0x3;
	v59 =	vld [tilespmem:s14+$0xFFFFFFF0];
	[tilespmem:s16+$0x3060 ss:$0x81] =	vst.msk $0xffff, v3;
	p1 =	sgt.s32 s9, $0x7FF80  }
0xf: {  	v60 =	vld [tilespmem:s14+$0x0];
	[tilespmem:s16+$0x0 ss:$0x81] =	vst.msk $0xffff, v1;
	s19 =	smov.u32 s9;
	s15 =	sadd.s32 s17, s15;
	s27 =	sshrl.u32 s18, $0x13  }
0x10: {  	s20 =	sshra.s32 s9, $0x1F;
	v61 =	vld [tilespmem:s14+$0x10];
	s29 =	sand.u32 $0x78, s9;
	s28 =	smul.u32 $0xE39, s27;
	[tilespmem:s15+$0x3870 ss:$0x81] =	vst.msk $0xffff, v0  }
0x11: {  	v62 =	vld [tilespmem:s14+$0x20];
	s30 =	sand.u32 $0x7, s9;
	s19 =	simm.s32 @!p1 $0x7FF80;
	s20 =	sand.u32 s20, s9;
	[tilespmem:s15+$0x810 ss:$0x81] =	vst.msk $0xffff, v5  }
0x12: {  	v63 =	vld [tilespmem:s14+$0xFFFFFFC0];
	s18 =	sand.u32 $0x7FC00, s18;
	s19 =	ssub.s32 s19, s20;
	s16 =	sshrl.u32 s28, $0x12;
	[tilespmem:s15+$0x1020 ss:$0x81] =	vst.msk $0xffff, v58  }
0x13: {  	s14 =	sor.u32 s29, s18;
	s20 =	ssub.s32 $0x80000, s19;
	s16 =	smul.u32 $0x48, s16;
	[tilespmem:s15+$0x1830 ss:$0x81] =	vst.msk $0xffff, v59  }
0x14: {  	s18 =	sshll.u32 s30, $0x12;
	s19 =	sadd.s32 $0xFFF80080, s19;
	s20 =	smul.u32 $0x120, s20;
	[tilespmem:s15+$0x2040 ss:$0x81] =	vst.msk $0xffff, v60  }
0x15: {  	s14 =	sshrl.u32 s14, $0x3;
	p1 =	sgt.s32 s19, $0x7F;
	[tilespmem:s15+$0x2850 ss:$0x81] =	vst.msk $0xffff, v61;
	s16 =	ssub.s32 s27, s16  }
0x16: {  	s14 =	sadd.s32 s2, s14;
	[tilespmem:s15+$0x3060 ss:$0x81] =	vst.msk $0xffff, v62;
	s17 =	sshrl.u32 s20, $0x2;
	s16 =	sshll.u32 s16, $0x10  }
0x17: {  	s31 =	sor.u32 $0x400, s18;
	[tilespmem:s15+$0x0 ss:$0x81] =	vst.msk $0xffff, v63;
	s17 =	simm.s32 @p1 $0x0;
	s14 =	sadd.s32 s16, s14  }
0x18: {  	[hbm4b:s14+s31] =	stream.strided.scatter [tilespmem:s13], [sflag:$0x2], s17, s8, s31, $0x20;
	[tilespmem:$0x10100] =	vst v63  }
.LBB1_5:
0x19: {  	p1 =	slt.u32 s11, $0x2  }
0x1a: {  	p2 =	sgt.s32 @!p1 s12, $0x7FF80  }
0x1b: {  	s13 =	smov.u32 s12;
	s14 =	sshra.s32 @!p1 s12, $0x1F;
	p2 =	por !p2, p1  }
0x1c: {  	s12 =	sand.u32 @!p1 s14, s12;
	s13 =	simm.s32 @p2 $0x7FF80  }
0x1d: {  	s12 =	ssub.s32 @!p1 s13, s12  }
0x1e: {  	s13 =	ssub.s32 @!p1 $0x80000, s12  }
0x1f: {  	s12 =	sadd.s32 @!p1 $0xFFF80080, s12;
	s13 =	smul.u32 @!p1 $0x120, s13  }
0x20: {  	p2 =	sgt.s32 @!p1 s12, $0x7F  }
0x21: {  	s14 =	sadd.s32 $0x1000, s10;
	p2 =	por !p2, p1;
	s12 =	sshrl.u32 @!p1 s13, $0x2  }
0x22: {  	s12 =	simm.s32 @!p2 $0x0;
	p2 =	sgt.s32 s14, $0x7FFFF  }
0x23: {  	s14 =	smov.u32 @p2 s3;
	p2 =	sne.s32 s11, s7  }
.Ltmp1:
0x24: {  	_ = 	snop;
	(pc) =	sbr.rel @!p2 .LBB1_6-.Ltmp1, $4  }
0x25: {  	s13 =	simm.s32 @!p1 $0x2  }
0x26: {  	p0 =	por !p0, !p0;
	_ =	swait.ge @!p1 [sflag:s13], s12;
	s15 =	ssub.s32 @!p1 $0x0, s12  }
0x27: {  	s12 =	smov.u32 s9;
	s11 =	sadd.s32 $0x1, s11;
	[sflag:s13] =	ssyncset.done @!p1 $0x0  }
0x28: {  	s9 =	smov.u32 s10;
	s10 =	smov.u32 s14;
	[sflag:s13] =	ssyncadd.s32 @!p1 s15  }
.LBB1_1:
0x29: {  	p1 =	sge.u32 s11, s6  }
0x2a: {  	s13 =	sxor.u32 @!p1 $0xFFFFFFFF, s11;
	s14 =	sshll.u32 @!p1 s10, $0x4  }
0x2b: {  	s31 =	sadd.s32 $0xFFFFFFFF, s11;
	s13 =	sshll.u32 @!p1 s13, $0xE;
	s14 =	sand.u32 @!p1 $0x7FFFF0, s14  }
0x2c: {  	s15 =	simm.s32 @!p1 $0x0;
	s13 =	sand.u32 @!p1 $0x4000, s13;
	s14 =	sadd.s32 @!p1 s5, s14  }
0x2d: {  	[tilespmem:s13], [sflag:$0x1] =	stream.linear.gather @!p1 [hbm4b:s14+s15], $0x4000, $0x38;
	[tilespmem:$0x10100] =	vst v63  }
0x2e: {  	p1 =	sge.u32 s31, s6  }
.Ltmp2:
0x2f: {  	_ = 	snop;
	(pc) =	sbr.rel @p1 .LBB1_5-.Ltmp2, $1  }
0x30: {  	_ =	sdelay $0x3  }
0x31: {  	s13 =	simm.s32 $0x1  }
0x32: {  	_ =	swait.ge [sflag:s4], $0x4000;
	s13 =	simm.s32 @!p0 $0x0  }
0x33: {  	[sflag:s4] =	ssyncset.done $0x0;
	s14 =	sshll.u32 s13, $0xE  }
0x34: {  	[sflag:s4] =	ssyncadd.s32 $0xFFFFC000;
	s14 =	sor.u32 $0x40, s14  }
0x35: {  	s13 =	smul.u32 $0x10200, s13;
	v0 =	vld [tilespmem:s14+$0x30]  }
0x36: {  	v1 =	vld [tilespmem:s14+$0xFFFFFFD0]  }
0x37: {  	s13 =	sshrl.u32 s13, $0x2;
	v5 =	vld [tilespmem:s14+$0xFFFFFFE0]  }
0x38: {  	v6 =	vld [tilespmem:s14+$0xFFFFFFF0];
	s15 =	sor.u32 $0x8000, s13  }
0x39: {  	s31 =	sand.u32 $0x1, s11;
	v2 =	vld [tilespmem:s14+$0x0];
	s16 =	sadd.s32 $0x0, s15  }
0x3a: {  	v4 =	vld [tilespmem:s14+$0x10];
	s13 =	smul.u32 $0x10200, s31;
	[tilespmem:s16+$0x3870 ss:$0x81] =	vst.msk $0xffff, v0  }
0x3b: {  	v3 =	vld [tilespmem:s14+$0x20];
	[tilespmem:s16+$0x810 ss:$0x81] =	vst.msk $0xffff, v1  }
0x3c: {  	s13 =	sshrl.u32 s13, $0x2;
	v1 =	vld [tilespmem:s14+$0xFFFFFFC0];
	[tilespmem:s16+$0x1020 ss:$0x81] =	vst.msk $0xffff, v5;
	s14 =	sadd.s32 $0x80, s14  }
0x3d: {  	s17 =	simm.s32 $0x4;
	s18 =	simm.s32 $0x8;
	s13 =	sor.u32 $0x8000, s13;
	[tilespmem:s16+$0x1830 ss:$0x81] =	vst.msk $0xffff, v6;
	v0 =	vld [tilespmem:s14+$0x30]  }
.LBB1_3:
0x3e: {  	p1 =	sne.s32 s18, $0x1FC;
	v5 =	vld [tilespmem:s14+$0xFFFFFFD0];
	[tilespmem:s16+$0x2040 ss:$0x81] =	vst.msk $0xffff, v2  }
0x3f: {  	v6 =	vld [tilespmem:s14+$0xFFFFFFE0];
	[tilespmem:s16+$0x2850 ss:$0x81] =	vst.msk $0xffff, v4  }
0x40: {  	s19 =	sshra.s32 s17, $0x2;
	s17 =	smov.u32 s18;
	v7 =	vld [tilespmem:s14+$0xFFFFFFF0];
	[tilespmem:s16+$0x3060 ss:$0x81] =	vst.msk $0xffff, v3  }
.Ltmp3:
0x41: {  	v2 =	vld [tilespmem:s14+$0x0];
	[tilespmem:s16+$0x0 ss:$0x81] =	vst.msk $0xffff, v1;
	s16 =	sadd.s32 s19, s15;
	(pc) =	sbr.rel @p1 .LBB1_3-.Ltmp3, $4  }
0x42: {  	v4 =	vld [tilespmem:s14+$0x10];
	[tilespmem:s16+$0x3870 ss:$0x81] =	vst.msk $0xffff, v0  }
0x43: {  	[tilespmem:s16+$0x810 ss:$0x81] =	vst.msk $0xffff, v5;
	v3 =	vld [tilespmem:s14+$0x20]  }
0x44: {  	v1 =	vld [tilespmem:s14+$0xFFFFFFC0];
	[tilespmem:s16+$0x1020 ss:$0x81] =	vst.msk $0xffff, v6;
	s14 =	sadd.s32 $0x80, s14  }
0x45: {  	s18 =	sadd.s32 $0x4, s18;
	v0 =	vld [tilespmem:s14+$0x30];
	[tilespmem:s16+$0x1830 ss:$0x81] =	vst.msk $0xffff, v7  }
.Ltmp4:
0x46: {  	_ = 	snop;
	(pc) =	sbr.rel .LBB1_4-.Ltmp4, $1  }
0x47: {  	_ =	sdelay $0x3  }
.LBB1_6:
0x48: {  	_ =	sfence.sel $0x180000  }
0x49: {  	s2 =	simm.s32 $0x1;
	[bflag:$0x0] =	sbarrier.arrive $0xFFFF  }
0x4a: {  	s31 =	simm.s32 $0x2;
	[sflag:s2] =	ssyncpa.u1 $0x1  }
0x4b: {  	[sflag:s31] =	ssyncpa.u1 $0x1  }
0x4c: {  	p0 =	sne.s32 s0, $0x0;
	_ =	strace $0x9000004A  }
0x4d: {  	s0 =	sadd.s32 @!p0 $0x100000, s1;
	[bflag:$0x2] =	sbarrier.arrive $0xFFFF  }
0x4e: {  	[sflag:s0] =	ssyncadd.tile.s32 @!p0 $0x1;
	_ =	shalt  }
.Lfunc_end1:
_tile_overlayer_lowered:
.L_overlay_start_2:
0x4f: {  	(tag) =	ssettag $0x2  }
0x50: {  	s0 =	rddreg [dreg:$0x0];
	s2 =	stileid.u32  }
0x51: {  	s1 =	rddreg [dreg:$0x1];
	p0 =	sne.s32 s2, $0x0  }
0x52: {  	s3 =	rddreg [dreg:$0x2];
	[bflag:$0x3] =	sbarrier.arrive $0xFFFF;
	s2 =	simm.s32 @!p0 $0x1C01  }
0x53: {  	[timem:s3], [sflag:s2] =	dma.local @!p0 [hbm:s0], s1  }
0x54: {  	s0 =	simm.s32 @!p0 $0x1  }
0x55: {  	_ =	swait.ge @!p0 [sflag:s0], s1  }
0x56: {  	s1 =	ssub.s32 @!p0 $0x0, s1;
	[sflag:s0] =	ssyncset.done @!p0 $0x0  }
0x57: {  	[sflag:s0] =	ssyncadd.s32 @!p0 s1  }
0x58: {  	[bflag:$0x3] =	sbarrier.arrive $0xFFFF  }
0x59: {  	_ =	shalt  }

</sc_bundles>
